<compile_context>
chip_gen: v7x
topology: tpu7x:2x2x1
jax: 0.10.2.dev20260603
libtpu: 0.0.44.dev20260713+nightly
codegen_flags: <defaults>
</compile_context>

<pallas_src>
import functools

import jax
import jax.numpy as jnp
from jax import lax
from jax.experimental import pallas as pl
from jax.experimental.pallas import tpu as pltpu
from jax.experimental.pallas import tpu_sc as plsc

_N = 10000
_E = 160000
_LANE = 128
_CHUNK = 80
_EROWS = _E // _CHUNK
_TROWS = _EROWS // 16
_NPAD = 10240
_NROWS = _NPAD // 16
_BM = 400
_GRID = _N // _BM
_CNTW = 128


def _sc_mesh():
    return plsc.VectorSubcoreMesh(core_axis_name="c", subcore_axis_name="s",
                                  num_cores=2, num_subcores=16)


@functools.cache
def _sc_agg(P):
    half = P // 2

    def body(*refs):
        xs = refs[:P]
        src_r, dst_r, zero_r = refs[P:P + 3]
        outs = refs[P + 3:2 * P + 3]
        idx_s, idx_d, rows, acc = refs[2 * P + 3:]
        c = lax.axis_index("c")
        s = lax.axis_index("s")
        pltpu.sync_copy(src_r.at[s], idx_s)
        pltpu.sync_copy(dst_r.at[s], idx_d)
        for p in range(P):
            @pl.when(c == (p // half))
            def _(p=p):
                pltpu.sync_copy(zero_r, acc.at[pl.ds(s * _NROWS, _NROWS)])
                plsc.subcore_barrier()

                @pl.loop(0, _TROWS)
                def _(i):
                    pltpu.sync_copy(xs[p].at[idx_s.at[i]], rows)
                    pltpu.sync_copy(rows, acc.at[idx_d.at[i]], add=True)

                plsc.subcore_barrier()
                pltpu.sync_copy(acc.at[pl.ds(s * _NROWS, _NROWS)],
                                outs[p].at[pl.ds(s * _NROWS, _NROWS)])

    out_type = tuple(jax.ShapeDtypeStruct((_NPAD, _LANE), jnp.float32)
                     for _ in range(P))
    return pl.kernel(
        body,
        out_type=out_type,
        mesh=_sc_mesh(),
        scratch_types=[
            pltpu.VMEM((_TROWS, _CHUNK), jnp.int32),
            pltpu.VMEM((_TROWS, _CHUNK), jnp.int32),
            pltpu.VMEM((_CHUNK, _LANE), jnp.float32),
            pltpu.VMEM_SHARED((_NPAD, _LANE), jnp.float32),
        ],
    )


@functools.cache
def _sc_cnt():

    def body(dst_r, zero_r, one_r, out_r, idx_d, ones_v, acc):
        c = lax.axis_index("c")
        s = lax.axis_index("s")

        @pl.when(c == 0)
        def _():
            pltpu.sync_copy(dst_r.at[s], idx_d)
            pltpu.sync_copy(one_r, ones_v)
            pltpu.sync_copy(zero_r, acc.at[pl.ds(s * _NROWS, _NROWS)])
            plsc.subcore_barrier()

            @pl.loop(0, _TROWS)
            def _(i):
                pltpu.sync_copy(ones_v, acc.at[idx_d.at[i]], add=True)

            plsc.subcore_barrier()
            pltpu.sync_copy(acc.at[pl.ds(s * _NROWS, _NROWS)],
                            out_r.at[pl.ds(s * _NROWS, _NROWS)])

    return pl.kernel(
        body,
        out_type=jax.ShapeDtypeStruct((_NPAD, _CNTW), jnp.float32),
        mesh=_sc_mesh(),
        scratch_types=[
            pltpu.VMEM((_TROWS, _CHUNK), jnp.int32),
            pltpu.VMEM((_CHUNK, _CNTW), jnp.float32),
            pltpu.VMEM_SHARED((_NPAD, _CNTW), jnp.float32),
        ],
    )


@functools.cache
def _t1(Din, Dout):
    P = Din // _LANE

    def body(*refs):
        aggs = refs[:P]
        hs = refs[P:2 * P]
        cnt_ref, wl_ref, wr_ref, bl_ref, y_ref, ssum_ref, ssq_ref = refs[2 * P:]
        inv = 1.0 / jnp.maximum(cnt_ref[...], 1.0)
        acc = jnp.zeros((_BM, Dout), jnp.float32)
        for p in range(P):
            sl = slice(p * _LANE, (p + 1) * _LANE)
            acc += jnp.dot(aggs[p][...] * inv, wl_ref[sl, :],
                           preferred_element_type=jnp.float32)
            acc += jnp.dot(hs[p][...], wr_ref[sl, :],
                           preferred_element_type=jnp.float32)
        y = acc + bl_ref[...]
        y_ref[...] = y

        @pl.when(pl.program_id(0) == 0)
        def _():
            ssum_ref[...] = jnp.zeros_like(ssum_ref)
            ssq_ref[...] = jnp.zeros_like(ssq_ref)

        ssum_ref[...] += jnp.sum(y, axis=0, keepdims=True)
        ssq_ref[...] += jnp.sum(y * y, axis=0, keepdims=True)

    slab = pl.BlockSpec((_BM, _LANE), lambda i: (i, 0))
    in_specs = (
        [slab] * P + [slab] * P +
        [pl.BlockSpec((_BM, 1), lambda i: (i, 0)),
         pl.BlockSpec((Din, Dout), lambda i: (0, 0)),
         pl.BlockSpec((Din, Dout), lambda i: (0, 0)),
         pl.BlockSpec((1, Dout), lambda i: (0, 0))]
    )
    out_specs = (
        pl.BlockSpec((_BM, Dout), lambda i: (i, 0)),
        pl.BlockSpec((1, Dout), lambda i: (0, 0)),
        pl.BlockSpec((1, Dout), lambda i: (0, 0)),
    )
    out_shape = (
        jax.ShapeDtypeStruct((_N, Dout), jnp.float32),
        jax.ShapeDtypeStruct((1, Dout), jnp.float32),
        jax.ShapeDtypeStruct((1, Dout), jnp.float32),
    )
    return pl.pallas_call(body, grid=(_GRID,), in_specs=in_specs,
                          out_specs=out_specs, out_shape=out_shape)


@functools.cache
def _t2(Dout, final):
    P = Dout // _LANE

    def body(y_ref, ssum_ref, ssq_ref, g_ref, bt_ref, *outs):
        nrec = 1.0 / _N
        mu = ssum_ref[...] * nrec
        var = ssq_ref[...] * nrec - mu * mu
        scale = lax.rsqrt(var + 1e-5) * g_ref[...]
        r = jnp.maximum((y_ref[...] - mu) * scale + bt_ref[...], 0.0)
        if final:
            outs[0][...] = r
        else:
            for p in range(P):
                outs[p][...] = r[:, p * _LANE:(p + 1) * _LANE]

    in_specs = [
        pl.BlockSpec((_BM, Dout), lambda i: (i, 0)),
        pl.BlockSpec((1, Dout), lambda i: (0, 0)),
        pl.BlockSpec((1, Dout), lambda i: (0, 0)),
        pl.BlockSpec((1, Dout), lambda i: (0, 0)),
        pl.BlockSpec((1, Dout), lambda i: (0, 0)),
    ]
    if final:
        out_specs = pl.BlockSpec((_BM, Dout), lambda i: (i, 0))
        out_shape = jax.ShapeDtypeStruct((_N, Dout), jnp.float32)
    else:
        out_specs = tuple(pl.BlockSpec((_BM, _LANE), lambda i: (i, 0))
                          for _ in range(P))
        out_shape = tuple(jax.ShapeDtypeStruct((_N, _LANE), jnp.float32)
                          for _ in range(P))
    return pl.pallas_call(body, grid=(_GRID,), in_specs=in_specs,
                          out_specs=out_specs, out_shape=out_shape)


def kernel(x, edge_index, W1l, b1l, W1r, g1, bt1, W2l, b2l, W2r, g2, bt2,
           W3l, b3l, W3r, g3, bt3, W4l, b4l, W4r, g4, bt4):
    src2d = edge_index[0].reshape(16, _TROWS, _CHUNK)
    dst2d = edge_index[1].reshape(16, _TROWS, _CHUNK)
    zeros = jnp.zeros((_NROWS, _LANE), jnp.float32)
    zeros_c = jnp.zeros((_NROWS, _CNTW), jnp.float32)
    ones_c = jnp.ones((_CHUNK, _CNTW), jnp.float32)

    cnt16 = _sc_cnt()(dst2d, zeros_c, ones_c)
    cnt = cnt16[:, 0:1]

    h = [x[:, p * _LANE:(p + 1) * _LANE] for p in range(x.shape[1] // _LANE)]
    layers = [
        (W1l, b1l, W1r, g1, bt1),
        (W2l, b2l, W2r, g2, bt2),
        (W3l, b3l, W3r, g3, bt3),
        (W4l, b4l, W4r, g4, bt4),
    ]
    for li, (Wl, bl, Wr, g, bt) in enumerate(layers):
        Din, Dout = Wl.shape
        P = Din // _LANE
        aggs = _sc_agg(P)(*h, src2d, dst2d, zeros)
        y, ssum, ssq = _t1(Din, Dout)(*aggs, *h, cnt, Wl, Wr,
                                      bl.reshape(1, Dout))
        final = li == len(layers) - 1
        out = _t2(Dout, final)(y, ssum, ssq, g.reshape(1, Dout),
                               bt.reshape(1, Dout))
        h = [out] if final else list(out)
    return h[0]

# --- scband reference (transcript-rebuilt; emitter-appended) ---
"""Pipeline reference for scband-gcnencoder-44985487458622 (READ-ONLY COPY).

The authoritative reference and input builder live on the scoring server;
editing this copy changes nothing except your own understanding.
"""

import jax, jax.numpy as jnp
import numpy as np

N = 10000
E = 160000
D_IN = 256
D_OUT = 256


def _sage(x, src, dst, Wl, bl, Wr):
    # PyG SAGEConv with mean aggregation: out = lin_l(mean_agg(x_src -> dst)) + lin_r(x)
    msg = jnp.take(x, src, axis=0)
    agg = jax.ops.segment_sum(msg, dst, num_segments=x.shape[0])
    cnt = jax.ops.segment_sum(jnp.ones((src.shape[0],), x.dtype), dst, num_segments=x.shape[0])
    mean = agg / jnp.clip(cnt, 1.0)[:, None]
    return mean @ Wl + bl + x @ Wr


def _bn(x, g, b, eps=1e-5):
    # BatchNorm1d forward with batch statistics (training-mode math, deterministic)
    mu = jnp.mean(x, axis=0)
    var = jnp.var(x, axis=0)
    return (x - mu) * jax.lax.rsqrt(var + eps) * g + b


def setup_inputs(seed: int = 0) -> dict:
    key = jax.random.key(seed)
    ks = jax.random.split(key, 16)
    x = jax.random.normal(ks[0], (N, D_IN), dtype=jnp.float32)
    edge_index = jax.random.randint(ks[1], (2, E), 0, N, dtype=jnp.int32)
    dims = [(D_IN, 2 * D_OUT), (2 * D_OUT, D_OUT), (D_OUT, D_OUT), (D_OUT, D_OUT)]
    inp = {"x": x, "edge_index": edge_index}
    k = 2
    for i, (fi, fo) in enumerate(dims, start=1):
        inp[f"W{i}l"] = jax.random.normal(ks[k], (fi, fo), dtype=jnp.float32) / np.sqrt(fi)
        k += 1
        inp[f"b{i}l"] = jnp.zeros((fo,), dtype=jnp.float32)
        inp[f"W{i}r"] = jax.random.normal(ks[k], (fi, fo), dtype=jnp.float32) / np.sqrt(fi)
        k += 1
        inp[f"g{i}"] = jnp.ones((fo,), dtype=jnp.float32)
        inp[f"bt{i}"] = jnp.zeros((fo,), dtype=jnp.float32)
    return inp


def reference(x, edge_index, W1l, b1l, W1r, g1, bt1, W2l, b2l, W2r, g2, bt2,
              W3l, b3l, W3r, g3, bt3, W4l, b4l, W4r, g4, bt4):
    src, dst = edge_index[0], edge_index[1]
    h = _sage(x, src, dst, W1l, b1l, W1r)
    h = jax.nn.relu(_bn(h, g1, bt1))  # dropout = identity (eval mode)
    h = _sage(h, src, dst, W2l, b2l, W2r)
    h = jax.nn.relu(_bn(h, g2, bt2))
    h = _sage(h, src, dst, W3l, b3l, W3r)
    h = jax.nn.relu(_bn(h, g3, bt3))
    h = _sage(h, src, dst, W4l, b4l, W4r)
    h = jax.nn.relu(_bn(h, g4, bt4))
    return h

if __name__ == "__main__":
    import jax
    _d = setup_inputs()
    print(jax.jit(kernel)(*tuple(_d.values())))

</pallas_src>

<mosaic_0001>
#map = affine_map<(d0, d1) -> (0, 0)>
#map1 = affine_map<(d0, d1) -> (0, 0, 0)>
module attributes {stable_mosaic.version = 14 : i64} {
  func.func @body(%arg0: i32, %arg1: i32, %arg2: memref<10000x128xf32, #tpu.memory_space<hbm>>, %arg3: memref<10000x128xf32, #tpu.memory_space<hbm>>, %arg4: memref<10000x128xf32, #tpu.memory_space<hbm>>, %arg5: memref<10000x128xf32, #tpu.memory_space<hbm>>, %arg6: memref<16x125x80xi32, #tpu.memory_space<hbm>>, %arg7: memref<16x125x80xi32, #tpu.memory_space<hbm>>, %arg8: memref<640x128xf32, #tpu.memory_space<hbm>>, %arg9: memref<10240x128xf32, #tpu.memory_space<hbm>>, %arg10: memref<10240x128xf32, #tpu.memory_space<hbm>>, %arg11: memref<10240x128xf32, #tpu.memory_space<hbm>>, %arg12: memref<10240x128xf32, #tpu.memory_space<hbm>>, %arg13: memref<125x80xi32, #tpu.memory_space<vmem>>, %arg14: memref<125x80xi32, #tpu.memory_space<vmem>>, %arg15: memref<80x128xf32, #tpu.memory_space<vmem>>, %arg16: memref<10240x128xf32, #tpu.memory_space<vmem_shared>>) attributes {dimension_semantics = [#tpu.dimension_semantics<core_parallel>, #tpu.dimension_semantics<subcore_parallel>], iteration_bounds = array<i64: 2, 16>, scalar_prefetch = 0 : i64, scratch_operands = 4 : i64, tpu.core_type = #tpu.core_type<sc_vector_subcore>, window_params = [{transform_indices = #map}, {transform_indices = #map}, {transform_indices = #map}, {transform_indices = #map}, {transform_indices = #map1}, {transform_indices = #map1}, {transform_indices = #map}, {transform_indices = #map}, {transform_indices = #map}, {transform_indices = #map}, {transform_indices = #map}]} {
    "tpu.region"() ({
      %run_scoped3A = tpu.sem_alloc : memref<!tpu.dma_semaphore, #tpu.memory_space<semaphore_mem>>
      %dma_start3A = arith.constant 0 : i32
      %dma_start3A_17 = arith.constant 0 : i32
      %dma_start3A_18 = tpu.memref_slice %arg6[%arg1, %dma_start3A, %dma_start3A_17] : memref<16x125x80xi32, #tpu.memory_space<hbm>> -> memref<1x125x80xi32, #tpu.memory_space<hbm>>
      %dma_start3A_19 = tpu.memref_squeeze %dma_start3A_18 : memref<1x125x80xi32, #tpu.memory_space<hbm>> -> memref<125x80xi32, #tpu.memory_space<hbm>>
      %dma_start3A_20 = arith.constant 0 : i32
      %dma_start3A_21 = arith.constant 0 : i32
      %dma_start3A_22 = tpu.memref_slice %arg6[%arg1, %dma_start3A_20, %dma_start3A_21] : memref<16x125x80xi32, #tpu.memory_space<hbm>> -> memref<1x125x80xi32, #tpu.memory_space<hbm>>
      %dma_start3A_23 = tpu.memref_squeeze %dma_start3A_22 : memref<1x125x80xi32, #tpu.memory_space<hbm>> -> memref<125x80xi32, #tpu.memory_space<hbm>>
      tpu.enqueue_dma source(%dma_start3A_23 : memref<125x80xi32, #tpu.memory_space<hbm>>) target(%arg13 : memref<125x80xi32, #tpu.memory_space<vmem>>) target_semaphore(%run_scoped3A : memref<!tpu.dma_semaphore, #tpu.memory_space<semaphore_mem>>)
      %dma_wait3A = arith.constant 0 : i32
      %dma_wait3A_24 = arith.constant 0 : i32
      %dma_wait3A_25 = tpu.memref_slice %arg6[%arg1, %dma_wait3A, %dma_wait3A_24] : memref<16x125x80xi32, #tpu.memory_space<hbm>> -> memref<1x125x80xi32, #tpu.memory_space<hbm>>
      %dma_wait3A_26 = tpu.memref_squeeze %dma_wait3A_25 : memref<1x125x80xi32, #tpu.memory_space<hbm>> -> memref<125x80xi32, #tpu.memory_space<hbm>>
      %dma_wait3A_27 = arith.constant 0 : i32
      %dma_wait3A_28 = arith.constant 0 : i32
      %dma_wait3A_29 = tpu.memref_slice %arg6[%arg1, %dma_wait3A_27, %dma_wait3A_28] : memref<16x125x80xi32, #tpu.memory_space<hbm>> -> memref<1x125x80xi32, #tpu.memory_space<hbm>>
      %dma_wait3A_30 = tpu.memref_squeeze %dma_wait3A_29 : memref<1x125x80xi32, #tpu.memory_space<hbm>> -> memref<125x80xi32, #tpu.memory_space<hbm>>
      tpu.wait_dma2 semaphore(%run_scoped3A : memref<!tpu.dma_semaphore, #tpu.memory_space<semaphore_mem>>) src(%dma_wait3A_30 : memref<125x80xi32, #tpu.memory_space<hbm>>) dst(%arg13 : memref<125x80xi32, #tpu.memory_space<vmem>>)
      tpu.yield
    }) : () -> ()
    "tpu.region"() ({
      %run_scoped3A = tpu.sem_alloc : memref<!tpu.dma_semaphore, #tpu.memory_space<semaphore_mem>>
      %dma_start3A = arith.constant 0 : i32
      %dma_start3A_17 = arith.constant 0 : i32
      %dma_start3A_18 = tpu.memref_slice %arg7[%arg1, %dma_start3A, %dma_start3A_17] : memref<16x125x80xi32, #tpu.memory_space<hbm>> -> memref<1x125x80xi32, #tpu.memory_space<hbm>>
      %dma_start3A_19 = tpu.memref_squeeze %dma_start3A_18 : memref<1x125x80xi32, #tpu.memory_space<hbm>> -> memref<125x80xi32, #tpu.memory_space<hbm>>
      %dma_start3A_20 = arith.constant 0 : i32
      %dma_start3A_21 = arith.constant 0 : i32
      %dma_start3A_22 = tpu.memref_slice %arg7[%arg1, %dma_start3A_20, %dma_start3A_21] : memref<16x125x80xi32, #tpu.memory_space<hbm>> -> memref<1x125x80xi32, #tpu.memory_space<hbm>>
      %dma_start3A_23 = tpu.memref_squeeze %dma_start3A_22 : memref<1x125x80xi32, #tpu.memory_space<hbm>> -> memref<125x80xi32, #tpu.memory_space<hbm>>
      tpu.enqueue_dma source(%dma_start3A_23 : memref<125x80xi32, #tpu.memory_space<hbm>>) target(%arg14 : memref<125x80xi32, #tpu.memory_space<vmem>>) target_semaphore(%run_scoped3A : memref<!tpu.dma_semaphore, #tpu.memory_space<semaphore_mem>>)
      %dma_wait3A = arith.constant 0 : i32
      %dma_wait3A_24 = arith.constant 0 : i32
      %dma_wait3A_25 = tpu.memref_slice %arg7[%arg1, %dma_wait3A, %dma_wait3A_24] : memref<16x125x80xi32, #tpu.memory_space<hbm>> -> memref<1x125x80xi32, #tpu.memory_space<hbm>>
      %dma_wait3A_26 = tpu.memref_squeeze %dma_wait3A_25 : memref<1x125x80xi32, #tpu.memory_space<hbm>> -> memref<125x80xi32, #tpu.memory_space<hbm>>
      %dma_wait3A_27 = arith.constant 0 : i32
      %dma_wait3A_28 = arith.constant 0 : i32
      %dma_wait3A_29 = tpu.memref_slice %arg7[%arg1, %dma_wait3A_27, %dma_wait3A_28] : memref<16x125x80xi32, #tpu.memory_space<hbm>> -> memref<1x125x80xi32, #tpu.memory_space<hbm>>
      %dma_wait3A_30 = tpu.memref_squeeze %dma_wait3A_29 : memref<1x125x80xi32, #tpu.memory_space<hbm>> -> memref<125x80xi32, #tpu.memory_space<hbm>>
      tpu.wait_dma2 semaphore(%run_scoped3A : memref<!tpu.dma_semaphore, #tpu.memory_space<semaphore_mem>>) src(%dma_wait3A_30 : memref<125x80xi32, #tpu.memory_space<hbm>>) dst(%arg14 : memref<125x80xi32, #tpu.memory_space<vmem>>)
      tpu.yield
    }) : () -> ()
    %eq3A = arith.constant 0 : i32
    %eq3A_0 = arith.cmpi eq, %arg0, %eq3A : i32
    %convert_element_type3A = arith.extui %eq3A_0 : i1 to i32
    %cond3A = arith.constant 0 : i32
    %cond3A_1 = arith.cmpi ne, %convert_element_type3A, %cond3A : i32
    scf.if %cond3A_1 {
      %mul3A = arith.constant 640 : i32
      %mul3A_17 = arith.muli %arg1, %mul3A : i32
      "tpu.region"() ({
        %run_scoped3A = tpu.sem_alloc : memref<!tpu.dma_semaphore, #tpu.memory_space<semaphore_mem>>
        %dma_start3A = arith.constant 0 : i32
        %dma_start3A_27 = tpu.memref_slice %arg16[%mul3A_17, %dma_start3A] : memref<10240x128xf32, #tpu.memory_space<vmem_shared>> -> memref<640x128xf32, #tpu.memory_space<vmem_shared>>
        tpu.enqueue_dma source(%arg8 : memref<640x128xf32, #tpu.memory_space<hbm>>) target(%dma_start3A_27 : memref<640x128xf32, #tpu.memory_space<vmem_shared>>) target_semaphore(%run_scoped3A : memref<!tpu.dma_semaphore, #tpu.memory_space<semaphore_mem>>)
        %dma_wait3A = arith.constant 0 : i32
        %dma_wait3A_28 = tpu.memref_slice %arg16[%mul3A_17, %dma_wait3A] : memref<10240x128xf32, #tpu.memory_space<vmem_shared>> -> memref<640x128xf32, #tpu.memory_space<vmem_shared>>
        tpu.wait_dma2 semaphore(%run_scoped3A : memref<!tpu.dma_semaphore, #tpu.memory_space<semaphore_mem>>) src(%arg8 : memref<640x128xf32, #tpu.memory_space<hbm>>) dst(%dma_wait3A_28 : memref<640x128xf32, #tpu.memory_space<vmem_shared>>)
        tpu.yield
      }) : () -> ()
      %barrier3A = arith.constant 0 : index
      tpu.barrier barrier_id(%barrier3A)
      %scan3A = arith.constant 0 : i32
      %scan3A_18 = arith.constant 125 : i32
      %scan3A_19 = arith.addi %scan3A, %scan3A_18 : i32
      %scan3A_20 = arith.constant 1 : i32
      scf.for %scan3A_27 = %scan3A to %scan3A_19 step %scan3A_20  : i32 {
        %mul3A_28 = arith.constant 1 : i32
        %mul3A_29 = arith.muli %scan3A_27, %mul3A_28 : i32
        %add3A = arith.constant 0 : i32
        %add3A_30 = arith.addi %add3A, %mul3A_29 : i32
        "tpu.region"() ({
          %run_scoped3A = tpu.sem_alloc : memref<!tpu.dma_semaphore, #tpu.memory_space<semaphore_mem>>
          %dma_start3A = arith.constant 0 : i32
          %dma_start3A_31 = tpu.memref_slice %arg13[%add3A_30, %dma_start3A] : memref<125x80xi32, #tpu.memory_space<vmem>> -> memref<1x80xi32, #tpu.memory_space<vmem>>
          %dma_start3A_32 = tpu.memref_squeeze %dma_start3A_31 : memref<1x80xi32, #tpu.memory_space<vmem>> -> memref<80xi32, #tpu.memory_space<vmem>>
          %dma_start3A_33 = arith.constant 0 : i32
          %dma_start3A_34 = arith.constant 0 : i32
          %dma_start3A_35 = tpu.memref_slice %arg2[%dma_start3A_33, %dma_start3A_34] : memref<10000x128xf32, #tpu.memory_space<hbm>> -> memref<10000x128xf32, #tpu.memory_space<hbm>>
          tpu.enqueue_indirect_dma source(%dma_start3A_35 : memref<10000x128xf32, #tpu.memory_space<hbm>>) target(%arg15 : memref<80x128xf32, #tpu.memory_space<vmem>>) offsets(%dma_start3A_32 : memref<80xi32, #tpu.memory_space<vmem>>) semaphore(%run_scoped3A : memref<!tpu.dma_semaphore, #tpu.memory_space<semaphore_mem>>)
          %dma_wait3A = arith.constant 0 : i32
          %dma_wait3A_36 = tpu.memref_slice %arg13[%add3A_30, %dma_wait3A] : memref<125x80xi32, #tpu.memory_space<vmem>> -> memref<1x80xi32, #tpu.memory_space<vmem>>
          %dma_wait3A_37 = tpu.memref_squeeze %dma_wait3A_36 : memref<1x80xi32, #tpu.memory_space<vmem>> -> memref<80xi32, #tpu.memory_space<vmem>>
          %dma_wait3A_38 = arith.constant 0 : i32
          %dma_wait3A_39 = arith.constant 0 : i32
          %dma_wait3A_40 = tpu.memref_slice %arg2[%dma_wait3A_38, %dma_wait3A_39] : memref<10000x128xf32, #tpu.memory_space<hbm>> -> memref<10000x128xf32, #tpu.memory_space<hbm>>
          tpu.wait_indirect_dma semaphore(%run_scoped3A : memref<!tpu.dma_semaphore, #tpu.memory_space<semaphore_mem>>) src(%dma_wait3A_40 : memref<10000x128xf32, #tpu.memory_space<hbm>>) dst(%arg15 : memref<80x128xf32, #tpu.memory_space<vmem>>)
          tpu.yield
        }) : () -> ()
        "tpu.region"() ({
          %run_scoped3A = tpu.sem_alloc : memref<!tpu.dma_semaphore, #tpu.memory_space<semaphore_mem>>
          %dma_start3A = arith.constant 0 : i32
          %dma_start3A_31 = tpu.memref_slice %arg14[%add3A_30, %dma_start3A] : memref<125x80xi32, #tpu.memory_space<vmem>> -> memref<1x80xi32, #tpu.memory_space<vmem>>
          %dma_start3A_32 = tpu.memref_squeeze %dma_start3A_31 : memref<1x80xi32, #tpu.memory_space<vmem>> -> memref<80xi32, #tpu.memory_space<vmem>>
          %dma_start3A_33 = arith.constant 0 : i32
          %dma_start3A_34 = arith.constant 0 : i32
          %dma_start3A_35 = tpu.memref_slice %arg16[%dma_start3A_33, %dma_start3A_34] : memref<10240x128xf32, #tpu.memory_space<vmem_shared>> -> memref<10240x128xf32, #tpu.memory_space<vmem_shared>>
          tpu.enqueue_indirect_dma source(%arg15 : memref<80x128xf32, #tpu.memory_space<vmem>>) target(%dma_start3A_35 : memref<10240x128xf32, #tpu.memory_space<vmem_shared>>) offsets(%dma_start3A_32 : memref<80xi32, #tpu.memory_space<vmem>>) semaphore(%run_scoped3A : memref<!tpu.dma_semaphore, #tpu.memory_space<semaphore_mem>>) {add = true}
          %dma_wait3A = arith.constant 0 : i32
          %dma_wait3A_36 = tpu.memref_slice %arg14[%add3A_30, %dma_wait3A] : memref<125x80xi32, #tpu.memory_space<vmem>> -> memref<1x80xi32, #tpu.memory_space<vmem>>
          %dma_wait3A_37 = tpu.memref_squeeze %dma_wait3A_36 : memref<1x80xi32, #tpu.memory_space<vmem>> -> memref<80xi32, #tpu.memory_space<vmem>>
          %dma_wait3A_38 = arith.constant 0 : i32
          %dma_wait3A_39 = arith.constant 0 : i32
          %dma_wait3A_40 = tpu.memref_slice %arg16[%dma_wait3A_38, %dma_wait3A_39] : memref<10240x128xf32, #tpu.memory_space<vmem_shared>> -> memref<10240x128xf32, #tpu.memory_space<vmem_shared>>
          tpu.wait_indirect_dma semaphore(%run_scoped3A : memref<!tpu.dma_semaphore, #tpu.memory_space<semaphore_mem>>) src(%arg15 : memref<80x128xf32, #tpu.memory_space<vmem>>) dst(%dma_wait3A_40 : memref<10240x128xf32, #tpu.memory_space<vmem_shared>>)
          tpu.yield
        }) : () -> ()
      }
      %scan3A_21 = arith.constant 125 : i32
      %barrier3A_22 = arith.constant 0 : index
      tpu.barrier barrier_id(%barrier3A_22)
      %mul3A_23 = arith.constant 640 : i32
      %mul3A_24 = arith.muli %arg1, %mul3A_23 : i32
      %mul3A_25 = arith.constant 640 : i32
      %mul3A_26 = arith.muli %arg1, %mul3A_25 : i32
      "tpu.region"() ({
        %run_scoped3A = tpu.sem_alloc : memref<!tpu.dma_semaphore, #tpu.memory_space<semaphore_mem>>
        %dma_start3A = arith.constant 0 : i32
        %dma_start3A_27 = tpu.memref_slice %arg9[%mul3A_26, %dma_start3A] : memref<10240x128xf32, #tpu.memory_space<hbm>> -> memref<640x128xf32, #tpu.memory_space<hbm>>
        %dma_start3A_28 = arith.constant 0 : i32
        %dma_start3A_29 = tpu.memref_slice %arg16[%mul3A_24, %dma_start3A_28] : memref<10240x128xf32, #tpu.memory_space<vmem_shared>> -> memref<640x128xf32, #tpu.memory_space<vmem_shared>>
        tpu.enqueue_dma source(%dma_start3A_29 : memref<640x128xf32, #tpu.memory_space<vmem_shared>>) target(%dma_start3A_27 : memref<640x128xf32, #tpu.memory_space<hbm>>) target_semaphore(%run_scoped3A : memref<!tpu.dma_semaphore, #tpu.memory_space<semaphore_mem>>)
        %dma_wait3A = arith.constant 0 : i32
        %dma_wait3A_30 = tpu.memref_slice %arg9[%mul3A_26, %dma_wait3A] : memref<10240x128xf32, #tpu.memory_space<hbm>> -> memref<640x128xf32, #tpu.memory_space<hbm>>
        %dma_wait3A_31 = arith.constant 0 : i32
        %dma_wait3A_32 = tpu.memref_slice %arg16[%mul3A_24, %dma_wait3A_31] : memref<10240x128xf32, #tpu.memory_space<vmem_shared>> -> memref<640x128xf32, #tpu.memory_space<vmem_shared>>
        tpu.wait_dma2 semaphore(%run_scoped3A : memref<!tpu.dma_semaphore, #tpu.memory_space<semaphore_mem>>) src(%dma_wait3A_32 : memref<640x128xf32, #tpu.memory_space<vmem_shared>>) dst(%dma_wait3A_30 : memref<640x128xf32, #tpu.memory_space<hbm>>)
        tpu.yield
      }) : () -> ()
    } else {
    }
    %eq3A_2 = arith.constant 0 : i32
    %eq3A_3 = arith.cmpi eq, %arg0, %eq3A_2 : i32
    %convert_element_type3A_4 = arith.extui %eq3A_3 : i1 to i32
    %cond3A_5 = arith.constant 0 : i32
    %cond3A_6 = arith.cmpi ne, %convert_element_type3A_4, %cond3A_5 : i32
    scf.if %cond3A_6 {
      %mul3A = arith.constant 640 : i32
      %mul3A_17 = arith.muli %arg1, %mul3A : i32
      "tpu.region"() ({
        %run_scoped3A = tpu.sem_alloc : memref<!tpu.dma_semaphore, #tpu.memory_space<semaphore_mem>>
        %dma_start3A = arith.constant 0 : i32
        %dma_start3A_27 = tpu.memref_slice %arg16[%mul3A_17, %dma_start3A] : memref<10240x128xf32, #tpu.memory_space<vmem_shared>> -> memref<640x128xf32, #tpu.memory_space<vmem_shared>>
        tpu.enqueue_dma source(%arg8 : memref<640x128xf32, #tpu.memory_space<hbm>>) target(%dma_start3A_27 : memref<640x128xf32, #tpu.memory_space<vmem_shared>>) target_semaphore(%run_scoped3A : memref<!tpu.dma_semaphore, #tpu.memory_space<semaphore_mem>>)
        %dma_wait3A = arith.constant 0 : i32
        %dma_wait3A_28 = tpu.memref_slice %arg16[%mul3A_17, %dma_wait3A] : memref<10240x128xf32, #tpu.memory_space<vmem_shared>> -> memref<640x128xf32, #tpu.memory_space<vmem_shared>>
        tpu.wait_dma2 semaphore(%run_scoped3A : memref<!tpu.dma_semaphore, #tpu.memory_space<semaphore_mem>>) src(%arg8 : memref<640x128xf32, #tpu.memory_space<hbm>>) dst(%dma_wait3A_28 : memref<640x128xf32, #tpu.memory_space<vmem_shared>>)
        tpu.yield
      }) : () -> ()
      %barrier3A = arith.constant 0 : index
      tpu.barrier barrier_id(%barrier3A)
      %scan3A = arith.constant 0 : i32
      %scan3A_18 = arith.constant 125 : i32
      %scan3A_19 = arith.addi %scan3A, %scan3A_18 : i32
      %scan3A_20 = arith.constant 1 : i32
      scf.for %scan3A_27 = %scan3A to %scan3A_19 step %scan3A_20  : i32 {
        %mul3A_28 = arith.constant 1 : i32
        %mul3A_29 = arith.muli %scan3A_27, %mul3A_28 : i32
        %add3A = arith.constant 0 : i32
        %add3A_30 = arith.addi %add3A, %mul3A_29 : i32
        "tpu.region"() ({
          %run_scoped3A = tpu.sem_alloc : memref<!tpu.dma_semaphore, #tpu.memory_space<semaphore_mem>>
          %dma_start3A = arith.constant 0 : i32
          %dma_start3A_31 = tpu.memref_slice %arg13[%add3A_30, %dma_start3A] : memref<125x80xi32, #tpu.memory_space<vmem>> -> memref<1x80xi32, #tpu.memory_space<vmem>>
          %dma_start3A_32 = tpu.memref_squeeze %dma_start3A_31 : memref<1x80xi32, #tpu.memory_space<vmem>> -> memref<80xi32, #tpu.memory_space<vmem>>
          %dma_start3A_33 = arith.constant 0 : i32
          %dma_start3A_34 = arith.constant 0 : i32
          %dma_start3A_35 = tpu.memref_slice %arg3[%dma_start3A_33, %dma_start3A_34] : memref<10000x128xf32, #tpu.memory_space<hbm>> -> memref<10000x128xf32, #tpu.memory_space<hbm>>
          tpu.enqueue_indirect_dma source(%dma_start3A_35 : memref<10000x128xf32, #tpu.memory_space<hbm>>) target(%arg15 : memref<80x128xf32, #tpu.memory_space<vmem>>) offsets(%dma_start3A_32 : memref<80xi32, #tpu.memory_space<vmem>>) semaphore(%run_scoped3A : memref<!tpu.dma_semaphore, #tpu.memory_space<semaphore_mem>>)
          %dma_wait3A = arith.constant 0 : i32
          %dma_wait3A_36 = tpu.memref_slice %arg13[%add3A_30, %dma_wait3A] : memref<125x80xi32, #tpu.memory_space<vmem>> -> memref<1x80xi32, #tpu.memory_space<vmem>>
          %dma_wait3A_37 = tpu.memref_squeeze %dma_wait3A_36 : memref<1x80xi32, #tpu.memory_space<vmem>> -> memref<80xi32, #tpu.memory_space<vmem>>
          %dma_wait3A_38 = arith.constant 0 : i32
          %dma_wait3A_39 = arith.constant 0 : i32
          %dma_wait3A_40 = tpu.memref_slice %arg3[%dma_wait3A_38, %dma_wait3A_39] : memref<10000x128xf32, #tpu.memory_space<hbm>> -> memref<10000x128xf32, #tpu.memory_space<hbm>>
          tpu.wait_indirect_dma semaphore(%run_scoped3A : memref<!tpu.dma_semaphore, #tpu.memory_space<semaphore_mem>>) src(%dma_wait3A_40 : memref<10000x128xf32, #tpu.memory_space<hbm>>) dst(%arg15 : memref<80x128xf32, #tpu.memory_space<vmem>>)
          tpu.yield
        }) : () -> ()
        "tpu.region"() ({
          %run_scoped3A = tpu.sem_alloc : memref<!tpu.dma_semaphore, #tpu.memory_space<semaphore_mem>>
          %dma_start3A = arith.constant 0 : i32
          %dma_start3A_31 = tpu.memref_slice %arg14[%add3A_30, %dma_start3A] : memref<125x80xi32, #tpu.memory_space<vmem>> -> memref<1x80xi32, #tpu.memory_space<vmem>>
          %dma_start3A_32 = tpu.memref_squeeze %dma_start3A_31 : memref<1x80xi32, #tpu.memory_space<vmem>> -> memref<80xi32, #tpu.memory_space<vmem>>
          %dma_start3A_33 = arith.constant 0 : i32
          %dma_start3A_34 = arith.constant 0 : i32
          %dma_start3A_35 = tpu.memref_slice %arg16[%dma_start3A_33, %dma_start3A_34] : memref<10240x128xf32, #tpu.memory_space<vmem_shared>> -> memref<10240x128xf32, #tpu.memory_space<vmem_shared>>
          tpu.enqueue_indirect_dma source(%arg15 : memref<80x128xf32, #tpu.memory_space<vmem>>) target(%dma_start3A_35 : memref<10240x128xf32, #tpu.memory_space<vmem_shared>>) offsets(%dma_start3A_32 : memref<80xi32, #tpu.memory_space<vmem>>) semaphore(%run_scoped3A : memref<!tpu.dma_semaphore, #tpu.memory_space<semaphore_mem>>) {add = true}
          %dma_wait3A = arith.constant 0 : i32
          %dma_wait3A_36 = tpu.memref_slice %arg14[%add3A_30, %dma_wait3A] : memref<125x80xi32, #tpu.memory_space<vmem>> -> memref<1x80xi32, #tpu.memory_space<vmem>>
          %dma_wait3A_37 = tpu.memref_squeeze %dma_wait3A_36 : memref<1x80xi32, #tpu.memory_space<vmem>> -> memref<80xi32, #tpu.memory_space<vmem>>
          %dma_wait3A_38 = arith.constant 0 : i32
          %dma_wait3A_39 = arith.constant 0 : i32
          %dma_wait3A_40 = tpu.memref_slice %arg16[%dma_wait3A_38, %dma_wait3A_39] : memref<10240x128xf32, #tpu.memory_space<vmem_shared>> -> memref<10240x128xf32, #tpu.memory_space<vmem_shared>>
          tpu.wait_indirect_dma semaphore(%run_scoped3A : memref<!tpu.dma_semaphore, #tpu.memory_space<semaphore_mem>>) src(%arg15 : memref<80x128xf32, #tpu.memory_space<vmem>>) dst(%dma_wait3A_40 : memref<10240x128xf32, #tpu.memory_space<vmem_shared>>)
          tpu.yield
        }) : () -> ()
      }
      %scan3A_21 = arith.constant 125 : i32
      %barrier3A_22 = arith.constant 0 : index
      tpu.barrier barrier_id(%barrier3A_22)
      %mul3A_23 = arith.constant 640 : i32
      %mul3A_24 = arith.muli %arg1, %mul3A_23 : i32
      %mul3A_25 = arith.constant 640 : i32
      %mul3A_26 = arith.muli %arg1, %mul3A_25 : i32
      "tpu.region"() ({
        %run_scoped3A = tpu.sem_alloc : memref<!tpu.dma_semaphore, #tpu.memory_space<semaphore_mem>>
        %dma_start3A = arith.constant 0 : i32
        %dma_start3A_27 = tpu.memref_slice %arg10[%mul3A_26, %dma_start3A] : memref<10240x128xf32, #tpu.memory_space<hbm>> -> memref<640x128xf32, #tpu.memory_space<hbm>>
        %dma_start3A_28 = arith.constant 0 : i32
        %dma_start3A_29 = tpu.memref_slice %arg16[%mul3A_24, %dma_start3A_28] : memref<10240x128xf32, #tpu.memory_space<vmem_shared>> -> memref<640x128xf32, #tpu.memory_space<vmem_shared>>
        tpu.enqueue_dma source(%dma_start3A_29 : memref<640x128xf32, #tpu.memory_space<vmem_shared>>) target(%dma_start3A_27 : memref<640x128xf32, #tpu.memory_space<hbm>>) target_semaphore(%run_scoped3A : memref<!tpu.dma_semaphore, #tpu.memory_space<semaphore_mem>>)
        %dma_wait3A = arith.constant 0 : i32
        %dma_wait3A_30 = tpu.memref_slice %arg10[%mul3A_26, %dma_wait3A] : memref<10240x128xf32, #tpu.memory_space<hbm>> -> memref<640x128xf32, #tpu.memory_space<hbm>>
        %dma_wait3A_31 = arith.constant 0 : i32
        %dma_wait3A_32 = tpu.memref_slice %arg16[%mul3A_24, %dma_wait3A_31] : memref<10240x128xf32, #tpu.memory_space<vmem_shared>> -> memref<640x128xf32, #tpu.memory_space<vmem_shared>>
        tpu.wait_dma2 semaphore(%run_scoped3A : memref<!tpu.dma_semaphore, #tpu.memory_space<semaphore_mem>>) src(%dma_wait3A_32 : memref<640x128xf32, #tpu.memory_space<vmem_shared>>) dst(%dma_wait3A_30 : memref<640x128xf32, #tpu.memory_space<hbm>>)
        tpu.yield
      }) : () -> ()
    } else {
    }
    %eq3A_7 = arith.constant 1 : i32
    %eq3A_8 = arith.cmpi eq, %arg0, %eq3A_7 : i32
    %convert_element_type3A_9 = arith.extui %eq3A_8 : i1 to i32
    %cond3A_10 = arith.constant 0 : i32
    %cond3A_11 = arith.cmpi ne, %convert_element_type3A_9, %cond3A_10 : i32
    scf.if %cond3A_11 {
      %mul3A = arith.constant 640 : i32
      %mul3A_17 = arith.muli %arg1, %mul3A : i32
      "tpu.region"() ({
        %run_scoped3A = tpu.sem_alloc : memref<!tpu.dma_semaphore, #tpu.memory_space<semaphore_mem>>
        %dma_start3A = arith.constant 0 : i32
        %dma_start3A_27 = tpu.memref_slice %arg16[%mul3A_17, %dma_start3A] : memref<10240x128xf32, #tpu.memory_space<vmem_shared>> -> memref<640x128xf32, #tpu.memory_space<vmem_shared>>
        tpu.enqueue_dma source(%arg8 : memref<640x128xf32, #tpu.memory_space<hbm>>) target(%dma_start3A_27 : memref<640x128xf32, #tpu.memory_space<vmem_shared>>) target_semaphore(%run_scoped3A : memref<!tpu.dma_semaphore, #tpu.memory_space<semaphore_mem>>)
        %dma_wait3A = arith.constant 0 : i32
        %dma_wait3A_28 = tpu.memref_slice %arg16[%mul3A_17, %dma_wait3A] : memref<10240x128xf32, #tpu.memory_space<vmem_shared>> -> memref<640x128xf32, #tpu.memory_space<vmem_shared>>
        tpu.wait_dma2 semaphore(%run_scoped3A : memref<!tpu.dma_semaphore, #tpu.memory_space<semaphore_mem>>) src(%arg8 : memref<640x128xf32, #tpu.memory_space<hbm>>) dst(%dma_wait3A_28 : memref<640x128xf32, #tpu.memory_space<vmem_shared>>)
        tpu.yield
      }) : () -> ()
      %barrier3A = arith.constant 0 : index
      tpu.barrier barrier_id(%barrier3A)
      %scan3A = arith.constant 0 : i32
      %scan3A_18 = arith.constant 125 : i32
      %scan3A_19 = arith.addi %scan3A, %scan3A_18 : i32
      %scan3A_20 = arith.constant 1 : i32
      scf.for %scan3A_27 = %scan3A to %scan3A_19 step %scan3A_20  : i32 {
        %mul3A_28 = arith.constant 1 : i32
        %mul3A_29 = arith.muli %scan3A_27, %mul3A_28 : i32
        %add3A = arith.constant 0 : i32
        %add3A_30 = arith.addi %add3A, %mul3A_29 : i32
        "tpu.region"() ({
          %run_scoped3A = tpu.sem_alloc : memref<!tpu.dma_semaphore, #tpu.memory_space<semaphore_mem>>
          %dma_start3A = arith.constant 0 : i32
          %dma_start3A_31 = tpu.memref_slice %arg13[%add3A_30, %dma_start3A] : memref<125x80xi32, #tpu.memory_space<vmem>> -> memref<1x80xi32, #tpu.memory_space<vmem>>
          %dma_start3A_32 = tpu.memref_squeeze %dma_start3A_31 : memref<1x80xi32, #tpu.memory_space<vmem>> -> memref<80xi32, #tpu.memory_space<vmem>>
          %dma_start3A_33 = arith.constant 0 : i32
          %dma_start3A_34 = arith.constant 0 : i32
          %dma_start3A_35 = tpu.memref_slice %arg4[%dma_start3A_33, %dma_start3A_34] : memref<10000x128xf32, #tpu.memory_space<hbm>> -> memref<10000x128xf32, #tpu.memory_space<hbm>>
          tpu.enqueue_indirect_dma source(%dma_start3A_35 : memref<10000x128xf32, #tpu.memory_space<hbm>>) target(%arg15 : memref<80x128xf32, #tpu.memory_space<vmem>>) offsets(%dma_start3A_32 : memref<80xi32, #tpu.memory_space<vmem>>) semaphore(%run_scoped3A : memref<!tpu.dma_semaphore, #tpu.memory_space<semaphore_mem>>)
          %dma_wait3A = arith.constant 0 : i32
          %dma_wait3A_36 = tpu.memref_slice %arg13[%add3A_30, %dma_wait3A] : memref<125x80xi32, #tpu.memory_space<vmem>> -> memref<1x80xi32, #tpu.memory_space<vmem>>
          %dma_wait3A_37 = tpu.memref_squeeze %dma_wait3A_36 : memref<1x80xi32, #tpu.memory_space<vmem>> -> memref<80xi32, #tpu.memory_space<vmem>>
          %dma_wait3A_38 = arith.constant 0 : i32
          %dma_wait3A_39 = arith.constant 0 : i32
          %dma_wait3A_40 = tpu.memref_slice %arg4[%dma_wait3A_38, %dma_wait3A_39] : memref<10000x128xf32, #tpu.memory_space<hbm>> -> memref<10000x128xf32, #tpu.memory_space<hbm>>
          tpu.wait_indirect_dma semaphore(%run_scoped3A : memref<!tpu.dma_semaphore, #tpu.memory_space<semaphore_mem>>) src(%dma_wait3A_40 : memref<10000x128xf32, #tpu.memory_space<hbm>>) dst(%arg15 : memref<80x128xf32, #tpu.memory_space<vmem>>)
          tpu.yield
        }) : () -> ()
        "tpu.region"() ({
          %run_scoped3A = tpu.sem_alloc : memref<!tpu.dma_semaphore, #tpu.memory_space<semaphore_mem>>
          %dma_start3A = arith.constant 0 : i32
          %dma_start3A_31 = tpu.memref_slice %arg14[%add3A_30, %dma_start3A] : memref<125x80xi32, #tpu.memory_space<vmem>> -> memref<1x80xi32, #tpu.memory_space<vmem>>
          %dma_start3A_32 = tpu.memref_squeeze %dma_start3A_31 : memref<1x80xi32, #tpu.memory_space<vmem>> -> memref<80xi32, #tpu.memory_space<vmem>>
          %dma_start3A_33 = arith.constant 0 : i32
          %dma_start3A_34 = arith.constant 0 : i32
          %dma_start3A_35 = tpu.memref_slice %arg16[%dma_start3A_33, %dma_start3A_34] : memref<10240x128xf32, #tpu.memory_space<vmem_shared>> -> memref<10240x128xf32, #tpu.memory_space<vmem_shared>>
          tpu.enqueue_indirect_dma source(%arg15 : memref<80x128xf32, #tpu.memory_space<vmem>>) target(%dma_start3A_35 : memref<10240x128xf32, #tpu.memory_space<vmem_shared>>) offsets(%dma_start3A_32 : memref<80xi32, #tpu.memory_space<vmem>>) semaphore(%run_scoped3A : memref<!tpu.dma_semaphore, #tpu.memory_space<semaphore_mem>>) {add = true}
          %dma_wait3A = arith.constant 0 : i32
          %dma_wait3A_36 = tpu.memref_slice %arg14[%add3A_30, %dma_wait3A] : memref<125x80xi32, #tpu.memory_space<vmem>> -> memref<1x80xi32, #tpu.memory_space<vmem>>
          %dma_wait3A_37 = tpu.memref_squeeze %dma_wait3A_36 : memref<1x80xi32, #tpu.memory_space<vmem>> -> memref<80xi32, #tpu.memory_space<vmem>>
          %dma_wait3A_38 = arith.constant 0 : i32
          %dma_wait3A_39 = arith.constant 0 : i32
          %dma_wait3A_40 = tpu.memref_slice %arg16[%dma_wait3A_38, %dma_wait3A_39] : memref<10240x128xf32, #tpu.memory_space<vmem_shared>> -> memref<10240x128xf32, #tpu.memory_space<vmem_shared>>
          tpu.wait_indirect_dma semaphore(%run_scoped3A : memref<!tpu.dma_semaphore, #tpu.memory_space<semaphore_mem>>) src(%arg15 : memref<80x128xf32, #tpu.memory_space<vmem>>) dst(%dma_wait3A_40 : memref<10240x128xf32, #tpu.memory_space<vmem_shared>>)
          tpu.yield
        }) : () -> ()
      }
      %scan3A_21 = arith.constant 125 : i32
      %barrier3A_22 = arith.constant 0 : index
      tpu.barrier barrier_id(%barrier3A_22)
      %mul3A_23 = arith.constant 640 : i32
      %mul3A_24 = arith.muli %arg1, %mul3A_23 : i32
      %mul3A_25 = arith.constant 640 : i32
      %mul3A_26 = arith.muli %arg1, %mul3A_25 : i32
      "tpu.region"() ({
        %run_scoped3A = tpu.sem_alloc : memref<!tpu.dma_semaphore, #tpu.memory_space<semaphore_mem>>
        %dma_start3A = arith.constant 0 : i32
        %dma_start3A_27 = tpu.memref_slice %arg11[%mul3A_26, %dma_start3A] : memref<10240x128xf32, #tpu.memory_space<hbm>> -> memref<640x128xf32, #tpu.memory_space<hbm>>
        %dma_start3A_28 = arith.constant 0 : i32
        %dma_start3A_29 = tpu.memref_slice %arg16[%mul3A_24, %dma_start3A_28] : memref<10240x128xf32, #tpu.memory_space<vmem_shared>> -> memref<640x128xf32, #tpu.memory_space<vmem_shared>>
        tpu.enqueue_dma source(%dma_start3A_29 : memref<640x128xf32, #tpu.memory_space<vmem_shared>>) target(%dma_start3A_27 : memref<640x128xf32, #tpu.memory_space<hbm>>) target_semaphore(%run_scoped3A : memref<!tpu.dma_semaphore, #tpu.memory_space<semaphore_mem>>)
        %dma_wait3A = arith.constant 0 : i32
        %dma_wait3A_30 = tpu.memref_slice %arg11[%mul3A_26, %dma_wait3A] : memref<10240x128xf32, #tpu.memory_space<hbm>> -> memref<640x128xf32, #tpu.memory_space<hbm>>
        %dma_wait3A_31 = arith.constant 0 : i32
        %dma_wait3A_32 = tpu.memref_slice %arg16[%mul3A_24, %dma_wait3A_31] : memref<10240x128xf32, #tpu.memory_space<vmem_shared>> -> memref<640x128xf32, #tpu.memory_space<vmem_shared>>
        tpu.wait_dma2 semaphore(%run_scoped3A : memref<!tpu.dma_semaphore, #tpu.memory_space<semaphore_mem>>) src(%dma_wait3A_32 : memref<640x128xf32, #tpu.memory_space<vmem_shared>>) dst(%dma_wait3A_30 : memref<640x128xf32, #tpu.memory_space<hbm>>)
        tpu.yield
      }) : () -> ()
    } else {
    }
    %eq3A_12 = arith.constant 1 : i32
    %eq3A_13 = arith.cmpi eq, %arg0, %eq3A_12 : i32
    %convert_element_type3A_14 = arith.extui %eq3A_13 : i1 to i32
    %cond3A_15 = arith.constant 0 : i32
    %cond3A_16 = arith.cmpi ne, %convert_element_type3A_14, %cond3A_15 : i32
    scf.if %cond3A_16 {
      %mul3A = arith.constant 640 : i32
      %mul3A_17 = arith.muli %arg1, %mul3A : i32
      "tpu.region"() ({
        %run_scoped3A = tpu.sem_alloc : memref<!tpu.dma_semaphore, #tpu.memory_space<semaphore_mem>>
        %dma_start3A = arith.constant 0 : i32
        %dma_start3A_27 = tpu.memref_slice %arg16[%mul3A_17, %dma_start3A] : memref<10240x128xf32, #tpu.memory_space<vmem_shared>> -> memref<640x128xf32, #tpu.memory_space<vmem_shared>>
        tpu.enqueue_dma source(%arg8 : memref<640x128xf32, #tpu.memory_space<hbm>>) target(%dma_start3A_27 : memref<640x128xf32, #tpu.memory_space<vmem_shared>>) target_semaphore(%run_scoped3A : memref<!tpu.dma_semaphore, #tpu.memory_space<semaphore_mem>>)
        %dma_wait3A = arith.constant 0 : i32
        %dma_wait3A_28 = tpu.memref_slice %arg16[%mul3A_17, %dma_wait3A] : memref<10240x128xf32, #tpu.memory_space<vmem_shared>> -> memref<640x128xf32, #tpu.memory_space<vmem_shared>>
        tpu.wait_dma2 semaphore(%run_scoped3A : memref<!tpu.dma_semaphore, #tpu.memory_space<semaphore_mem>>) src(%arg8 : memref<640x128xf32, #tpu.memory_space<hbm>>) dst(%dma_wait3A_28 : memref<640x128xf32, #tpu.memory_space<vmem_shared>>)
        tpu.yield
      }) : () -> ()
      %barrier3A = arith.constant 0 : index
      tpu.barrier barrier_id(%barrier3A)
      %scan3A = arith.constant 0 : i32
      %scan3A_18 = arith.constant 125 : i32
      %scan3A_19 = arith.addi %scan3A, %scan3A_18 : i32
      %scan3A_20 = arith.constant 1 : i32
      scf.for %scan3A_27 = %scan3A to %scan3A_19 step %scan3A_20  : i32 {
        %mul3A_28 = arith.constant 1 : i32
        %mul3A_29 = arith.muli %scan3A_27, %mul3A_28 : i32
        %add3A = arith.constant 0 : i32
        %add3A_30 = arith.addi %add3A, %mul3A_29 : i32
        "tpu.region"() ({
          %run_scoped3A = tpu.sem_alloc : memref<!tpu.dma_semaphore, #tpu.memory_space<semaphore_mem>>
          %dma_start3A = arith.constant 0 : i32
          %dma_start3A_31 = tpu.memref_slice %arg13[%add3A_30, %dma_start3A] : memref<125x80xi32, #tpu.memory_space<vmem>> -> memref<1x80xi32, #tpu.memory_space<vmem>>
          %dma_start3A_32 = tpu.memref_squeeze %dma_start3A_31 : memref<1x80xi32, #tpu.memory_space<vmem>> -> memref<80xi32, #tpu.memory_space<vmem>>
          %dma_start3A_33 = arith.constant 0 : i32
          %dma_start3A_34 = arith.constant 0 : i32
          %dma_start3A_35 = tpu.memref_slice %arg5[%dma_start3A_33, %dma_start3A_34] : memref<10000x128xf32, #tpu.memory_space<hbm>> -> memref<10000x128xf32, #tpu.memory_space<hbm>>
          tpu.enqueue_indirect_dma source(%dma_start3A_35 : memref<10000x128xf32, #tpu.memory_space<hbm>>) target(%arg15 : memref<80x128xf32, #tpu.memory_space<vmem>>) offsets(%dma_start3A_32 : memref<80xi32, #tpu.memory_space<vmem>>) semaphore(%run_scoped3A : memref<!tpu.dma_semaphore, #tpu.memory_space<semaphore_mem>>)
          %dma_wait3A = arith.constant 0 : i32
          %dma_wait3A_36 = tpu.memref_slice %arg13[%add3A_30, %dma_wait3A] : memref<125x80xi32, #tpu.memory_space<vmem>> -> memref<1x80xi32, #tpu.memory_space<vmem>>
          %dma_wait3A_37 = tpu.memref_squeeze %dma_wait3A_36 : memref<1x80xi32, #tpu.memory_space<vmem>> -> memref<80xi32, #tpu.memory_space<vmem>>
          %dma_wait3A_38 = arith.constant 0 : i32
          %dma_wait3A_39 = arith.constant 0 : i32
          %dma_wait3A_40 = tpu.memref_slice %arg5[%dma_wait3A_38, %dma_wait3A_39] : memref<10000x128xf32, #tpu.memory_space<hbm>> -> memref<10000x128xf32, #tpu.memory_space<hbm>>
          tpu.wait_indirect_dma semaphore(%run_scoped3A : memref<!tpu.dma_semaphore, #tpu.memory_space<semaphore_mem>>) src(%dma_wait3A_40 : memref<10000x128xf32, #tpu.memory_space<hbm>>) dst(%arg15 : memref<80x128xf32, #tpu.memory_space<vmem>>)
          tpu.yield
        }) : () -> ()
        "tpu.region"() ({
          %run_scoped3A = tpu.sem_alloc : memref<!tpu.dma_semaphore, #tpu.memory_space<semaphore_mem>>
          %dma_start3A = arith.constant 0 : i32
          %dma_start3A_31 = tpu.memref_slice %arg14[%add3A_30, %dma_start3A] : memref<125x80xi32, #tpu.memory_space<vmem>> -> memref<1x80xi32, #tpu.memory_space<vmem>>
          %dma_start3A_32 = tpu.memref_squeeze %dma_start3A_31 : memref<1x80xi32, #tpu.memory_space<vmem>> -> memref<80xi32, #tpu.memory_space<vmem>>
          %dma_start3A_33 = arith.constant 0 : i32
          %dma_start3A_34 = arith.constant 0 : i32
          %dma_start3A_35 = tpu.memref_slice %arg16[%dma_start3A_33, %dma_start3A_34] : memref<10240x128xf32, #tpu.memory_space<vmem_shared>> -> memref<10240x128xf32, #tpu.memory_space<vmem_shared>>
          tpu.enqueue_indirect_dma source(%arg15 : memref<80x128xf32, #tpu.memory_space<vmem>>) target(%dma_start3A_35 : memref<10240x128xf32, #tpu.memory_space<vmem_shared>>) offsets(%dma_start3A_32 : memref<80xi32, #tpu.memory_space<vmem>>) semaphore(%run_scoped3A : memref<!tpu.dma_semaphore, #tpu.memory_space<semaphore_mem>>) {add = true}
          %dma_wait3A = arith.constant 0 : i32
          %dma_wait3A_36 = tpu.memref_slice %arg14[%add3A_30, %dma_wait3A] : memref<125x80xi32, #tpu.memory_space<vmem>> -> memref<1x80xi32, #tpu.memory_space<vmem>>
          %dma_wait3A_37 = tpu.memref_squeeze %dma_wait3A_36 : memref<1x80xi32, #tpu.memory_space<vmem>> -> memref<80xi32, #tpu.memory_space<vmem>>
          %dma_wait3A_38 = arith.constant 0 : i32
          %dma_wait3A_39 = arith.constant 0 : i32
          %dma_wait3A_40 = tpu.memref_slice %arg16[%dma_wait3A_38, %dma_wait3A_39] : memref<10240x128xf32, #tpu.memory_space<vmem_shared>> -> memref<10240x128xf32, #tpu.memory_space<vmem_shared>>
          tpu.wait_indirect_dma semaphore(%run_scoped3A : memref<!tpu.dma_semaphore, #tpu.memory_space<semaphore_mem>>) src(%arg15 : memref<80x128xf32, #tpu.memory_space<vmem>>) dst(%dma_wait3A_40 : memref<10240x128xf32, #tpu.memory_space<vmem_shared>>)
          tpu.yield
        }) : () -> ()
      }
      %scan3A_21 = arith.constant 125 : i32
      %barrier3A_22 = arith.constant 0 : index
      tpu.barrier barrier_id(%barrier3A_22)
      %mul3A_23 = arith.constant 640 : i32
      %mul3A_24 = arith.muli %arg1, %mul3A_23 : i32
      %mul3A_25 = arith.constant 640 : i32
      %mul3A_26 = arith.muli %arg1, %mul3A_25 : i32
      "tpu.region"() ({
        %run_scoped3A = tpu.sem_alloc : memref<!tpu.dma_semaphore, #tpu.memory_space<semaphore_mem>>
        %dma_start3A = arith.constant 0 : i32
        %dma_start3A_27 = tpu.memref_slice %arg12[%mul3A_26, %dma_start3A] : memref<10240x128xf32, #tpu.memory_space<hbm>> -> memref<640x128xf32, #tpu.memory_space<hbm>>
        %dma_start3A_28 = arith.constant 0 : i32
        %dma_start3A_29 = tpu.memref_slice %arg16[%mul3A_24, %dma_start3A_28] : memref<10240x128xf32, #tpu.memory_space<vmem_shared>> -> memref<640x128xf32, #tpu.memory_space<vmem_shared>>
        tpu.enqueue_dma source(%dma_start3A_29 : memref<640x128xf32, #tpu.memory_space<vmem_shared>>) target(%dma_start3A_27 : memref<640x128xf32, #tpu.memory_space<hbm>>) target_semaphore(%run_scoped3A : memref<!tpu.dma_semaphore, #tpu.memory_space<semaphore_mem>>)
        %dma_wait3A = arith.constant 0 : i32
        %dma_wait3A_30 = tpu.memref_slice %arg12[%mul3A_26, %dma_wait3A] : memref<10240x128xf32, #tpu.memory_space<hbm>> -> memref<640x128xf32, #tpu.memory_space<hbm>>
        %dma_wait3A_31 = arith.constant 0 : i32
        %dma_wait3A_32 = tpu.memref_slice %arg16[%mul3A_24, %dma_wait3A_31] : memref<10240x128xf32, #tpu.memory_space<vmem_shared>> -> memref<640x128xf32, #tpu.memory_space<vmem_shared>>
        tpu.wait_dma2 semaphore(%run_scoped3A : memref<!tpu.dma_semaphore, #tpu.memory_space<semaphore_mem>>) src(%dma_wait3A_32 : memref<640x128xf32, #tpu.memory_space<vmem_shared>>) dst(%dma_wait3A_30 : memref<640x128xf32, #tpu.memory_space<hbm>>)
        tpu.yield
      }) : () -> ()
    } else {
    }
    return
  }
}

#map = affine_map<(d0, d1) -> (0, 0, 0)>
#map1 = affine_map<(d0, d1) -> (0, 0)>
module attributes {stable_mosaic.version = 14 : i64} {
  func.func @body(%arg0: i32, %arg1: i32, %arg2: memref<16x125x80xi32, #tpu.memory_space<hbm>>, %arg3: memref<640x128xf32, #tpu.memory_space<hbm>>, %arg4: memref<80x128xf32, #tpu.memory_space<hbm>>, %arg5: memref<10240x128xf32, #tpu.memory_space<hbm>>, %arg6: memref<125x80xi32, #tpu.memory_space<vmem>>, %arg7: memref<80x128xf32, #tpu.memory_space<vmem>>, %arg8: memref<10240x128xf32, #tpu.memory_space<vmem_shared>>) attributes {dimension_semantics = [#tpu.dimension_semantics<core_parallel>, #tpu.dimension_semantics<subcore_parallel>], iteration_bounds = array<i64: 2, 16>, scalar_prefetch = 0 : i64, scratch_operands = 3 : i64, tpu.core_type = #tpu.core_type<sc_vector_subcore>, window_params = [{transform_indices = #map}, {transform_indices = #map1}, {transform_indices = #map1}, {transform_indices = #map1}]} {
    %eq3A = arith.constant 0 : i32
    %eq3A_0 = arith.cmpi eq, %arg0, %eq3A : i32
    %convert_element_type3A = arith.extui %eq3A_0 : i1 to i32
    %cond3A = arith.constant 0 : i32
    %cond3A_1 = arith.cmpi ne, %convert_element_type3A, %cond3A : i32
    scf.if %cond3A_1 {
      "tpu.region"() ({
        %run_scoped3A = tpu.sem_alloc : memref<!tpu.dma_semaphore, #tpu.memory_space<semaphore_mem>>
        %dma_start3A = arith.constant 0 : i32
        %dma_start3A_12 = arith.constant 0 : i32
        %dma_start3A_13 = tpu.memref_slice %arg2[%arg1, %dma_start3A, %dma_start3A_12] : memref<16x125x80xi32, #tpu.memory_space<hbm>> -> memref<1x125x80xi32, #tpu.memory_space<hbm>>
        %dma_start3A_14 = tpu.memref_squeeze %dma_start3A_13 : memref<1x125x80xi32, #tpu.memory_space<hbm>> -> memref<125x80xi32, #tpu.memory_space<hbm>>
        %dma_start3A_15 = arith.constant 0 : i32
        %dma_start3A_16 = arith.constant 0 : i32
        %dma_start3A_17 = tpu.memref_slice %arg2[%arg1, %dma_start3A_15, %dma_start3A_16] : memref<16x125x80xi32, #tpu.memory_space<hbm>> -> memref<1x125x80xi32, #tpu.memory_space<hbm>>
        %dma_start3A_18 = tpu.memref_squeeze %dma_start3A_17 : memref<1x125x80xi32, #tpu.memory_space<hbm>> -> memref<125x80xi32, #tpu.memory_space<hbm>>
        tpu.enqueue_dma source(%dma_start3A_18 : memref<125x80xi32, #tpu.memory_space<hbm>>) target(%arg6 : memref<125x80xi32, #tpu.memory_space<vmem>>) target_semaphore(%run_scoped3A : memref<!tpu.dma_semaphore, #tpu.memory_space<semaphore_mem>>)
        %dma_wait3A = arith.constant 0 : i32
        %dma_wait3A_19 = arith.constant 0 : i32
        %dma_wait3A_20 = tpu.memref_slice %arg2[%arg1, %dma_wait3A, %dma_wait3A_19] : memref<16x125x80xi32, #tpu.memory_space<hbm>> -> memref<1x125x80xi32, #tpu.memory_space<hbm>>
        %dma_wait3A_21 = tpu.memref_squeeze %dma_wait3A_20 : memref<1x125x80xi32, #tpu.memory_space<hbm>> -> memref<125x80xi32, #tpu.memory_space<hbm>>
        %dma_wait3A_22 = arith.constant 0 : i32
        %dma_wait3A_23 = arith.constant 0 : i32
        %dma_wait3A_24 = tpu.memref_slice %arg2[%arg1, %dma_wait3A_22, %dma_wait3A_23] : memref<16x125x80xi32, #tpu.memory_space<hbm>> -> memref<1x125x80xi32, #tpu.memory_space<hbm>>
        %dma_wait3A_25 = tpu.memref_squeeze %dma_wait3A_24 : memref<1x125x80xi32, #tpu.memory_space<hbm>> -> memref<125x80xi32, #tpu.memory_space<hbm>>
        tpu.wait_dma2 semaphore(%run_scoped3A : memref<!tpu.dma_semaphore, #tpu.memory_space<semaphore_mem>>) src(%dma_wait3A_25 : memref<125x80xi32, #tpu.memory_space<hbm>>) dst(%arg6 : memref<125x80xi32, #tpu.memory_space<vmem>>)
        tpu.yield
      }) : () -> ()
      "tpu.region"() ({
        %run_scoped3A = tpu.sem_alloc : memref<!tpu.dma_semaphore, #tpu.memory_space<semaphore_mem>>
        tpu.enqueue_dma source(%arg4 : memref<80x128xf32, #tpu.memory_space<hbm>>) target(%arg7 : memref<80x128xf32, #tpu.memory_space<vmem>>) target_semaphore(%run_scoped3A : memref<!tpu.dma_semaphore, #tpu.memory_space<semaphore_mem>>)
        tpu.wait_dma2 semaphore(%run_scoped3A : memref<!tpu.dma_semaphore, #tpu.memory_space<semaphore_mem>>) src(%arg4 : memref<80x128xf32, #tpu.memory_space<hbm>>) dst(%arg7 : memref<80x128xf32, #tpu.memory_space<vmem>>)
        tpu.yield
      }) : () -> ()
      %mul3A = arith.constant 640 : i32
      %mul3A_2 = arith.muli %arg1, %mul3A : i32
      "tpu.region"() ({
        %run_scoped3A = tpu.sem_alloc : memref<!tpu.dma_semaphore, #tpu.memory_space<semaphore_mem>>
        %dma_start3A = arith.constant 0 : i32
        %dma_start3A_12 = tpu.memref_slice %arg8[%mul3A_2, %dma_start3A] : memref<10240x128xf32, #tpu.memory_space<vmem_shared>> -> memref<640x128xf32, #tpu.memory_space<vmem_shared>>
        tpu.enqueue_dma source(%arg3 : memref<640x128xf32, #tpu.memory_space<hbm>>) target(%dma_start3A_12 : memref<640x128xf32, #tpu.memory_space<vmem_shared>>) target_semaphore(%run_scoped3A : memref<!tpu.dma_semaphore, #tpu.memory_space<semaphore_mem>>)
        %dma_wait3A = arith.constant 0 : i32
        %dma_wait3A_13 = tpu.memref_slice %arg8[%mul3A_2, %dma_wait3A] : memref<10240x128xf32, #tpu.memory_space<vmem_shared>> -> memref<640x128xf32, #tpu.memory_space<vmem_shared>>
        tpu.wait_dma2 semaphore(%run_scoped3A : memref<!tpu.dma_semaphore, #tpu.memory_space<semaphore_mem>>) src(%arg3 : memref<640x128xf32, #tpu.memory_space<hbm>>) dst(%dma_wait3A_13 : memref<640x128xf32, #tpu.memory_space<vmem_shared>>)
        tpu.yield
      }) : () -> ()
      %barrier3A = arith.constant 0 : index
      tpu.barrier barrier_id(%barrier3A)
      %scan3A = arith.constant 0 : i32
      %scan3A_3 = arith.constant 125 : i32
      %scan3A_4 = arith.addi %scan3A, %scan3A_3 : i32
      %scan3A_5 = arith.constant 1 : i32
      scf.for %scan3A_12 = %scan3A to %scan3A_4 step %scan3A_5  : i32 {
        %mul3A_13 = arith.constant 1 : i32
        %mul3A_14 = arith.muli %scan3A_12, %mul3A_13 : i32
        %add3A = arith.constant 0 : i32
        %add3A_15 = arith.addi %add3A, %mul3A_14 : i32
        "tpu.region"() ({
          %run_scoped3A = tpu.sem_alloc : memref<!tpu.dma_semaphore, #tpu.memory_space<semaphore_mem>>
          %dma_start3A = arith.constant 0 : i32
          %dma_start3A_16 = tpu.memref_slice %arg6[%add3A_15, %dma_start3A] : memref<125x80xi32, #tpu.memory_space<vmem>> -> memref<1x80xi32, #tpu.memory_space<vmem>>
          %dma_start3A_17 = tpu.memref_squeeze %dma_start3A_16 : memref<1x80xi32, #tpu.memory_space<vmem>> -> memref<80xi32, #tpu.memory_space<vmem>>
          %dma_start3A_18 = arith.constant 0 : i32
          %dma_start3A_19 = arith.constant 0 : i32
          %dma_start3A_20 = tpu.memref_slice %arg8[%dma_start3A_18, %dma_start3A_19] : memref<10240x128xf32, #tpu.memory_space<vmem_shared>> -> memref<10240x128xf32, #tpu.memory_space<vmem_shared>>
          tpu.enqueue_indirect_dma source(%arg7 : memref<80x128xf32, #tpu.memory_space<vmem>>) target(%dma_start3A_20 : memref<10240x128xf32, #tpu.memory_space<vmem_shared>>) offsets(%dma_start3A_17 : memref<80xi32, #tpu.memory_space<vmem>>) semaphore(%run_scoped3A : memref<!tpu.dma_semaphore, #tpu.memory_space<semaphore_mem>>) {add = true}
          %dma_wait3A = arith.constant 0 : i32
          %dma_wait3A_21 = tpu.memref_slice %arg6[%add3A_15, %dma_wait3A] : memref<125x80xi32, #tpu.memory_space<vmem>> -> memref<1x80xi32, #tpu.memory_space<vmem>>
          %dma_wait3A_22 = tpu.memref_squeeze %dma_wait3A_21 : memref<1x80xi32, #tpu.memory_space<vmem>> -> memref<80xi32, #tpu.memory_space<vmem>>
          %dma_wait3A_23 = arith.constant 0 : i32
          %dma_wait3A_24 = arith.constant 0 : i32
          %dma_wait3A_25 = tpu.memref_slice %arg8[%dma_wait3A_23, %dma_wait3A_24] : memref<10240x128xf32, #tpu.memory_space<vmem_shared>> -> memref<10240x128xf32, #tpu.memory_space<vmem_shared>>
          tpu.wait_indirect_dma semaphore(%run_scoped3A : memref<!tpu.dma_semaphore, #tpu.memory_space<semaphore_mem>>) src(%arg7 : memref<80x128xf32, #tpu.memory_space<vmem>>) dst(%dma_wait3A_25 : memref<10240x128xf32, #tpu.memory_space<vmem_shared>>)
          tpu.yield
        }) : () -> ()
      }
      %scan3A_6 = arith.constant 125 : i32
      %barrier3A_7 = arith.constant 0 : index
      tpu.barrier barrier_id(%barrier3A_7)
      %mul3A_8 = arith.constant 640 : i32
      %mul3A_9 = arith.muli %arg1, %mul3A_8 : i32
      %mul3A_10 = arith.constant 640 : i32
      %mul3A_11 = arith.muli %arg1, %mul3A_10 : i32
      "tpu.region"() ({
        %run_scoped3A = tpu.sem_alloc : memref<!tpu.dma_semaphore, #tpu.memory_space<semaphore_mem>>
        %dma_start3A = arith.constant 0 : i32
        %dma_start3A_12 = tpu.memref_slice %arg5[%mul3A_11, %dma_start3A] : memref<10240x128xf32, #tpu.memory_space<hbm>> -> memref<640x128xf32, #tpu.memory_space<hbm>>
        %dma_start3A_13 = arith.constant 0 : i32
        %dma_start3A_14 = tpu.memref_slice %arg8[%mul3A_9, %dma_start3A_13] : memref<10240x128xf32, #tpu.memory_space<vmem_shared>> -> memref<640x128xf32, #tpu.memory_space<vmem_shared>>
        tpu.enqueue_dma source(%dma_start3A_14 : memref<640x128xf32, #tpu.memory_space<vmem_shared>>) target(%dma_start3A_12 : memref<640x128xf32, #tpu.memory_space<hbm>>) target_semaphore(%run_scoped3A : memref<!tpu.dma_semaphore, #tpu.memory_space<semaphore_mem>>)
        %dma_wait3A = arith.constant 0 : i32
        %dma_wait3A_15 = tpu.memref_slice %arg5[%mul3A_11, %dma_wait3A] : memref<10240x128xf32, #tpu.memory_space<hbm>> -> memref<640x128xf32, #tpu.memory_space<hbm>>
        %dma_wait3A_16 = arith.constant 0 : i32
        %dma_wait3A_17 = tpu.memref_slice %arg8[%mul3A_9, %dma_wait3A_16] : memref<10240x128xf32, #tpu.memory_space<vmem_shared>> -> memref<640x128xf32, #tpu.memory_space<vmem_shared>>
        tpu.wait_dma2 semaphore(%run_scoped3A : memref<!tpu.dma_semaphore, #tpu.memory_space<semaphore_mem>>) src(%dma_wait3A_17 : memref<640x128xf32, #tpu.memory_space<vmem_shared>>) dst(%dma_wait3A_15 : memref<640x128xf32, #tpu.memory_space<hbm>>)
        tpu.yield
      }) : () -> ()
    } else {
    }
    return
  }
}

#map = affine_map<(d0, d1) -> (0, 0)>
#map1 = affine_map<(d0, d1) -> (0, 0, 0)>
module attributes {stable_mosaic.version = 14 : i64} {
  func.func @body(%arg0: i32, %arg1: i32, %arg2: memref<10000x128xf32, #tpu.memory_space<hbm>>, %arg3: memref<10000x128xf32, #tpu.memory_space<hbm>>, %arg4: memref<16x125x80xi32, #tpu.memory_space<hbm>>, %arg5: memref<16x125x80xi32, #tpu.memory_space<hbm>>, %arg6: memref<640x128xf32, #tpu.memory_space<hbm>>, %arg7: memref<10240x128xf32, #tpu.memory_space<hbm>>, %arg8: memref<10240x128xf32, #tpu.memory_space<hbm>>, %arg9: memref<125x80xi32, #tpu.memory_space<vmem>>, %arg10: memref<125x80xi32, #tpu.memory_space<vmem>>, %arg11: memref<80x128xf32, #tpu.memory_space<vmem>>, %arg12: memref<10240x128xf32, #tpu.memory_space<vmem_shared>>) attributes {dimension_semantics = [#tpu.dimension_semantics<core_parallel>, #tpu.dimension_semantics<subcore_parallel>], iteration_bounds = array<i64: 2, 16>, scalar_prefetch = 0 : i64, scratch_operands = 4 : i64, tpu.core_type = #tpu.core_type<sc_vector_subcore>, window_params = [{transform_indices = #map}, {transform_indices = #map}, {transform_indices = #map1}, {transform_indices = #map1}, {transform_indices = #map}, {transform_indices = #map}, {transform_indices = #map}]} {
    "tpu.region"() ({
      %run_scoped3A = tpu.sem_alloc : memref<!tpu.dma_semaphore, #tpu.memory_space<semaphore_mem>>
      %dma_start3A = arith.constant 0 : i32
      %dma_start3A_7 = arith.constant 0 : i32
      %dma_start3A_8 = tpu.memref_slice %arg4[%arg1, %dma_start3A, %dma_start3A_7] : memref<16x125x80xi32, #tpu.memory_space<hbm>> -> memref<1x125x80xi32, #tpu.memory_space<hbm>>
      %dma_start3A_9 = tpu.memref_squeeze %dma_start3A_8 : memref<1x125x80xi32, #tpu.memory_space<hbm>> -> memref<125x80xi32, #tpu.memory_space<hbm>>
      %dma_start3A_10 = arith.constant 0 : i32
      %dma_start3A_11 = arith.constant 0 : i32
      %dma_start3A_12 = tpu.memref_slice %arg4[%arg1, %dma_start3A_10, %dma_start3A_11] : memref<16x125x80xi32, #tpu.memory_space<hbm>> -> memref<1x125x80xi32, #tpu.memory_space<hbm>>
      %dma_start3A_13 = tpu.memref_squeeze %dma_start3A_12 : memref<1x125x80xi32, #tpu.memory_space<hbm>> -> memref<125x80xi32, #tpu.memory_space<hbm>>
      tpu.enqueue_dma source(%dma_start3A_13 : memref<125x80xi32, #tpu.memory_space<hbm>>) target(%arg9 : memref<125x80xi32, #tpu.memory_space<vmem>>) target_semaphore(%run_scoped3A : memref<!tpu.dma_semaphore, #tpu.memory_space<semaphore_mem>>)
      %dma_wait3A = arith.constant 0 : i32
      %dma_wait3A_14 = arith.constant 0 : i32
      %dma_wait3A_15 = tpu.memref_slice %arg4[%arg1, %dma_wait3A, %dma_wait3A_14] : memref<16x125x80xi32, #tpu.memory_space<hbm>> -> memref<1x125x80xi32, #tpu.memory_space<hbm>>
      %dma_wait3A_16 = tpu.memref_squeeze %dma_wait3A_15 : memref<1x125x80xi32, #tpu.memory_space<hbm>> -> memref<125x80xi32, #tpu.memory_space<hbm>>
      %dma_wait3A_17 = arith.constant 0 : i32
      %dma_wait3A_18 = arith.constant 0 : i32
      %dma_wait3A_19 = tpu.memref_slice %arg4[%arg1, %dma_wait3A_17, %dma_wait3A_18] : memref<16x125x80xi32, #tpu.memory_space<hbm>> -> memref<1x125x80xi32, #tpu.memory_space<hbm>>
      %dma_wait3A_20 = tpu.memref_squeeze %dma_wait3A_19 : memref<1x125x80xi32, #tpu.memory_space<hbm>> -> memref<125x80xi32, #tpu.memory_space<hbm>>
      tpu.wait_dma2 semaphore(%run_scoped3A : memref<!tpu.dma_semaphore, #tpu.memory_space<semaphore_mem>>) src(%dma_wait3A_20 : memref<125x80xi32, #tpu.memory_space<hbm>>) dst(%arg9 : memref<125x80xi32, #tpu.memory_space<vmem>>)
      tpu.yield
    }) : () -> ()
    "tpu.region"() ({
      %run_scoped3A = tpu.sem_alloc : memref<!tpu.dma_semaphore, #tpu.memory_space<semaphore_mem>>
      %dma_start3A = arith.constant 0 : i32
      %dma_start3A_7 = arith.constant 0 : i32
      %dma_start3A_8 = tpu.memref_slice %arg5[%arg1, %dma_start3A, %dma_start3A_7] : memref<16x125x80xi32, #tpu.memory_space<hbm>> -> memref<1x125x80xi32, #tpu.memory_space<hbm>>
      %dma_start3A_9 = tpu.memref_squeeze %dma_start3A_8 : memref<1x125x80xi32, #tpu.memory_space<hbm>> -> memref<125x80xi32, #tpu.memory_space<hbm>>
      %dma_start3A_10 = arith.constant 0 : i32
      %dma_start3A_11 = arith.constant 0 : i32
      %dma_start3A_12 = tpu.memref_slice %arg5[%arg1, %dma_start3A_10, %dma_start3A_11] : memref<16x125x80xi32, #tpu.memory_space<hbm>> -> memref<1x125x80xi32, #tpu.memory_space<hbm>>
      %dma_start3A_13 = tpu.memref_squeeze %dma_start3A_12 : memref<1x125x80xi32, #tpu.memory_space<hbm>> -> memref<125x80xi32, #tpu.memory_space<hbm>>
      tpu.enqueue_dma source(%dma_start3A_13 : memref<125x80xi32, #tpu.memory_space<hbm>>) target(%arg10 : memref<125x80xi32, #tpu.memory_space<vmem>>) target_semaphore(%run_scoped3A : memref<!tpu.dma_semaphore, #tpu.memory_space<semaphore_mem>>)
      %dma_wait3A = arith.constant 0 : i32
      %dma_wait3A_14 = arith.constant 0 : i32
      %dma_wait3A_15 = tpu.memref_slice %arg5[%arg1, %dma_wait3A, %dma_wait3A_14] : memref<16x125x80xi32, #tpu.memory_space<hbm>> -> memref<1x125x80xi32, #tpu.memory_space<hbm>>
      %dma_wait3A_16 = tpu.memref_squeeze %dma_wait3A_15 : memref<1x125x80xi32, #tpu.memory_space<hbm>> -> memref<125x80xi32, #tpu.memory_space<hbm>>
      %dma_wait3A_17 = arith.constant 0 : i32
      %dma_wait3A_18 = arith.constant 0 : i32
      %dma_wait3A_19 = tpu.memref_slice %arg5[%arg1, %dma_wait3A_17, %dma_wait3A_18] : memref<16x125x80xi32, #tpu.memory_space<hbm>> -> memref<1x125x80xi32, #tpu.memory_space<hbm>>
      %dma_wait3A_20 = tpu.memref_squeeze %dma_wait3A_19 : memref<1x125x80xi32, #tpu.memory_space<hbm>> -> memref<125x80xi32, #tpu.memory_space<hbm>>
      tpu.wait_dma2 semaphore(%run_scoped3A : memref<!tpu.dma_semaphore, #tpu.memory_space<semaphore_mem>>) src(%dma_wait3A_20 : memref<125x80xi32, #tpu.memory_space<hbm>>) dst(%arg10 : memref<125x80xi32, #tpu.memory_space<vmem>>)
      tpu.yield
    }) : () -> ()
    %eq3A = arith.constant 0 : i32
    %eq3A_0 = arith.cmpi eq, %arg0, %eq3A : i32
    %convert_element_type3A = arith.extui %eq3A_0 : i1 to i32
    %cond3A = arith.constant 0 : i32
    %cond3A_1 = arith.cmpi ne, %convert_element_type3A, %cond3A : i32
    scf.if %cond3A_1 {
      %mul3A = arith.constant 640 : i32
      %mul3A_7 = arith.muli %arg1, %mul3A : i32
      "tpu.region"() ({
        %run_scoped3A = tpu.sem_alloc : memref<!tpu.dma_semaphore, #tpu.memory_space<semaphore_mem>>
        %dma_start3A = arith.constant 0 : i32
        %dma_start3A_17 = tpu.memref_slice %arg12[%mul3A_7, %dma_start3A] : memref<10240x128xf32, #tpu.memory_space<vmem_shared>> -> memref<640x128xf32, #tpu.memory_space<vmem_shared>>
        tpu.enqueue_dma source(%arg6 : memref<640x128xf32, #tpu.memory_space<hbm>>) target(%dma_start3A_17 : memref<640x128xf32, #tpu.memory_space<vmem_shared>>) target_semaphore(%run_scoped3A : memref<!tpu.dma_semaphore, #tpu.memory_space<semaphore_mem>>)
        %dma_wait3A = arith.constant 0 : i32
        %dma_wait3A_18 = tpu.memref_slice %arg12[%mul3A_7, %dma_wait3A] : memref<10240x128xf32, #tpu.memory_space<vmem_shared>> -> memref<640x128xf32, #tpu.memory_space<vmem_shared>>
        tpu.wait_dma2 semaphore(%run_scoped3A : memref<!tpu.dma_semaphore, #tpu.memory_space<semaphore_mem>>) src(%arg6 : memref<640x128xf32, #tpu.memory_space<hbm>>) dst(%dma_wait3A_18 : memref<640x128xf32, #tpu.memory_space<vmem_shared>>)
        tpu.yield
      }) : () -> ()
      %barrier3A = arith.constant 0 : index
      tpu.barrier barrier_id(%barrier3A)
      %scan3A = arith.constant 0 : i32
      %scan3A_8 = arith.constant 125 : i32
      %scan3A_9 = arith.addi %scan3A, %scan3A_8 : i32
      %scan3A_10 = arith.constant 1 : i32
      scf.for %scan3A_17 = %scan3A to %scan3A_9 step %scan3A_10  : i32 {
        %mul3A_18 = arith.constant 1 : i32
        %mul3A_19 = arith.muli %scan3A_17, %mul3A_18 : i32
        %add3A = arith.constant 0 : i32
        %add3A_20 = arith.addi %add3A, %mul3A_19 : i32
        "tpu.region"() ({
          %run_scoped3A = tpu.sem_alloc : memref<!tpu.dma_semaphore, #tpu.memory_space<semaphore_mem>>
          %dma_start3A = arith.constant 0 : i32
          %dma_start3A_21 = tpu.memref_slice %arg9[%add3A_20, %dma_start3A] : memref<125x80xi32, #tpu.memory_space<vmem>> -> memref<1x80xi32, #tpu.memory_space<vmem>>
          %dma_start3A_22 = tpu.memref_squeeze %dma_start3A_21 : memref<1x80xi32, #tpu.memory_space<vmem>> -> memref<80xi32, #tpu.memory_space<vmem>>
          %dma_start3A_23 = arith.constant 0 : i32
          %dma_start3A_24 = arith.constant 0 : i32
          %dma_start3A_25 = tpu.memref_slice %arg2[%dma_start3A_23, %dma_start3A_24] : memref<10000x128xf32, #tpu.memory_space<hbm>> -> memref<10000x128xf32, #tpu.memory_space<hbm>>
          tpu.enqueue_indirect_dma source(%dma_start3A_25 : memref<10000x128xf32, #tpu.memory_space<hbm>>) target(%arg11 : memref<80x128xf32, #tpu.memory_space<vmem>>) offsets(%dma_start3A_22 : memref<80xi32, #tpu.memory_space<vmem>>) semaphore(%run_scoped3A : memref<!tpu.dma_semaphore, #tpu.memory_space<semaphore_mem>>)
          %dma_wait3A = arith.constant 0 : i32
          %dma_wait3A_26 = tpu.memref_slice %arg9[%add3A_20, %dma_wait3A] : memref<125x80xi32, #tpu.memory_space<vmem>> -> memref<1x80xi32, #tpu.memory_space<vmem>>
          %dma_wait3A_27 = tpu.memref_squeeze %dma_wait3A_26 : memref<1x80xi32, #tpu.memory_space<vmem>> -> memref<80xi32, #tpu.memory_space<vmem>>
          %dma_wait3A_28 = arith.constant 0 : i32
          %dma_wait3A_29 = arith.constant 0 : i32
          %dma_wait3A_30 = tpu.memref_slice %arg2[%dma_wait3A_28, %dma_wait3A_29] : memref<10000x128xf32, #tpu.memory_space<hbm>> -> memref<10000x128xf32, #tpu.memory_space<hbm>>
          tpu.wait_indirect_dma semaphore(%run_scoped3A : memref<!tpu.dma_semaphore, #tpu.memory_space<semaphore_mem>>) src(%dma_wait3A_30 : memref<10000x128xf32, #tpu.memory_space<hbm>>) dst(%arg11 : memref<80x128xf32, #tpu.memory_space<vmem>>)
          tpu.yield
        }) : () -> ()
        "tpu.region"() ({
          %run_scoped3A = tpu.sem_alloc : memref<!tpu.dma_semaphore, #tpu.memory_space<semaphore_mem>>
          %dma_start3A = arith.constant 0 : i32
          %dma_start3A_21 = tpu.memref_slice %arg10[%add3A_20, %dma_start3A] : memref<125x80xi32, #tpu.memory_space<vmem>> -> memref<1x80xi32, #tpu.memory_space<vmem>>
          %dma_start3A_22 = tpu.memref_squeeze %dma_start3A_21 : memref<1x80xi32, #tpu.memory_space<vmem>> -> memref<80xi32, #tpu.memory_space<vmem>>
          %dma_start3A_23 = arith.constant 0 : i32
          %dma_start3A_24 = arith.constant 0 : i32
          %dma_start3A_25 = tpu.memref_slice %arg12[%dma_start3A_23, %dma_start3A_24] : memref<10240x128xf32, #tpu.memory_space<vmem_shared>> -> memref<10240x128xf32, #tpu.memory_space<vmem_shared>>
          tpu.enqueue_indirect_dma source(%arg11 : memref<80x128xf32, #tpu.memory_space<vmem>>) target(%dma_start3A_25 : memref<10240x128xf32, #tpu.memory_space<vmem_shared>>) offsets(%dma_start3A_22 : memref<80xi32, #tpu.memory_space<vmem>>) semaphore(%run_scoped3A : memref<!tpu.dma_semaphore, #tpu.memory_space<semaphore_mem>>) {add = true}
          %dma_wait3A = arith.constant 0 : i32
          %dma_wait3A_26 = tpu.memref_slice %arg10[%add3A_20, %dma_wait3A] : memref<125x80xi32, #tpu.memory_space<vmem>> -> memref<1x80xi32, #tpu.memory_space<vmem>>
          %dma_wait3A_27 = tpu.memref_squeeze %dma_wait3A_26 : memref<1x80xi32, #tpu.memory_space<vmem>> -> memref<80xi32, #tpu.memory_space<vmem>>
          %dma_wait3A_28 = arith.constant 0 : i32
          %dma_wait3A_29 = arith.constant 0 : i32
          %dma_wait3A_30 = tpu.memref_slice %arg12[%dma_wait3A_28, %dma_wait3A_29] : memref<10240x128xf32, #tpu.memory_space<vmem_shared>> -> memref<10240x128xf32, #tpu.memory_space<vmem_shared>>
          tpu.wait_indirect_dma semaphore(%run_scoped3A : memref<!tpu.dma_semaphore, #tpu.memory_space<semaphore_mem>>) src(%arg11 : memref<80x128xf32, #tpu.memory_space<vmem>>) dst(%dma_wait3A_30 : memref<10240x128xf32, #tpu.memory_space<vmem_shared>>)
          tpu.yield
        }) : () -> ()
      }
      %scan3A_11 = arith.constant 125 : i32
      %barrier3A_12 = arith.constant 0 : index
      tpu.barrier barrier_id(%barrier3A_12)
      %mul3A_13 = arith.constant 640 : i32
      %mul3A_14 = arith.muli %arg1, %mul3A_13 : i32
      %mul3A_15 = arith.constant 640 : i32
      %mul3A_16 = arith.muli %arg1, %mul3A_15 : i32
      "tpu.region"() ({
        %run_scoped3A = tpu.sem_alloc : memref<!tpu.dma_semaphore, #tpu.memory_space<semaphore_mem>>
        %dma_start3A = arith.constant 0 : i32
        %dma_start3A_17 = tpu.memref_slice %arg7[%mul3A_16, %dma_start3A] : memref<10240x128xf32, #tpu.memory_space<hbm>> -> memref<640x128xf32, #tpu.memory_space<hbm>>
        %dma_start3A_18 = arith.constant 0 : i32
        %dma_start3A_19 = tpu.memref_slice %arg12[%mul3A_14, %dma_start3A_18] : memref<10240x128xf32, #tpu.memory_space<vmem_shared>> -> memref<640x128xf32, #tpu.memory_space<vmem_shared>>
        tpu.enqueue_dma source(%dma_start3A_19 : memref<640x128xf32, #tpu.memory_space<vmem_shared>>) target(%dma_start3A_17 : memref<640x128xf32, #tpu.memory_space<hbm>>) target_semaphore(%run_scoped3A : memref<!tpu.dma_semaphore, #tpu.memory_space<semaphore_mem>>)
        %dma_wait3A = arith.constant 0 : i32
        %dma_wait3A_20 = tpu.memref_slice %arg7[%mul3A_16, %dma_wait3A] : memref<10240x128xf32, #tpu.memory_space<hbm>> -> memref<640x128xf32, #tpu.memory_space<hbm>>
        %dma_wait3A_21 = arith.constant 0 : i32
        %dma_wait3A_22 = tpu.memref_slice %arg12[%mul3A_14, %dma_wait3A_21] : memref<10240x128xf32, #tpu.memory_space<vmem_shared>> -> memref<640x128xf32, #tpu.memory_space<vmem_shared>>
        tpu.wait_dma2 semaphore(%run_scoped3A : memref<!tpu.dma_semaphore, #tpu.memory_space<semaphore_mem>>) src(%dma_wait3A_22 : memref<640x128xf32, #tpu.memory_space<vmem_shared>>) dst(%dma_wait3A_20 : memref<640x128xf32, #tpu.memory_space<hbm>>)
        tpu.yield
      }) : () -> ()
    } else {
    }
    %eq3A_2 = arith.constant 1 : i32
    %eq3A_3 = arith.cmpi eq, %arg0, %eq3A_2 : i32
    %convert_element_type3A_4 = arith.extui %eq3A_3 : i1 to i32
    %cond3A_5 = arith.constant 0 : i32
    %cond3A_6 = arith.cmpi ne, %convert_element_type3A_4, %cond3A_5 : i32
    scf.if %cond3A_6 {
      %mul3A = arith.constant 640 : i32
      %mul3A_7 = arith.muli %arg1, %mul3A : i32
      "tpu.region"() ({
        %run_scoped3A = tpu.sem_alloc : memref<!tpu.dma_semaphore, #tpu.memory_space<semaphore_mem>>
        %dma_start3A = arith.constant 0 : i32
        %dma_start3A_17 = tpu.memref_slice %arg12[%mul3A_7, %dma_start3A] : memref<10240x128xf32, #tpu.memory_space<vmem_shared>> -> memref<640x128xf32, #tpu.memory_space<vmem_shared>>
        tpu.enqueue_dma source(%arg6 : memref<640x128xf32, #tpu.memory_space<hbm>>) target(%dma_start3A_17 : memref<640x128xf32, #tpu.memory_space<vmem_shared>>) target_semaphore(%run_scoped3A : memref<!tpu.dma_semaphore, #tpu.memory_space<semaphore_mem>>)
        %dma_wait3A = arith.constant 0 : i32
        %dma_wait3A_18 = tpu.memref_slice %arg12[%mul3A_7, %dma_wait3A] : memref<10240x128xf32, #tpu.memory_space<vmem_shared>> -> memref<640x128xf32, #tpu.memory_space<vmem_shared>>
        tpu.wait_dma2 semaphore(%run_scoped3A : memref<!tpu.dma_semaphore, #tpu.memory_space<semaphore_mem>>) src(%arg6 : memref<640x128xf32, #tpu.memory_space<hbm>>) dst(%dma_wait3A_18 : memref<640x128xf32, #tpu.memory_space<vmem_shared>>)
        tpu.yield
      }) : () -> ()
      %barrier3A = arith.constant 0 : index
      tpu.barrier barrier_id(%barrier3A)
      %scan3A = arith.constant 0 : i32
      %scan3A_8 = arith.constant 125 : i32
      %scan3A_9 = arith.addi %scan3A, %scan3A_8 : i32
      %scan3A_10 = arith.constant 1 : i32
      scf.for %scan3A_17 = %scan3A to %scan3A_9 step %scan3A_10  : i32 {
        %mul3A_18 = arith.constant 1 : i32
        %mul3A_19 = arith.muli %scan3A_17, %mul3A_18 : i32
        %add3A = arith.constant 0 : i32
        %add3A_20 = arith.addi %add3A, %mul3A_19 : i32
        "tpu.region"() ({
          %run_scoped3A = tpu.sem_alloc : memref<!tpu.dma_semaphore, #tpu.memory_space<semaphore_mem>>
          %dma_start3A = arith.constant 0 : i32
          %dma_start3A_21 = tpu.memref_slice %arg9[%add3A_20, %dma_start3A] : memref<125x80xi32, #tpu.memory_space<vmem>> -> memref<1x80xi32, #tpu.memory_space<vmem>>
          %dma_start3A_22 = tpu.memref_squeeze %dma_start3A_21 : memref<1x80xi32, #tpu.memory_space<vmem>> -> memref<80xi32, #tpu.memory_space<vmem>>
          %dma_start3A_23 = arith.constant 0 : i32
          %dma_start3A_24 = arith.constant 0 : i32
          %dma_start3A_25 = tpu.memref_slice %arg3[%dma_start3A_23, %dma_start3A_24] : memref<10000x128xf32, #tpu.memory_space<hbm>> -> memref<10000x128xf32, #tpu.memory_space<hbm>>
          tpu.enqueue_indirect_dma source(%dma_start3A_25 : memref<10000x128xf32, #tpu.memory_space<hbm>>) target(%arg11 : memref<80x128xf32, #tpu.memory_space<vmem>>) offsets(%dma_start3A_22 : memref<80xi32, #tpu.memory_space<vmem>>) semaphore(%run_scoped3A : memref<!tpu.dma_semaphore, #tpu.memory_space<semaphore_mem>>)
          %dma_wait3A = arith.constant 0 : i32
          %dma_wait3A_26 = tpu.memref_slice %arg9[%add3A_20, %dma_wait3A] : memref<125x80xi32, #tpu.memory_space<vmem>> -> memref<1x80xi32, #tpu.memory_space<vmem>>
          %dma_wait3A_27 = tpu.memref_squeeze %dma_wait3A_26 : memref<1x80xi32, #tpu.memory_space<vmem>> -> memref<80xi32, #tpu.memory_space<vmem>>
          %dma_wait3A_28 = arith.constant 0 : i32
          %dma_wait3A_29 = arith.constant 0 : i32
          %dma_wait3A_30 = tpu.memref_slice %arg3[%dma_wait3A_28, %dma_wait3A_29] : memref<10000x128xf32, #tpu.memory_space<hbm>> -> memref<10000x128xf32, #tpu.memory_space<hbm>>
          tpu.wait_indirect_dma semaphore(%run_scoped3A : memref<!tpu.dma_semaphore, #tpu.memory_space<semaphore_mem>>) src(%dma_wait3A_30 : memref<10000x128xf32, #tpu.memory_space<hbm>>) dst(%arg11 : memref<80x128xf32, #tpu.memory_space<vmem>>)
          tpu.yield
        }) : () -> ()
        "tpu.region"() ({
          %run_scoped3A = tpu.sem_alloc : memref<!tpu.dma_semaphore, #tpu.memory_space<semaphore_mem>>
          %dma_start3A = arith.constant 0 : i32
          %dma_start3A_21 = tpu.memref_slice %arg10[%add3A_20, %dma_start3A] : memref<125x80xi32, #tpu.memory_space<vmem>> -> memref<1x80xi32, #tpu.memory_space<vmem>>
          %dma_start3A_22 = tpu.memref_squeeze %dma_start3A_21 : memref<1x80xi32, #tpu.memory_space<vmem>> -> memref<80xi32, #tpu.memory_space<vmem>>
          %dma_start3A_23 = arith.constant 0 : i32
          %dma_start3A_24 = arith.constant 0 : i32
          %dma_start3A_25 = tpu.memref_slice %arg12[%dma_start3A_23, %dma_start3A_24] : memref<10240x128xf32, #tpu.memory_space<vmem_shared>> -> memref<10240x128xf32, #tpu.memory_space<vmem_shared>>
          tpu.enqueue_indirect_dma source(%arg11 : memref<80x128xf32, #tpu.memory_space<vmem>>) target(%dma_start3A_25 : memref<10240x128xf32, #tpu.memory_space<vmem_shared>>) offsets(%dma_start3A_22 : memref<80xi32, #tpu.memory_space<vmem>>) semaphore(%run_scoped3A : memref<!tpu.dma_semaphore, #tpu.memory_space<semaphore_mem>>) {add = true}
          %dma_wait3A = arith.constant 0 : i32
          %dma_wait3A_26 = tpu.memref_slice %arg10[%add3A_20, %dma_wait3A] : memref<125x80xi32, #tpu.memory_space<vmem>> -> memref<1x80xi32, #tpu.memory_space<vmem>>
          %dma_wait3A_27 = tpu.memref_squeeze %dma_wait3A_26 : memref<1x80xi32, #tpu.memory_space<vmem>> -> memref<80xi32, #tpu.memory_space<vmem>>
          %dma_wait3A_28 = arith.constant 0 : i32
          %dma_wait3A_29 = arith.constant 0 : i32
          %dma_wait3A_30 = tpu.memref_slice %arg12[%dma_wait3A_28, %dma_wait3A_29] : memref<10240x128xf32, #tpu.memory_space<vmem_shared>> -> memref<10240x128xf32, #tpu.memory_space<vmem_shared>>
          tpu.wait_indirect_dma semaphore(%run_scoped3A : memref<!tpu.dma_semaphore, #tpu.memory_space<semaphore_mem>>) src(%arg11 : memref<80x128xf32, #tpu.memory_space<vmem>>) dst(%dma_wait3A_30 : memref<10240x128xf32, #tpu.memory_space<vmem_shared>>)
          tpu.yield
        }) : () -> ()
      }
      %scan3A_11 = arith.constant 125 : i32
      %barrier3A_12 = arith.constant 0 : index
      tpu.barrier barrier_id(%barrier3A_12)
      %mul3A_13 = arith.constant 640 : i32
      %mul3A_14 = arith.muli %arg1, %mul3A_13 : i32
      %mul3A_15 = arith.constant 640 : i32
      %mul3A_16 = arith.muli %arg1, %mul3A_15 : i32
      "tpu.region"() ({
        %run_scoped3A = tpu.sem_alloc : memref<!tpu.dma_semaphore, #tpu.memory_space<semaphore_mem>>
        %dma_start3A = arith.constant 0 : i32
        %dma_start3A_17 = tpu.memref_slice %arg8[%mul3A_16, %dma_start3A] : memref<10240x128xf32, #tpu.memory_space<hbm>> -> memref<640x128xf32, #tpu.memory_space<hbm>>
        %dma_start3A_18 = arith.constant 0 : i32
        %dma_start3A_19 = tpu.memref_slice %arg12[%mul3A_14, %dma_start3A_18] : memref<10240x128xf32, #tpu.memory_space<vmem_shared>> -> memref<640x128xf32, #tpu.memory_space<vmem_shared>>
        tpu.enqueue_dma source(%dma_start3A_19 : memref<640x128xf32, #tpu.memory_space<vmem_shared>>) target(%dma_start3A_17 : memref<640x128xf32, #tpu.memory_space<hbm>>) target_semaphore(%run_scoped3A : memref<!tpu.dma_semaphore, #tpu.memory_space<semaphore_mem>>)
        %dma_wait3A = arith.constant 0 : i32
        %dma_wait3A_20 = tpu.memref_slice %arg8[%mul3A_16, %dma_wait3A] : memref<10240x128xf32, #tpu.memory_space<hbm>> -> memref<640x128xf32, #tpu.memory_space<hbm>>
        %dma_wait3A_21 = arith.constant 0 : i32
        %dma_wait3A_22 = tpu.memref_slice %arg12[%mul3A_14, %dma_wait3A_21] : memref<10240x128xf32, #tpu.memory_space<vmem_shared>> -> memref<640x128xf32, #tpu.memory_space<vmem_shared>>
        tpu.wait_dma2 semaphore(%run_scoped3A : memref<!tpu.dma_semaphore, #tpu.memory_space<semaphore_mem>>) src(%dma_wait3A_22 : memref<640x128xf32, #tpu.memory_space<vmem_shared>>) dst(%dma_wait3A_20 : memref<640x128xf32, #tpu.memory_space<hbm>>)
        tpu.yield
      }) : () -> ()
    } else {
    }
    return
  }
}

#map = affine_map<(d0, d1) -> (0, 0)>
#map1 = affine_map<(d0, d1) -> (0, 0, 0)>
module attributes {stable_mosaic.version = 14 : i64} {
  func.func @body(%arg0: i32, %arg1: i32, %arg2: memref<10000x128xf32, #tpu.memory_space<hbm>>, %arg3: memref<10000x128xf32, #tpu.memory_space<hbm>>, %arg4: memref<16x125x80xi32, #tpu.memory_space<hbm>>, %arg5: memref<16x125x80xi32, #tpu.memory_space<hbm>>, %arg6: memref<640x128xf32, #tpu.memory_space<hbm>>, %arg7: memref<10240x128xf32, #tpu.memory_space<hbm>>, %arg8: memref<10240x128xf32, #tpu.memory_space<hbm>>, %arg9: memref<125x80xi32, #tpu.memory_space<vmem>>, %arg10: memref<125x80xi32, #tpu.memory_space<vmem>>, %arg11: memref<80x128xf32, #tpu.memory_space<vmem>>, %arg12: memref<10240x128xf32, #tpu.memory_space<vmem_shared>>) attributes {dimension_semantics = [#tpu.dimension_semantics<core_parallel>, #tpu.dimension_semantics<subcore_parallel>], iteration_bounds = array<i64: 2, 16>, scalar_prefetch = 0 : i64, scratch_operands = 4 : i64, tpu.core_type = #tpu.core_type<sc_vector_subcore>, window_params = [{transform_indices = #map}, {transform_indices = #map}, {transform_indices = #map1}, {transform_indices = #map1}, {transform_indices = #map}, {transform_indices = #map}, {transform_indices = #map}]} {
    "tpu.region"() ({
      %run_scoped3A = tpu.sem_alloc : memref<!tpu.dma_semaphore, #tpu.memory_space<semaphore_mem>>
      %dma_start3A = arith.constant 0 : i32
      %dma_start3A_7 = arith.constant 0 : i32
      %dma_start3A_8 = tpu.memref_slice %arg4[%arg1, %dma_start3A, %dma_start3A_7] : memref<16x125x80xi32, #tpu.memory_space<hbm>> -> memref<1x125x80xi32, #tpu.memory_space<hbm>>
      %dma_start3A_9 = tpu.memref_squeeze %dma_start3A_8 : memref<1x125x80xi32, #tpu.memory_space<hbm>> -> memref<125x80xi32, #tpu.memory_space<hbm>>
      %dma_start3A_10 = arith.constant 0 : i32
      %dma_start3A_11 = arith.constant 0 : i32
      %dma_start3A_12 = tpu.memref_slice %arg4[%arg1, %dma_start3A_10, %dma_start3A_11] : memref<16x125x80xi32, #tpu.memory_space<hbm>> -> memref<1x125x80xi32, #tpu.memory_space<hbm>>
      %dma_start3A_13 = tpu.memref_squeeze %dma_start3A_12 : memref<1x125x80xi32, #tpu.memory_space<hbm>> -> memref<125x80xi32, #tpu.memory_space<hbm>>
      tpu.enqueue_dma source(%dma_start3A_13 : memref<125x80xi32, #tpu.memory_space<hbm>>) target(%arg9 : memref<125x80xi32, #tpu.memory_space<vmem>>) target_semaphore(%run_scoped3A : memref<!tpu.dma_semaphore, #tpu.memory_space<semaphore_mem>>)
      %dma_wait3A = arith.constant 0 : i32
      %dma_wait3A_14 = arith.constant 0 : i32
      %dma_wait3A_15 = tpu.memref_slice %arg4[%arg1, %dma_wait3A, %dma_wait3A_14] : memref<16x125x80xi32, #tpu.memory_space<hbm>> -> memref<1x125x80xi32, #tpu.memory_space<hbm>>
      %dma_wait3A_16 = tpu.memref_squeeze %dma_wait3A_15 : memref<1x125x80xi32, #tpu.memory_space<hbm>> -> memref<125x80xi32, #tpu.memory_space<hbm>>
      %dma_wait3A_17 = arith.constant 0 : i32
      %dma_wait3A_18 = arith.constant 0 : i32
      %dma_wait3A_19 = tpu.memref_slice %arg4[%arg1, %dma_wait3A_17, %dma_wait3A_18] : memref<16x125x80xi32, #tpu.memory_space<hbm>> -> memref<1x125x80xi32, #tpu.memory_space<hbm>>
      %dma_wait3A_20 = tpu.memref_squeeze %dma_wait3A_19 : memref<1x125x80xi32, #tpu.memory_space<hbm>> -> memref<125x80xi32, #tpu.memory_space<hbm>>
      tpu.wait_dma2 semaphore(%run_scoped3A : memref<!tpu.dma_semaphore, #tpu.memory_space<semaphore_mem>>) src(%dma_wait3A_20 : memref<125x80xi32, #tpu.memory_space<hbm>>) dst(%arg9 : memref<125x80xi32, #tpu.memory_space<vmem>>)
      tpu.yield
    }) : () -> ()
    "tpu.region"() ({
      %run_scoped3A = tpu.sem_alloc : memref<!tpu.dma_semaphore, #tpu.memory_space<semaphore_mem>>
      %dma_start3A = arith.constant 0 : i32
      %dma_start3A_7 = arith.constant 0 : i32
      %dma_start3A_8 = tpu.memref_slice %arg5[%arg1, %dma_start3A, %dma_start3A_7] : memref<16x125x80xi32, #tpu.memory_space<hbm>> -> memref<1x125x80xi32, #tpu.memory_space<hbm>>
      %dma_start3A_9 = tpu.memref_squeeze %dma_start3A_8 : memref<1x125x80xi32, #tpu.memory_space<hbm>> -> memref<125x80xi32, #tpu.memory_space<hbm>>
      %dma_start3A_10 = arith.constant 0 : i32
      %dma_start3A_11 = arith.constant 0 : i32
      %dma_start3A_12 = tpu.memref_slice %arg5[%arg1, %dma_start3A_10, %dma_start3A_11] : memref<16x125x80xi32, #tpu.memory_space<hbm>> -> memref<1x125x80xi32, #tpu.memory_space<hbm>>
      %dma_start3A_13 = tpu.memref_squeeze %dma_start3A_12 : memref<1x125x80xi32, #tpu.memory_space<hbm>> -> memref<125x80xi32, #tpu.memory_space<hbm>>
      tpu.enqueue_dma source(%dma_start3A_13 : memref<125x80xi32, #tpu.memory_space<hbm>>) target(%arg10 : memref<125x80xi32, #tpu.memory_space<vmem>>) target_semaphore(%run_scoped3A : memref<!tpu.dma_semaphore, #tpu.memory_space<semaphore_mem>>)
      %dma_wait3A = arith.constant 0 : i32
      %dma_wait3A_14 = arith.constant 0 : i32
      %dma_wait3A_15 = tpu.memref_slice %arg5[%arg1, %dma_wait3A, %dma_wait3A_14] : memref<16x125x80xi32, #tpu.memory_space<hbm>> -> memref<1x125x80xi32, #tpu.memory_space<hbm>>
      %dma_wait3A_16 = tpu.memref_squeeze %dma_wait3A_15 : memref<1x125x80xi32, #tpu.memory_space<hbm>> -> memref<125x80xi32, #tpu.memory_space<hbm>>
      %dma_wait3A_17 = arith.constant 0 : i32
      %dma_wait3A_18 = arith.constant 0 : i32
      %dma_wait3A_19 = tpu.memref_slice %arg5[%arg1, %dma_wait3A_17, %dma_wait3A_18] : memref<16x125x80xi32, #tpu.memory_space<hbm>> -> memref<1x125x80xi32, #tpu.memory_space<hbm>>
      %dma_wait3A_20 = tpu.memref_squeeze %dma_wait3A_19 : memref<1x125x80xi32, #tpu.memory_space<hbm>> -> memref<125x80xi32, #tpu.memory_space<hbm>>
      tpu.wait_dma2 semaphore(%run_scoped3A : memref<!tpu.dma_semaphore, #tpu.memory_space<semaphore_mem>>) src(%dma_wait3A_20 : memref<125x80xi32, #tpu.memory_space<hbm>>) dst(%arg10 : memref<125x80xi32, #tpu.memory_space<vmem>>)
      tpu.yield
    }) : () -> ()
    %eq3A = arith.constant 0 : i32
    %eq3A_0 = arith.cmpi eq, %arg0, %eq3A : i32
    %convert_element_type3A = arith.extui %eq3A_0 : i1 to i32
    %cond3A = arith.constant 0 : i32
    %cond3A_1 = arith.cmpi ne, %convert_element_type3A, %cond3A : i32
    scf.if %cond3A_1 {
      %mul3A = arith.constant 640 : i32
      %mul3A_7 = arith.muli %arg1, %mul3A : i32
      "tpu.region"() ({
        %run_scoped3A = tpu.sem_alloc : memref<!tpu.dma_semaphore, #tpu.memory_space<semaphore_mem>>
        %dma_start3A = arith.constant 0 : i32
        %dma_start3A_17 = tpu.memref_slice %arg12[%mul3A_7, %dma_start3A] : memref<10240x128xf32, #tpu.memory_space<vmem_shared>> -> memref<640x128xf32, #tpu.memory_space<vmem_shared>>
        tpu.enqueue_dma source(%arg6 : memref<640x128xf32, #tpu.memory_space<hbm>>) target(%dma_start3A_17 : memref<640x128xf32, #tpu.memory_space<vmem_shared>>) target_semaphore(%run_scoped3A : memref<!tpu.dma_semaphore, #tpu.memory_space<semaphore_mem>>)
        %dma_wait3A = arith.constant 0 : i32
        %dma_wait3A_18 = tpu.memref_slice %arg12[%mul3A_7, %dma_wait3A] : memref<10240x128xf32, #tpu.memory_space<vmem_shared>> -> memref<640x128xf32, #tpu.memory_space<vmem_shared>>
        tpu.wait_dma2 semaphore(%run_scoped3A : memref<!tpu.dma_semaphore, #tpu.memory_space<semaphore_mem>>) src(%arg6 : memref<640x128xf32, #tpu.memory_space<hbm>>) dst(%dma_wait3A_18 : memref<640x128xf32, #tpu.memory_space<vmem_shared>>)
        tpu.yield
      }) : () -> ()
      %barrier3A = arith.constant 0 : index
      tpu.barrier barrier_id(%barrier3A)
      %scan3A = arith.constant 0 : i32
      %scan3A_8 = arith.constant 125 : i32
      %scan3A_9 = arith.addi %scan3A, %scan3A_8 : i32
      %scan3A_10 = arith.constant 1 : i32
      scf.for %scan3A_17 = %scan3A to %scan3A_9 step %scan3A_10  : i32 {
        %mul3A_18 = arith.constant 1 : i32
        %mul3A_19 = arith.muli %scan3A_17, %mul3A_18 : i32
        %add3A = arith.constant 0 : i32
        %add3A_20 = arith.addi %add3A, %mul3A_19 : i32
        "tpu.region"() ({
          %run_scoped3A = tpu.sem_alloc : memref<!tpu.dma_semaphore, #tpu.memory_space<semaphore_mem>>
          %dma_start3A = arith.constant 0 : i32
          %dma_start3A_21 = tpu.memref_slice %arg9[%add3A_20, %dma_start3A] : memref<125x80xi32, #tpu.memory_space<vmem>> -> memref<1x80xi32, #tpu.memory_space<vmem>>
          %dma_start3A_22 = tpu.memref_squeeze %dma_start3A_21 : memref<1x80xi32, #tpu.memory_space<vmem>> -> memref<80xi32, #tpu.memory_space<vmem>>
          %dma_start3A_23 = arith.constant 0 : i32
          %dma_start3A_24 = arith.constant 0 : i32
          %dma_start3A_25 = tpu.memref_slice %arg2[%dma_start3A_23, %dma_start3A_24] : memref<10000x128xf32, #tpu.memory_space<hbm>> -> memref<10000x128xf32, #tpu.memory_space<hbm>>
          tpu.enqueue_indirect_dma source(%dma_start3A_25 : memref<10000x128xf32, #tpu.memory_space<hbm>>) target(%arg11 : memref<80x128xf32, #tpu.memory_space<vmem>>) offsets(%dma_start3A_22 : memref<80xi32, #tpu.memory_space<vmem>>) semaphore(%run_scoped3A : memref<!tpu.dma_semaphore, #tpu.memory_space<semaphore_mem>>)
          %dma_wait3A = arith.constant 0 : i32
          %dma_wait3A_26 = tpu.memref_slice %arg9[%add3A_20, %dma_wait3A] : memref<125x80xi32, #tpu.memory_space<vmem>> -> memref<1x80xi32, #tpu.memory_space<vmem>>
          %dma_wait3A_27 = tpu.memref_squeeze %dma_wait3A_26 : memref<1x80xi32, #tpu.memory_space<vmem>> -> memref<80xi32, #tpu.memory_space<vmem>>
          %dma_wait3A_28 = arith.constant 0 : i32
          %dma_wait3A_29 = arith.constant 0 : i32
          %dma_wait3A_30 = tpu.memref_slice %arg2[%dma_wait3A_28, %dma_wait3A_29] : memref<10000x128xf32, #tpu.memory_space<hbm>> -> memref<10000x128xf32, #tpu.memory_space<hbm>>
          tpu.wait_indirect_dma semaphore(%run_scoped3A : memref<!tpu.dma_semaphore, #tpu.memory_space<semaphore_mem>>) src(%dma_wait3A_30 : memref<10000x128xf32, #tpu.memory_space<hbm>>) dst(%arg11 : memref<80x128xf32, #tpu.memory_space<vmem>>)
          tpu.yield
        }) : () -> ()
        "tpu.region"() ({
          %run_scoped3A = tpu.sem_alloc : memref<!tpu.dma_semaphore, #tpu.memory_space<semaphore_mem>>
          %dma_start3A = arith.constant 0 : i32
          %dma_start3A_21 = tpu.memref_slice %arg10[%add3A_20, %dma_start3A] : memref<125x80xi32, #tpu.memory_space<vmem>> -> memref<1x80xi32, #tpu.memory_space<vmem>>
          %dma_start3A_22 = tpu.memref_squeeze %dma_start3A_21 : memref<1x80xi32, #tpu.memory_space<vmem>> -> memref<80xi32, #tpu.memory_space<vmem>>
          %dma_start3A_23 = arith.constant 0 : i32
          %dma_start3A_24 = arith.constant 0 : i32
          %dma_start3A_25 = tpu.memref_slice %arg12[%dma_start3A_23, %dma_start3A_24] : memref<10240x128xf32, #tpu.memory_space<vmem_shared>> -> memref<10240x128xf32, #tpu.memory_space<vmem_shared>>
          tpu.enqueue_indirect_dma source(%arg11 : memref<80x128xf32, #tpu.memory_space<vmem>>) target(%dma_start3A_25 : memref<10240x128xf32, #tpu.memory_space<vmem_shared>>) offsets(%dma_start3A_22 : memref<80xi32, #tpu.memory_space<vmem>>) semaphore(%run_scoped3A : memref<!tpu.dma_semaphore, #tpu.memory_space<semaphore_mem>>) {add = true}
          %dma_wait3A = arith.constant 0 : i32
          %dma_wait3A_26 = tpu.memref_slice %arg10[%add3A_20, %dma_wait3A] : memref<125x80xi32, #tpu.memory_space<vmem>> -> memref<1x80xi32, #tpu.memory_space<vmem>>
          %dma_wait3A_27 = tpu.memref_squeeze %dma_wait3A_26 : memref<1x80xi32, #tpu.memory_space<vmem>> -> memref<80xi32, #tpu.memory_space<vmem>>
          %dma_wait3A_28 = arith.constant 0 : i32
          %dma_wait3A_29 = arith.constant 0 : i32
          %dma_wait3A_30 = tpu.memref_slice %arg12[%dma_wait3A_28, %dma_wait3A_29] : memref<10240x128xf32, #tpu.memory_space<vmem_shared>> -> memref<10240x128xf32, #tpu.memory_space<vmem_shared>>
          tpu.wait_indirect_dma semaphore(%run_scoped3A : memref<!tpu.dma_semaphore, #tpu.memory_space<semaphore_mem>>) src(%arg11 : memref<80x128xf32, #tpu.memory_space<vmem>>) dst(%dma_wait3A_30 : memref<10240x128xf32, #tpu.memory_space<vmem_shared>>)
          tpu.yield
        }) : () -> ()
      }
      %scan3A_11 = arith.constant 125 : i32
      %barrier3A_12 = arith.constant 0 : index
      tpu.barrier barrier_id(%barrier3A_12)
      %mul3A_13 = arith.constant 640 : i32
      %mul3A_14 = arith.muli %arg1, %mul3A_13 : i32
      %mul3A_15 = arith.constant 640 : i32
      %mul3A_16 = arith.muli %arg1, %mul3A_15 : i32
      "tpu.region"() ({
        %run_scoped3A = tpu.sem_alloc : memref<!tpu.dma_semaphore, #tpu.memory_space<semaphore_mem>>
        %dma_start3A = arith.constant 0 : i32
        %dma_start3A_17 = tpu.memref_slice %arg7[%mul3A_16, %dma_start3A] : memref<10240x128xf32, #tpu.memory_space<hbm>> -> memref<640x128xf32, #tpu.memory_space<hbm>>
        %dma_start3A_18 = arith.constant 0 : i32
        %dma_start3A_19 = tpu.memref_slice %arg12[%mul3A_14, %dma_start3A_18] : memref<10240x128xf32, #tpu.memory_space<vmem_shared>> -> memref<640x128xf32, #tpu.memory_space<vmem_shared>>
        tpu.enqueue_dma source(%dma_start3A_19 : memref<640x128xf32, #tpu.memory_space<vmem_shared>>) target(%dma_start3A_17 : memref<640x128xf32, #tpu.memory_space<hbm>>) target_semaphore(%run_scoped3A : memref<!tpu.dma_semaphore, #tpu.memory_space<semaphore_mem>>)
        %dma_wait3A = arith.constant 0 : i32
        %dma_wait3A_20 = tpu.memref_slice %arg7[%mul3A_16, %dma_wait3A] : memref<10240x128xf32, #tpu.memory_space<hbm>> -> memref<640x128xf32, #tpu.memory_space<hbm>>
        %dma_wait3A_21 = arith.constant 0 : i32
        %dma_wait3A_22 = tpu.memref_slice %arg12[%mul3A_14, %dma_wait3A_21] : memref<10240x128xf32, #tpu.memory_space<vmem_shared>> -> memref<640x128xf32, #tpu.memory_space<vmem_shared>>
        tpu.wait_dma2 semaphore(%run_scoped3A : memref<!tpu.dma_semaphore, #tpu.memory_space<semaphore_mem>>) src(%dma_wait3A_22 : memref<640x128xf32, #tpu.memory_space<vmem_shared>>) dst(%dma_wait3A_20 : memref<640x128xf32, #tpu.memory_space<hbm>>)
        tpu.yield
      }) : () -> ()
    } else {
    }
    %eq3A_2 = arith.constant 1 : i32
    %eq3A_3 = arith.cmpi eq, %arg0, %eq3A_2 : i32
    %convert_element_type3A_4 = arith.extui %eq3A_3 : i1 to i32
    %cond3A_5 = arith.constant 0 : i32
    %cond3A_6 = arith.cmpi ne, %convert_element_type3A_4, %cond3A_5 : i32
    scf.if %cond3A_6 {
      %mul3A = arith.constant 640 : i32
      %mul3A_7 = arith.muli %arg1, %mul3A : i32
      "tpu.region"() ({
        %run_scoped3A = tpu.sem_alloc : memref<!tpu.dma_semaphore, #tpu.memory_space<semaphore_mem>>
        %dma_start3A = arith.constant 0 : i32
        %dma_start3A_17 = tpu.memref_slice %arg12[%mul3A_7, %dma_start3A] : memref<10240x128xf32, #tpu.memory_space<vmem_shared>> -> memref<640x128xf32, #tpu.memory_space<vmem_shared>>
        tpu.enqueue_dma source(%arg6 : memref<640x128xf32, #tpu.memory_space<hbm>>) target(%dma_start3A_17 : memref<640x128xf32, #tpu.memory_space<vmem_shared>>) target_semaphore(%run_scoped3A : memref<!tpu.dma_semaphore, #tpu.memory_space<semaphore_mem>>)
        %dma_wait3A = arith.constant 0 : i32
        %dma_wait3A_18 = tpu.memref_slice %arg12[%mul3A_7, %dma_wait3A] : memref<10240x128xf32, #tpu.memory_space<vmem_shared>> -> memref<640x128xf32, #tpu.memory_space<vmem_shared>>
        tpu.wait_dma2 semaphore(%run_scoped3A : memref<!tpu.dma_semaphore, #tpu.memory_space<semaphore_mem>>) src(%arg6 : memref<640x128xf32, #tpu.memory_space<hbm>>) dst(%dma_wait3A_18 : memref<640x128xf32, #tpu.memory_space<vmem_shared>>)
        tpu.yield
      }) : () -> ()
      %barrier3A = arith.constant 0 : index
      tpu.barrier barrier_id(%barrier3A)
      %scan3A = arith.constant 0 : i32
      %scan3A_8 = arith.constant 125 : i32
      %scan3A_9 = arith.addi %scan3A, %scan3A_8 : i32
      %scan3A_10 = arith.constant 1 : i32
      scf.for %scan3A_17 = %scan3A to %scan3A_9 step %scan3A_10  : i32 {
        %mul3A_18 = arith.constant 1 : i32
        %mul3A_19 = arith.muli %scan3A_17, %mul3A_18 : i32
        %add3A = arith.constant 0 : i32
        %add3A_20 = arith.addi %add3A, %mul3A_19 : i32
        "tpu.region"() ({
          %run_scoped3A = tpu.sem_alloc : memref<!tpu.dma_semaphore, #tpu.memory_space<semaphore_mem>>
          %dma_start3A = arith.constant 0 : i32
          %dma_start3A_21 = tpu.memref_slice %arg9[%add3A_20, %dma_start3A] : memref<125x80xi32, #tpu.memory_space<vmem>> -> memref<1x80xi32, #tpu.memory_space<vmem>>
          %dma_start3A_22 = tpu.memref_squeeze %dma_start3A_21 : memref<1x80xi32, #tpu.memory_space<vmem>> -> memref<80xi32, #tpu.memory_space<vmem>>
          %dma_start3A_23 = arith.constant 0 : i32
          %dma_start3A_24 = arith.constant 0 : i32
          %dma_start3A_25 = tpu.memref_slice %arg3[%dma_start3A_23, %dma_start3A_24] : memref<10000x128xf32, #tpu.memory_space<hbm>> -> memref<10000x128xf32, #tpu.memory_space<hbm>>
          tpu.enqueue_indirect_dma source(%dma_start3A_25 : memref<10000x128xf32, #tpu.memory_space<hbm>>) target(%arg11 : memref<80x128xf32, #tpu.memory_space<vmem>>) offsets(%dma_start3A_22 : memref<80xi32, #tpu.memory_space<vmem>>) semaphore(%run_scoped3A : memref<!tpu.dma_semaphore, #tpu.memory_space<semaphore_mem>>)
          %dma_wait3A = arith.constant 0 : i32
          %dma_wait3A_26 = tpu.memref_slice %arg9[%add3A_20, %dma_wait3A] : memref<125x80xi32, #tpu.memory_space<vmem>> -> memref<1x80xi32, #tpu.memory_space<vmem>>
          %dma_wait3A_27 = tpu.memref_squeeze %dma_wait3A_26 : memref<1x80xi32, #tpu.memory_space<vmem>> -> memref<80xi32, #tpu.memory_space<vmem>>
          %dma_wait3A_28 = arith.constant 0 : i32
          %dma_wait3A_29 = arith.constant 0 : i32
          %dma_wait3A_30 = tpu.memref_slice %arg3[%dma_wait3A_28, %dma_wait3A_29] : memref<10000x128xf32, #tpu.memory_space<hbm>> -> memref<10000x128xf32, #tpu.memory_space<hbm>>
          tpu.wait_indirect_dma semaphore(%run_scoped3A : memref<!tpu.dma_semaphore, #tpu.memory_space<semaphore_mem>>) src(%dma_wait3A_30 : memref<10000x128xf32, #tpu.memory_space<hbm>>) dst(%arg11 : memref<80x128xf32, #tpu.memory_space<vmem>>)
          tpu.yield
        }) : () -> ()
        "tpu.region"() ({
          %run_scoped3A = tpu.sem_alloc : memref<!tpu.dma_semaphore, #tpu.memory_space<semaphore_mem>>
          %dma_start3A = arith.constant 0 : i32
          %dma_start3A_21 = tpu.memref_slice %arg10[%add3A_20, %dma_start3A] : memref<125x80xi32, #tpu.memory_space<vmem>> -> memref<1x80xi32, #tpu.memory_space<vmem>>
          %dma_start3A_22 = tpu.memref_squeeze %dma_start3A_21 : memref<1x80xi32, #tpu.memory_space<vmem>> -> memref<80xi32, #tpu.memory_space<vmem>>
          %dma_start3A_23 = arith.constant 0 : i32
          %dma_start3A_24 = arith.constant 0 : i32
          %dma_start3A_25 = tpu.memref_slice %arg12[%dma_start3A_23, %dma_start3A_24] : memref<10240x128xf32, #tpu.memory_space<vmem_shared>> -> memref<10240x128xf32, #tpu.memory_space<vmem_shared>>
          tpu.enqueue_indirect_dma source(%arg11 : memref<80x128xf32, #tpu.memory_space<vmem>>) target(%dma_start3A_25 : memref<10240x128xf32, #tpu.memory_space<vmem_shared>>) offsets(%dma_start3A_22 : memref<80xi32, #tpu.memory_space<vmem>>) semaphore(%run_scoped3A : memref<!tpu.dma_semaphore, #tpu.memory_space<semaphore_mem>>) {add = true}
          %dma_wait3A = arith.constant 0 : i32
          %dma_wait3A_26 = tpu.memref_slice %arg10[%add3A_20, %dma_wait3A] : memref<125x80xi32, #tpu.memory_space<vmem>> -> memref<1x80xi32, #tpu.memory_space<vmem>>
          %dma_wait3A_27 = tpu.memref_squeeze %dma_wait3A_26 : memref<1x80xi32, #tpu.memory_space<vmem>> -> memref<80xi32, #tpu.memory_space<vmem>>
          %dma_wait3A_28 = arith.constant 0 : i32
          %dma_wait3A_29 = arith.constant 0 : i32
          %dma_wait3A_30 = tpu.memref_slice %arg12[%dma_wait3A_28, %dma_wait3A_29] : memref<10240x128xf32, #tpu.memory_space<vmem_shared>> -> memref<10240x128xf32, #tpu.memory_space<vmem_shared>>
          tpu.wait_indirect_dma semaphore(%run_scoped3A : memref<!tpu.dma_semaphore, #tpu.memory_space<semaphore_mem>>) src(%arg11 : memref<80x128xf32, #tpu.memory_space<vmem>>) dst(%dma_wait3A_30 : memref<10240x128xf32, #tpu.memory_space<vmem_shared>>)
          tpu.yield
        }) : () -> ()
      }
      %scan3A_11 = arith.constant 125 : i32
      %barrier3A_12 = arith.constant 0 : index
      tpu.barrier barrier_id(%barrier3A_12)
      %mul3A_13 = arith.constant 640 : i32
      %mul3A_14 = arith.muli %arg1, %mul3A_13 : i32
      %mul3A_15 = arith.constant 640 : i32
      %mul3A_16 = arith.muli %arg1, %mul3A_15 : i32
      "tpu.region"() ({
        %run_scoped3A = tpu.sem_alloc : memref<!tpu.dma_semaphore, #tpu.memory_space<semaphore_mem>>
        %dma_start3A = arith.constant 0 : i32
        %dma_start3A_17 = tpu.memref_slice %arg8[%mul3A_16, %dma_start3A] : memref<10240x128xf32, #tpu.memory_space<hbm>> -> memref<640x128xf32, #tpu.memory_space<hbm>>
        %dma_start3A_18 = arith.constant 0 : i32
        %dma_start3A_19 = tpu.memref_slice %arg12[%mul3A_14, %dma_start3A_18] : memref<10240x128xf32, #tpu.memory_space<vmem_shared>> -> memref<640x128xf32, #tpu.memory_space<vmem_shared>>
        tpu.enqueue_dma source(%dma_start3A_19 : memref<640x128xf32, #tpu.memory_space<vmem_shared>>) target(%dma_start3A_17 : memref<640x128xf32, #tpu.memory_space<hbm>>) target_semaphore(%run_scoped3A : memref<!tpu.dma_semaphore, #tpu.memory_space<semaphore_mem>>)
        %dma_wait3A = arith.constant 0 : i32
        %dma_wait3A_20 = tpu.memref_slice %arg8[%mul3A_16, %dma_wait3A] : memref<10240x128xf32, #tpu.memory_space<hbm>> -> memref<640x128xf32, #tpu.memory_space<hbm>>
        %dma_wait3A_21 = arith.constant 0 : i32
        %dma_wait3A_22 = tpu.memref_slice %arg12[%mul3A_14, %dma_wait3A_21] : memref<10240x128xf32, #tpu.memory_space<vmem_shared>> -> memref<640x128xf32, #tpu.memory_space<vmem_shared>>
        tpu.wait_dma2 semaphore(%run_scoped3A : memref<!tpu.dma_semaphore, #tpu.memory_space<semaphore_mem>>) src(%dma_wait3A_22 : memref<640x128xf32, #tpu.memory_space<vmem_shared>>) dst(%dma_wait3A_20 : memref<640x128xf32, #tpu.memory_space<hbm>>)
        tpu.yield
      }) : () -> ()
    } else {
    }
    return
  }
}

#map = affine_map<(d0, d1) -> (0, 0)>
#map1 = affine_map<(d0, d1) -> (0, 0, 0)>
module attributes {stable_mosaic.version = 14 : i64} {
  func.func @body(%arg0: i32, %arg1: i32, %arg2: memref<10000x128xf32, #tpu.memory_space<hbm>>, %arg3: memref<10000x128xf32, #tpu.memory_space<hbm>>, %arg4: memref<16x125x80xi32, #tpu.memory_space<hbm>>, %arg5: memref<16x125x80xi32, #tpu.memory_space<hbm>>, %arg6: memref<640x128xf32, #tpu.memory_space<hbm>>, %arg7: memref<10240x128xf32, #tpu.memory_space<hbm>>, %arg8: memref<10240x128xf32, #tpu.memory_space<hbm>>, %arg9: memref<125x80xi32, #tpu.memory_space<vmem>>, %arg10: memref<125x80xi32, #tpu.memory_space<vmem>>, %arg11: memref<80x128xf32, #tpu.memory_space<vmem>>, %arg12: memref<10240x128xf32, #tpu.memory_space<vmem_shared>>) attributes {dimension_semantics = [#tpu.dimension_semantics<core_parallel>, #tpu.dimension_semantics<subcore_parallel>], iteration_bounds = array<i64: 2, 16>, scalar_prefetch = 0 : i64, scratch_operands = 4 : i64, tpu.core_type = #tpu.core_type<sc_vector_subcore>, window_params = [{transform_indices = #map}, {transform_indices = #map}, {transform_indices = #map1}, {transform_indices = #map1}, {transform_indices = #map}, {transform_indices = #map}, {transform_indices = #map}]} {
    "tpu.region"() ({
      %run_scoped3A = tpu.sem_alloc : memref<!tpu.dma_semaphore, #tpu.memory_space<semaphore_mem>>
      %dma_start3A = arith.constant 0 : i32
      %dma_start3A_7 = arith.constant 0 : i32
      %dma_start3A_8 = tpu.memref_slice %arg4[%arg1, %dma_start3A, %dma_start3A_7] : memref<16x125x80xi32, #tpu.memory_space<hbm>> -> memref<1x125x80xi32, #tpu.memory_space<hbm>>
      %dma_start3A_9 = tpu.memref_squeeze %dma_start3A_8 : memref<1x125x80xi32, #tpu.memory_space<hbm>> -> memref<125x80xi32, #tpu.memory_space<hbm>>
      %dma_start3A_10 = arith.constant 0 : i32
      %dma_start3A_11 = arith.constant 0 : i32
      %dma_start3A_12 = tpu.memref_slice %arg4[%arg1, %dma_start3A_10, %dma_start3A_11] : memref<16x125x80xi32, #tpu.memory_space<hbm>> -> memref<1x125x80xi32, #tpu.memory_space<hbm>>
      %dma_start3A_13 = tpu.memref_squeeze %dma_start3A_12 : memref<1x125x80xi32, #tpu.memory_space<hbm>> -> memref<125x80xi32, #tpu.memory_space<hbm>>
      tpu.enqueue_dma source(%dma_start3A_13 : memref<125x80xi32, #tpu.memory_space<hbm>>) target(%arg9 : memref<125x80xi32, #tpu.memory_space<vmem>>) target_semaphore(%run_scoped3A : memref<!tpu.dma_semaphore, #tpu.memory_space<semaphore_mem>>)
      %dma_wait3A = arith.constant 0 : i32
      %dma_wait3A_14 = arith.constant 0 : i32
      %dma_wait3A_15 = tpu.memref_slice %arg4[%arg1, %dma_wait3A, %dma_wait3A_14] : memref<16x125x80xi32, #tpu.memory_space<hbm>> -> memref<1x125x80xi32, #tpu.memory_space<hbm>>
      %dma_wait3A_16 = tpu.memref_squeeze %dma_wait3A_15 : memref<1x125x80xi32, #tpu.memory_space<hbm>> -> memref<125x80xi32, #tpu.memory_space<hbm>>
      %dma_wait3A_17 = arith.constant 0 : i32
      %dma_wait3A_18 = arith.constant 0 : i32
      %dma_wait3A_19 = tpu.memref_slice %arg4[%arg1, %dma_wait3A_17, %dma_wait3A_18] : memref<16x125x80xi32, #tpu.memory_space<hbm>> -> memref<1x125x80xi32, #tpu.memory_space<hbm>>
      %dma_wait3A_20 = tpu.memref_squeeze %dma_wait3A_19 : memref<1x125x80xi32, #tpu.memory_space<hbm>> -> memref<125x80xi32, #tpu.memory_space<hbm>>
      tpu.wait_dma2 semaphore(%run_scoped3A : memref<!tpu.dma_semaphore, #tpu.memory_space<semaphore_mem>>) src(%dma_wait3A_20 : memref<125x80xi32, #tpu.memory_space<hbm>>) dst(%arg9 : memref<125x80xi32, #tpu.memory_space<vmem>>)
      tpu.yield
    }) : () -> ()
    "tpu.region"() ({
      %run_scoped3A = tpu.sem_alloc : memref<!tpu.dma_semaphore, #tpu.memory_space<semaphore_mem>>
      %dma_start3A = arith.constant 0 : i32
      %dma_start3A_7 = arith.constant 0 : i32
      %dma_start3A_8 = tpu.memref_slice %arg5[%arg1, %dma_start3A, %dma_start3A_7] : memref<16x125x80xi32, #tpu.memory_space<hbm>> -> memref<1x125x80xi32, #tpu.memory_space<hbm>>
      %dma_start3A_9 = tpu.memref_squeeze %dma_start3A_8 : memref<1x125x80xi32, #tpu.memory_space<hbm>> -> memref<125x80xi32, #tpu.memory_space<hbm>>
      %dma_start3A_10 = arith.constant 0 : i32
      %dma_start3A_11 = arith.constant 0 : i32
      %dma_start3A_12 = tpu.memref_slice %arg5[%arg1, %dma_start3A_10, %dma_start3A_11] : memref<16x125x80xi32, #tpu.memory_space<hbm>> -> memref<1x125x80xi32, #tpu.memory_space<hbm>>
      %dma_start3A_13 = tpu.memref_squeeze %dma_start3A_12 : memref<1x125x80xi32, #tpu.memory_space<hbm>> -> memref<125x80xi32, #tpu.memory_space<hbm>>
      tpu.enqueue_dma source(%dma_start3A_13 : memref<125x80xi32, #tpu.memory_space<hbm>>) target(%arg10 : memref<125x80xi32, #tpu.memory_space<vmem>>) target_semaphore(%run_scoped3A : memref<!tpu.dma_semaphore, #tpu.memory_space<semaphore_mem>>)
      %dma_wait3A = arith.constant 0 : i32
      %dma_wait3A_14 = arith.constant 0 : i32
      %dma_wait3A_15 = tpu.memref_slice %arg5[%arg1, %dma_wait3A, %dma_wait3A_14] : memref<16x125x80xi32, #tpu.memory_space<hbm>> -> memref<1x125x80xi32, #tpu.memory_space<hbm>>
      %dma_wait3A_16 = tpu.memref_squeeze %dma_wait3A_15 : memref<1x125x80xi32, #tpu.memory_space<hbm>> -> memref<125x80xi32, #tpu.memory_space<hbm>>
      %dma_wait3A_17 = arith.constant 0 : i32
      %dma_wait3A_18 = arith.constant 0 : i32
      %dma_wait3A_19 = tpu.memref_slice %arg5[%arg1, %dma_wait3A_17, %dma_wait3A_18] : memref<16x125x80xi32, #tpu.memory_space<hbm>> -> memref<1x125x80xi32, #tpu.memory_space<hbm>>
      %dma_wait3A_20 = tpu.memref_squeeze %dma_wait3A_19 : memref<1x125x80xi32, #tpu.memory_space<hbm>> -> memref<125x80xi32, #tpu.memory_space<hbm>>
      tpu.wait_dma2 semaphore(%run_scoped3A : memref<!tpu.dma_semaphore, #tpu.memory_space<semaphore_mem>>) src(%dma_wait3A_20 : memref<125x80xi32, #tpu.memory_space<hbm>>) dst(%arg10 : memref<125x80xi32, #tpu.memory_space<vmem>>)
      tpu.yield
    }) : () -> ()
    %eq3A = arith.constant 0 : i32
    %eq3A_0 = arith.cmpi eq, %arg0, %eq3A : i32
    %convert_element_type3A = arith.extui %eq3A_0 : i1 to i32
    %cond3A = arith.constant 0 : i32
    %cond3A_1 = arith.cmpi ne, %convert_element_type3A, %cond3A : i32
    scf.if %cond3A_1 {
      %mul3A = arith.constant 640 : i32
      %mul3A_7 = arith.muli %arg1, %mul3A : i32
      "tpu.region"() ({
        %run_scoped3A = tpu.sem_alloc : memref<!tpu.dma_semaphore, #tpu.memory_space<semaphore_mem>>
        %dma_start3A = arith.constant 0 : i32
        %dma_start3A_17 = tpu.memref_slice %arg12[%mul3A_7, %dma_start3A] : memref<10240x128xf32, #tpu.memory_space<vmem_shared>> -> memref<640x128xf32, #tpu.memory_space<vmem_shared>>
        tpu.enqueue_dma source(%arg6 : memref<640x128xf32, #tpu.memory_space<hbm>>) target(%dma_start3A_17 : memref<640x128xf32, #tpu.memory_space<vmem_shared>>) target_semaphore(%run_scoped3A : memref<!tpu.dma_semaphore, #tpu.memory_space<semaphore_mem>>)
        %dma_wait3A = arith.constant 0 : i32
        %dma_wait3A_18 = tpu.memref_slice %arg12[%mul3A_7, %dma_wait3A] : memref<10240x128xf32, #tpu.memory_space<vmem_shared>> -> memref<640x128xf32, #tpu.memory_space<vmem_shared>>
        tpu.wait_dma2 semaphore(%run_scoped3A : memref<!tpu.dma_semaphore, #tpu.memory_space<semaphore_mem>>) src(%arg6 : memref<640x128xf32, #tpu.memory_space<hbm>>) dst(%dma_wait3A_18 : memref<640x128xf32, #tpu.memory_space<vmem_shared>>)
        tpu.yield
      }) : () -> ()
      %barrier3A = arith.constant 0 : index
      tpu.barrier barrier_id(%barrier3A)
      %scan3A = arith.constant 0 : i32
      %scan3A_8 = arith.constant 125 : i32
      %scan3A_9 = arith.addi %scan3A, %scan3A_8 : i32
      %scan3A_10 = arith.constant 1 : i32
      scf.for %scan3A_17 = %scan3A to %scan3A_9 step %scan3A_10  : i32 {
        %mul3A_18 = arith.constant 1 : i32
        %mul3A_19 = arith.muli %scan3A_17, %mul3A_18 : i32
        %add3A = arith.constant 0 : i32
        %add3A_20 = arith.addi %add3A, %mul3A_19 : i32
        "tpu.region"() ({
          %run_scoped3A = tpu.sem_alloc : memref<!tpu.dma_semaphore, #tpu.memory_space<semaphore_mem>>
          %dma_start3A = arith.constant 0 : i32
          %dma_start3A_21 = tpu.memref_slice %arg9[%add3A_20, %dma_start3A] : memref<125x80xi32, #tpu.memory_space<vmem>> -> memref<1x80xi32, #tpu.memory_space<vmem>>
          %dma_start3A_22 = tpu.memref_squeeze %dma_start3A_21 : memref<1x80xi32, #tpu.memory_space<vmem>> -> memref<80xi32, #tpu.memory_space<vmem>>
          %dma_start3A_23 = arith.constant 0 : i32
          %dma_start3A_24 = arith.constant 0 : i32
          %dma_start3A_25 = tpu.memref_slice %arg2[%dma_start3A_23, %dma_start3A_24] : memref<10000x128xf32, #tpu.memory_space<hbm>> -> memref<10000x128xf32, #tpu.memory_space<hbm>>
          tpu.enqueue_indirect_dma source(%dma_start3A_25 : memref<10000x128xf32, #tpu.memory_space<hbm>>) target(%arg11 : memref<80x128xf32, #tpu.memory_space<vmem>>) offsets(%dma_start3A_22 : memref<80xi32, #tpu.memory_space<vmem>>) semaphore(%run_scoped3A : memref<!tpu.dma_semaphore, #tpu.memory_space<semaphore_mem>>)
          %dma_wait3A = arith.constant 0 : i32
          %dma_wait3A_26 = tpu.memref_slice %arg9[%add3A_20, %dma_wait3A] : memref<125x80xi32, #tpu.memory_space<vmem>> -> memref<1x80xi32, #tpu.memory_space<vmem>>
          %dma_wait3A_27 = tpu.memref_squeeze %dma_wait3A_26 : memref<1x80xi32, #tpu.memory_space<vmem>> -> memref<80xi32, #tpu.memory_space<vmem>>
          %dma_wait3A_28 = arith.constant 0 : i32
          %dma_wait3A_29 = arith.constant 0 : i32
          %dma_wait3A_30 = tpu.memref_slice %arg2[%dma_wait3A_28, %dma_wait3A_29] : memref<10000x128xf32, #tpu.memory_space<hbm>> -> memref<10000x128xf32, #tpu.memory_space<hbm>>
          tpu.wait_indirect_dma semaphore(%run_scoped3A : memref<!tpu.dma_semaphore, #tpu.memory_space<semaphore_mem>>) src(%dma_wait3A_30 : memref<10000x128xf32, #tpu.memory_space<hbm>>) dst(%arg11 : memref<80x128xf32, #tpu.memory_space<vmem>>)
          tpu.yield
        }) : () -> ()
        "tpu.region"() ({
          %run_scoped3A = tpu.sem_alloc : memref<!tpu.dma_semaphore, #tpu.memory_space<semaphore_mem>>
          %dma_start3A = arith.constant 0 : i32
          %dma_start3A_21 = tpu.memref_slice %arg10[%add3A_20, %dma_start3A] : memref<125x80xi32, #tpu.memory_space<vmem>> -> memref<1x80xi32, #tpu.memory_space<vmem>>
          %dma_start3A_22 = tpu.memref_squeeze %dma_start3A_21 : memref<1x80xi32, #tpu.memory_space<vmem>> -> memref<80xi32, #tpu.memory_space<vmem>>
          %dma_start3A_23 = arith.constant 0 : i32
          %dma_start3A_24 = arith.constant 0 : i32
          %dma_start3A_25 = tpu.memref_slice %arg12[%dma_start3A_23, %dma_start3A_24] : memref<10240x128xf32, #tpu.memory_space<vmem_shared>> -> memref<10240x128xf32, #tpu.memory_space<vmem_shared>>
          tpu.enqueue_indirect_dma source(%arg11 : memref<80x128xf32, #tpu.memory_space<vmem>>) target(%dma_start3A_25 : memref<10240x128xf32, #tpu.memory_space<vmem_shared>>) offsets(%dma_start3A_22 : memref<80xi32, #tpu.memory_space<vmem>>) semaphore(%run_scoped3A : memref<!tpu.dma_semaphore, #tpu.memory_space<semaphore_mem>>) {add = true}
          %dma_wait3A = arith.constant 0 : i32
          %dma_wait3A_26 = tpu.memref_slice %arg10[%add3A_20, %dma_wait3A] : memref<125x80xi32, #tpu.memory_space<vmem>> -> memref<1x80xi32, #tpu.memory_space<vmem>>
          %dma_wait3A_27 = tpu.memref_squeeze %dma_wait3A_26 : memref<1x80xi32, #tpu.memory_space<vmem>> -> memref<80xi32, #tpu.memory_space<vmem>>
          %dma_wait3A_28 = arith.constant 0 : i32
          %dma_wait3A_29 = arith.constant 0 : i32
          %dma_wait3A_30 = tpu.memref_slice %arg12[%dma_wait3A_28, %dma_wait3A_29] : memref<10240x128xf32, #tpu.memory_space<vmem_shared>> -> memref<10240x128xf32, #tpu.memory_space<vmem_shared>>
          tpu.wait_indirect_dma semaphore(%run_scoped3A : memref<!tpu.dma_semaphore, #tpu.memory_space<semaphore_mem>>) src(%arg11 : memref<80x128xf32, #tpu.memory_space<vmem>>) dst(%dma_wait3A_30 : memref<10240x128xf32, #tpu.memory_space<vmem_shared>>)
          tpu.yield
        }) : () -> ()
      }
      %scan3A_11 = arith.constant 125 : i32
      %barrier3A_12 = arith.constant 0 : index
      tpu.barrier barrier_id(%barrier3A_12)
      %mul3A_13 = arith.constant 640 : i32
      %mul3A_14 = arith.muli %arg1, %mul3A_13 : i32
      %mul3A_15 = arith.constant 640 : i32
      %mul3A_16 = arith.muli %arg1, %mul3A_15 : i32
      "tpu.region"() ({
        %run_scoped3A = tpu.sem_alloc : memref<!tpu.dma_semaphore, #tpu.memory_space<semaphore_mem>>
        %dma_start3A = arith.constant 0 : i32
        %dma_start3A_17 = tpu.memref_slice %arg7[%mul3A_16, %dma_start3A] : memref<10240x128xf32, #tpu.memory_space<hbm>> -> memref<640x128xf32, #tpu.memory_space<hbm>>
        %dma_start3A_18 = arith.constant 0 : i32
        %dma_start3A_19 = tpu.memref_slice %arg12[%mul3A_14, %dma_start3A_18] : memref<10240x128xf32, #tpu.memory_space<vmem_shared>> -> memref<640x128xf32, #tpu.memory_space<vmem_shared>>
        tpu.enqueue_dma source(%dma_start3A_19 : memref<640x128xf32, #tpu.memory_space<vmem_shared>>) target(%dma_start3A_17 : memref<640x128xf32, #tpu.memory_space<hbm>>) target_semaphore(%run_scoped3A : memref<!tpu.dma_semaphore, #tpu.memory_space<semaphore_mem>>)
        %dma_wait3A = arith.constant 0 : i32
        %dma_wait3A_20 = tpu.memref_slice %arg7[%mul3A_16, %dma_wait3A] : memref<10240x128xf32, #tpu.memory_space<hbm>> -> memref<640x128xf32, #tpu.memory_space<hbm>>
        %dma_wait3A_21 = arith.constant 0 : i32
        %dma_wait3A_22 = tpu.memref_slice %arg12[%mul3A_14, %dma_wait3A_21] : memref<10240x128xf32, #tpu.memory_space<vmem_shared>> -> memref<640x128xf32, #tpu.memory_space<vmem_shared>>
        tpu.wait_dma2 semaphore(%run_scoped3A : memref<!tpu.dma_semaphore, #tpu.memory_space<semaphore_mem>>) src(%dma_wait3A_22 : memref<640x128xf32, #tpu.memory_space<vmem_shared>>) dst(%dma_wait3A_20 : memref<640x128xf32, #tpu.memory_space<hbm>>)
        tpu.yield
      }) : () -> ()
    } else {
    }
    %eq3A_2 = arith.constant 1 : i32
    %eq3A_3 = arith.cmpi eq, %arg0, %eq3A_2 : i32
    %convert_element_type3A_4 = arith.extui %eq3A_3 : i1 to i32
    %cond3A_5 = arith.constant 0 : i32
    %cond3A_6 = arith.cmpi ne, %convert_element_type3A_4, %cond3A_5 : i32
    scf.if %cond3A_6 {
      %mul3A = arith.constant 640 : i32
      %mul3A_7 = arith.muli %arg1, %mul3A : i32
      "tpu.region"() ({
        %run_scoped3A = tpu.sem_alloc : memref<!tpu.dma_semaphore, #tpu.memory_space<semaphore_mem>>
        %dma_start3A = arith.constant 0 : i32
        %dma_start3A_17 = tpu.memref_slice %arg12[%mul3A_7, %dma_start3A] : memref<10240x128xf32, #tpu.memory_space<vmem_shared>> -> memref<640x128xf32, #tpu.memory_space<vmem_shared>>
        tpu.enqueue_dma source(%arg6 : memref<640x128xf32, #tpu.memory_space<hbm>>) target(%dma_start3A_17 : memref<640x128xf32, #tpu.memory_space<vmem_shared>>) target_semaphore(%run_scoped3A : memref<!tpu.dma_semaphore, #tpu.memory_space<semaphore_mem>>)
        %dma_wait3A = arith.constant 0 : i32
        %dma_wait3A_18 = tpu.memref_slice %arg12[%mul3A_7, %dma_wait3A] : memref<10240x128xf32, #tpu.memory_space<vmem_shared>> -> memref<640x128xf32, #tpu.memory_space<vmem_shared>>
        tpu.wait_dma2 semaphore(%run_scoped3A : memref<!tpu.dma_semaphore, #tpu.memory_space<semaphore_mem>>) src(%arg6 : memref<640x128xf32, #tpu.memory_space<hbm>>) dst(%dma_wait3A_18 : memref<640x128xf32, #tpu.memory_space<vmem_shared>>)
        tpu.yield
      }) : () -> ()
      %barrier3A = arith.constant 0 : index
      tpu.barrier barrier_id(%barrier3A)
      %scan3A = arith.constant 0 : i32
      %scan3A_8 = arith.constant 125 : i32
      %scan3A_9 = arith.addi %scan3A, %scan3A_8 : i32
      %scan3A_10 = arith.constant 1 : i32
      scf.for %scan3A_17 = %scan3A to %scan3A_9 step %scan3A_10  : i32 {
        %mul3A_18 = arith.constant 1 : i32
        %mul3A_19 = arith.muli %scan3A_17, %mul3A_18 : i32
        %add3A = arith.constant 0 : i32
        %add3A_20 = arith.addi %add3A, %mul3A_19 : i32
        "tpu.region"() ({
          %run_scoped3A = tpu.sem_alloc : memref<!tpu.dma_semaphore, #tpu.memory_space<semaphore_mem>>
          %dma_start3A = arith.constant 0 : i32
          %dma_start3A_21 = tpu.memref_slice %arg9[%add3A_20, %dma_start3A] : memref<125x80xi32, #tpu.memory_space<vmem>> -> memref<1x80xi32, #tpu.memory_space<vmem>>
          %dma_start3A_22 = tpu.memref_squeeze %dma_start3A_21 : memref<1x80xi32, #tpu.memory_space<vmem>> -> memref<80xi32, #tpu.memory_space<vmem>>
          %dma_start3A_23 = arith.constant 0 : i32
          %dma_start3A_24 = arith.constant 0 : i32
          %dma_start3A_25 = tpu.memref_slice %arg3[%dma_start3A_23, %dma_start3A_24] : memref<10000x128xf32, #tpu.memory_space<hbm>> -> memref<10000x128xf32, #tpu.memory_space<hbm>>
          tpu.enqueue_indirect_dma source(%dma_start3A_25 : memref<10000x128xf32, #tpu.memory_space<hbm>>) target(%arg11 : memref<80x128xf32, #tpu.memory_space<vmem>>) offsets(%dma_start3A_22 : memref<80xi32, #tpu.memory_space<vmem>>) semaphore(%run_scoped3A : memref<!tpu.dma_semaphore, #tpu.memory_space<semaphore_mem>>)
          %dma_wait3A = arith.constant 0 : i32
          %dma_wait3A_26 = tpu.memref_slice %arg9[%add3A_20, %dma_wait3A] : memref<125x80xi32, #tpu.memory_space<vmem>> -> memref<1x80xi32, #tpu.memory_space<vmem>>
          %dma_wait3A_27 = tpu.memref_squeeze %dma_wait3A_26 : memref<1x80xi32, #tpu.memory_space<vmem>> -> memref<80xi32, #tpu.memory_space<vmem>>
          %dma_wait3A_28 = arith.constant 0 : i32
          %dma_wait3A_29 = arith.constant 0 : i32
          %dma_wait3A_30 = tpu.memref_slice %arg3[%dma_wait3A_28, %dma_wait3A_29] : memref<10000x128xf32, #tpu.memory_space<hbm>> -> memref<10000x128xf32, #tpu.memory_space<hbm>>
          tpu.wait_indirect_dma semaphore(%run_scoped3A : memref<!tpu.dma_semaphore, #tpu.memory_space<semaphore_mem>>) src(%dma_wait3A_30 : memref<10000x128xf32, #tpu.memory_space<hbm>>) dst(%arg11 : memref<80x128xf32, #tpu.memory_space<vmem>>)
          tpu.yield
        }) : () -> ()
        "tpu.region"() ({
          %run_scoped3A = tpu.sem_alloc : memref<!tpu.dma_semaphore, #tpu.memory_space<semaphore_mem>>
          %dma_start3A = arith.constant 0 : i32
          %dma_start3A_21 = tpu.memref_slice %arg10[%add3A_20, %dma_start3A] : memref<125x80xi32, #tpu.memory_space<vmem>> -> memref<1x80xi32, #tpu.memory_space<vmem>>
          %dma_start3A_22 = tpu.memref_squeeze %dma_start3A_21 : memref<1x80xi32, #tpu.memory_space<vmem>> -> memref<80xi32, #tpu.memory_space<vmem>>
          %dma_start3A_23 = arith.constant 0 : i32
          %dma_start3A_24 = arith.constant 0 : i32
          %dma_start3A_25 = tpu.memref_slice %arg12[%dma_start3A_23, %dma_start3A_24] : memref<10240x128xf32, #tpu.memory_space<vmem_shared>> -> memref<10240x128xf32, #tpu.memory_space<vmem_shared>>
          tpu.enqueue_indirect_dma source(%arg11 : memref<80x128xf32, #tpu.memory_space<vmem>>) target(%dma_start3A_25 : memref<10240x128xf32, #tpu.memory_space<vmem_shared>>) offsets(%dma_start3A_22 : memref<80xi32, #tpu.memory_space<vmem>>) semaphore(%run_scoped3A : memref<!tpu.dma_semaphore, #tpu.memory_space<semaphore_mem>>) {add = true}
          %dma_wait3A = arith.constant 0 : i32
          %dma_wait3A_26 = tpu.memref_slice %arg10[%add3A_20, %dma_wait3A] : memref<125x80xi32, #tpu.memory_space<vmem>> -> memref<1x80xi32, #tpu.memory_space<vmem>>
          %dma_wait3A_27 = tpu.memref_squeeze %dma_wait3A_26 : memref<1x80xi32, #tpu.memory_space<vmem>> -> memref<80xi32, #tpu.memory_space<vmem>>
          %dma_wait3A_28 = arith.constant 0 : i32
          %dma_wait3A_29 = arith.constant 0 : i32
          %dma_wait3A_30 = tpu.memref_slice %arg12[%dma_wait3A_28, %dma_wait3A_29] : memref<10240x128xf32, #tpu.memory_space<vmem_shared>> -> memref<10240x128xf32, #tpu.memory_space<vmem_shared>>
          tpu.wait_indirect_dma semaphore(%run_scoped3A : memref<!tpu.dma_semaphore, #tpu.memory_space<semaphore_mem>>) src(%arg11 : memref<80x128xf32, #tpu.memory_space<vmem>>) dst(%dma_wait3A_30 : memref<10240x128xf32, #tpu.memory_space<vmem_shared>>)
          tpu.yield
        }) : () -> ()
      }
      %scan3A_11 = arith.constant 125 : i32
      %barrier3A_12 = arith.constant 0 : index
      tpu.barrier barrier_id(%barrier3A_12)
      %mul3A_13 = arith.constant 640 : i32
      %mul3A_14 = arith.muli %arg1, %mul3A_13 : i32
      %mul3A_15 = arith.constant 640 : i32
      %mul3A_16 = arith.muli %arg1, %mul3A_15 : i32
      "tpu.region"() ({
        %run_scoped3A = tpu.sem_alloc : memref<!tpu.dma_semaphore, #tpu.memory_space<semaphore_mem>>
        %dma_start3A = arith.constant 0 : i32
        %dma_start3A_17 = tpu.memref_slice %arg8[%mul3A_16, %dma_start3A] : memref<10240x128xf32, #tpu.memory_space<hbm>> -> memref<640x128xf32, #tpu.memory_space<hbm>>
        %dma_start3A_18 = arith.constant 0 : i32
        %dma_start3A_19 = tpu.memref_slice %arg12[%mul3A_14, %dma_start3A_18] : memref<10240x128xf32, #tpu.memory_space<vmem_shared>> -> memref<640x128xf32, #tpu.memory_space<vmem_shared>>
        tpu.enqueue_dma source(%dma_start3A_19 : memref<640x128xf32, #tpu.memory_space<vmem_shared>>) target(%dma_start3A_17 : memref<640x128xf32, #tpu.memory_space<hbm>>) target_semaphore(%run_scoped3A : memref<!tpu.dma_semaphore, #tpu.memory_space<semaphore_mem>>)
        %dma_wait3A = arith.constant 0 : i32
        %dma_wait3A_20 = tpu.memref_slice %arg8[%mul3A_16, %dma_wait3A] : memref<10240x128xf32, #tpu.memory_space<hbm>> -> memref<640x128xf32, #tpu.memory_space<hbm>>
        %dma_wait3A_21 = arith.constant 0 : i32
        %dma_wait3A_22 = tpu.memref_slice %arg12[%mul3A_14, %dma_wait3A_21] : memref<10240x128xf32, #tpu.memory_space<vmem_shared>> -> memref<640x128xf32, #tpu.memory_space<vmem_shared>>
        tpu.wait_dma2 semaphore(%run_scoped3A : memref<!tpu.dma_semaphore, #tpu.memory_space<semaphore_mem>>) src(%dma_wait3A_22 : memref<640x128xf32, #tpu.memory_space<vmem_shared>>) dst(%dma_wait3A_20 : memref<640x128xf32, #tpu.memory_space<hbm>>)
        tpu.yield
      }) : () -> ()
    } else {
    }
    return
  }
}

module attributes {stable_mosaic.version = 14 : i64} {
  func.func @body(%arg0: i32, %arg1: memref<400x128xf32, #tpu.memory_space<vmem>>, %arg2: memref<400x128xf32, #tpu.memory_space<vmem>>, %arg3: memref<400x128xf32, #tpu.memory_space<vmem>>, %arg4: memref<400x128xf32, #tpu.memory_space<vmem>>, %arg5: memref<400x1xf32, #tpu.memory_space<vmem>>, %arg6: memref<256x512xf32, #tpu.memory_space<vmem>>, %arg7: memref<256x512xf32, #tpu.memory_space<vmem>>, %arg8: memref<1x512xf32, #tpu.memory_space<vmem>>, %arg9: memref<400x512xf32, #tpu.memory_space<vmem>>, %arg10: memref<1x512xf32, #tpu.memory_space<vmem>>, %arg11: memref<1x512xf32, #tpu.memory_space<vmem>>) attributes {dimension_semantics = [#tpu.dimension_semantics<arbitrary>], iteration_bounds = array<i64: 25>, scalar_prefetch = 0 : i64, scratch_operands = 0 : i64, tpu.core_type = #tpu.core_type<tc>, window_params = [{transform_indices = @transform_0, window_bounds = array<i64: 400, 128>}, {transform_indices = @transform_1, window_bounds = array<i64: 400, 128>}, {transform_indices = @transform_2, window_bounds = array<i64: 400, 128>}, {transform_indices = @transform_3, window_bounds = array<i64: 400, 128>}, {transform_indices = @transform_4, window_bounds = array<i64: 400, 1>}, {pipeline_mode = #tpu.pipeline_mode<synchronous>, transform_indices = @transform_5, window_bounds = array<i64: 256, 512>}, {pipeline_mode = #tpu.pipeline_mode<synchronous>, transform_indices = @transform_6, window_bounds = array<i64: 256, 512>}, {pipeline_mode = #tpu.pipeline_mode<synchronous>, transform_indices = @transform_7, window_bounds = array<i64: 1, 512>}, {transform_indices = @transform_8, window_bounds = array<i64: 400, 512>}, {pipeline_mode = #tpu.pipeline_mode<synchronous>, transform_indices = @transform_9, window_bounds = array<i64: 1, 512>}, {pipeline_mode = #tpu.pipeline_mode<synchronous>, transform_indices = @transform_10, window_bounds = array<i64: 1, 512>}]} {
    %get3A = arith.constant 0 : index
    %get3A_0 = arith.constant 0 : index
    %get3A_1 = vector.load %arg5[%get3A, %get3A_0] : memref<400x1xf32, #tpu.memory_space<vmem>>, vector<400x1xf32>
    %max3A = arith.constant 1.000000e+00 : f32
    %max3A_2 = vector.broadcast %max3A : f32 to vector<400x1xf32>
    %max3A_3 = arith.maximumf %get3A_1, %max3A_2 : vector<400x1xf32>
    %div3A = arith.constant 1.000000e+00 : f32
    %div3A_4 = vector.broadcast %div3A : f32 to vector<400x1xf32>
    %div3A_5 = arith.divf %div3A_4, %max3A_3 : vector<400x1xf32>
    %broadcast_in_dim3A = arith.constant 0.000000e+00 : f32
    %broadcast_in_dim3A_6 = vector.broadcast %broadcast_in_dim3A : f32 to vector<400x512xf32>
    %get3A_7 = arith.constant 0 : index
    %get3A_8 = arith.constant 0 : index
    %get3A_9 = vector.load %arg1[%get3A_7, %get3A_8] : memref<400x128xf32, #tpu.memory_space<vmem>>, vector<400x128xf32>
    %mul3A = vector.broadcast %div3A_5 : vector<400x1xf32> to vector<400x128xf32>
    %mul3A_10 = arith.mulf %get3A_9, %mul3A : vector<400x128xf32>
    %get3A_11 = arith.constant 0 : index
    %get3A_12 = arith.constant 0 : index
    %get3A_13 = vector.load %arg6[%get3A_11, %get3A_12] : memref<256x512xf32, #tpu.memory_space<vmem>>, vector<128x512xf32>
    %dot_general3A = arith.constant dense<0.000000e+00> : vector<400x512xf32>
    %dot_general3A_14 = tpu.matmul %mul3A_10, %get3A_13, %dot_general3A {dimension_numbers = #tpu.dot_dimension_numbers<[1], [0], [0], [1], [0, 0, 1, 1], [], []>, transpose_lhs_hint = false} : vector<400x128xf32>, vector<128x512xf32>, vector<400x512xf32> -> vector<400x512xf32>
    %add3A = arith.addf %broadcast_in_dim3A_6, %dot_general3A_14 : vector<400x512xf32>
    %get3A_15 = arith.constant 0 : index
    %get3A_16 = arith.constant 0 : index
    %get3A_17 = vector.load %arg3[%get3A_15, %get3A_16] : memref<400x128xf32, #tpu.memory_space<vmem>>, vector<400x128xf32>
    %get3A_18 = arith.constant 0 : index
    %get3A_19 = arith.constant 0 : index
    %get3A_20 = vector.load %arg7[%get3A_18, %get3A_19] : memref<256x512xf32, #tpu.memory_space<vmem>>, vector<128x512xf32>
    %dot_general3A_21 = arith.constant dense<0.000000e+00> : vector<400x512xf32>
    %dot_general3A_22 = tpu.matmul %get3A_17, %get3A_20, %dot_general3A_21 {dimension_numbers = #tpu.dot_dimension_numbers<[1], [0], [0], [1], [0, 0, 1, 1], [], []>, transpose_lhs_hint = false} : vector<400x128xf32>, vector<128x512xf32>, vector<400x512xf32> -> vector<400x512xf32>
    %add3A_23 = arith.addf %add3A, %dot_general3A_22 : vector<400x512xf32>
    %get3A_24 = arith.constant 0 : index
    %get3A_25 = arith.constant 0 : index
    %get3A_26 = vector.load %arg2[%get3A_24, %get3A_25] : memref<400x128xf32, #tpu.memory_space<vmem>>, vector<400x128xf32>
    %mul3A_27 = vector.broadcast %div3A_5 : vector<400x1xf32> to vector<400x128xf32>
    %mul3A_28 = arith.mulf %get3A_26, %mul3A_27 : vector<400x128xf32>
    %get3A_29 = arith.constant 128 : index
    %get3A_30 = arith.constant 0 : index
    %get3A_31 = vector.load %arg6[%get3A_29, %get3A_30] : memref<256x512xf32, #tpu.memory_space<vmem>>, vector<128x512xf32>
    %dot_general3A_32 = arith.constant dense<0.000000e+00> : vector<400x512xf32>
    %dot_general3A_33 = tpu.matmul %mul3A_28, %get3A_31, %dot_general3A_32 {dimension_numbers = #tpu.dot_dimension_numbers<[1], [0], [0], [1], [0, 0, 1, 1], [], []>, transpose_lhs_hint = false} : vector<400x128xf32>, vector<128x512xf32>, vector<400x512xf32> -> vector<400x512xf32>
    %add3A_34 = arith.addf %add3A_23, %dot_general3A_33 : vector<400x512xf32>
    %get3A_35 = arith.constant 0 : index
    %get3A_36 = arith.constant 0 : index
    %get3A_37 = vector.load %arg4[%get3A_35, %get3A_36] : memref<400x128xf32, #tpu.memory_space<vmem>>, vector<400x128xf32>
    %get3A_38 = arith.constant 128 : index
    %get3A_39 = arith.constant 0 : index
    %get3A_40 = vector.load %arg7[%get3A_38, %get3A_39] : memref<256x512xf32, #tpu.memory_space<vmem>>, vector<128x512xf32>
    %dot_general3A_41 = arith.constant dense<0.000000e+00> : vector<400x512xf32>
    %dot_general3A_42 = tpu.matmul %get3A_37, %get3A_40, %dot_general3A_41 {dimension_numbers = #tpu.dot_dimension_numbers<[1], [0], [0], [1], [0, 0, 1, 1], [], []>, transpose_lhs_hint = false} : vector<400x128xf32>, vector<128x512xf32>, vector<400x512xf32> -> vector<400x512xf32>
    %add3A_43 = arith.addf %add3A_34, %dot_general3A_42 : vector<400x512xf32>
    %get3A_44 = arith.constant 0 : index
    %get3A_45 = arith.constant 0 : index
    %get3A_46 = vector.load %arg8[%get3A_44, %get3A_45] : memref<1x512xf32, #tpu.memory_space<vmem>>, vector<1x512xf32>
    %add3A_47 = vector.broadcast %get3A_46 : vector<1x512xf32> to vector<400x512xf32>
    %add3A_48 = arith.addf %add3A_43, %add3A_47 : vector<400x512xf32>
    %swap3A = arith.constant 0 : index
    %swap3A_49 = arith.constant 0 : index
    %swap3A_50 = vector.load %arg9[%swap3A, %swap3A_49] : memref<400x512xf32, #tpu.memory_space<vmem>>, vector<400x512xf32>
    tpu.vector_store %arg9[%swap3A, %swap3A_49], %add3A_48 {strides = array<i32>} : memref<400x512xf32, #tpu.memory_space<vmem>>, vector<400x512xf32>,
    %eq3A = arith.constant 0 : i32
    %eq3A_51 = arith.cmpi eq, %arg0, %eq3A : i32
    %convert_element_type3A = arith.extui %eq3A_51 : i1 to i32
    %cond3A = arith.constant 0 : i32
    %cond3A_52 = arith.cmpi ne, %convert_element_type3A, %cond3A : i32
    scf.if %cond3A_52 {
      %broadcast_in_dim3A_73 = arith.constant 0.000000e+00 : f32
      %broadcast_in_dim3A_74 = vector.broadcast %broadcast_in_dim3A_73 : f32 to vector<1x512xf32>
      %swap3A_75 = arith.constant 0 : index
      %swap3A_76 = arith.constant 0 : index
      %swap3A_77 = vector.load %arg10[%swap3A_75, %swap3A_76] : memref<1x512xf32, #tpu.memory_space<vmem>>, vector<1x512xf32>
      tpu.vector_store %arg10[%swap3A_75, %swap3A_76], %broadcast_in_dim3A_74 {strides = array<i32>} : memref<1x512xf32, #tpu.memory_space<vmem>>, vector<1x512xf32>,
      %broadcast_in_dim3A_78 = arith.constant 0.000000e+00 : f32
      %broadcast_in_dim3A_79 = vector.broadcast %broadcast_in_dim3A_78 : f32 to vector<1x512xf32>
      %swap3A_80 = arith.constant 0 : index
      %swap3A_81 = arith.constant 0 : index
      %swap3A_82 = vector.load %arg11[%swap3A_80, %swap3A_81] : memref<1x512xf32, #tpu.memory_space<vmem>>, vector<1x512xf32>
      tpu.vector_store %arg11[%swap3A_80, %swap3A_81], %broadcast_in_dim3A_79 {strides = array<i32>} : memref<1x512xf32, #tpu.memory_space<vmem>>, vector<1x512xf32>,
    } else {
    }
    %get3A_53 = arith.constant 0 : index
    %get3A_54 = arith.constant 0 : index
    %get3A_55 = vector.load %arg10[%get3A_53, %get3A_54] : memref<1x512xf32, #tpu.memory_space<vmem>>, vector<1x512xf32>
    %reduce_sum3A = arith.constant dense<0.000000e+00> : vector<512xf32>
    %reduce_sum3A_56 = vector.multi_reduction <add>, %add3A_48, %reduce_sum3A [0] : vector<400x512xf32> to vector<512xf32>
    %broadcast_in_dim3A_57 = vector.shape_cast %reduce_sum3A_56 : vector<512xf32> to vector<1x512xf32>
    %add3A_58 = arith.addf %get3A_55, %broadcast_in_dim3A_57 : vector<1x512xf32>
    %swap3A_59 = arith.constant 0 : index
    %swap3A_60 = arith.constant 0 : index
    %swap3A_61 = vector.load %arg10[%swap3A_59, %swap3A_60] : memref<1x512xf32, #tpu.memory_space<vmem>>, vector<1x512xf32>
    tpu.vector_store %arg10[%swap3A_59, %swap3A_60], %add3A_58 {strides = array<i32>} : memref<1x512xf32, #tpu.memory_space<vmem>>, vector<1x512xf32>,
    %get3A_62 = arith.constant 0 : index
    %get3A_63 = arith.constant 0 : index
    %get3A_64 = vector.load %arg11[%get3A_62, %get3A_63] : memref<1x512xf32, #tpu.memory_space<vmem>>, vector<1x512xf32>
    %mul3A_65 = arith.mulf %add3A_48, %add3A_48 : vector<400x512xf32>
    %reduce_sum3A_66 = arith.constant dense<0.000000e+00> : vector<512xf32>
    %reduce_sum3A_67 = vector.multi_reduction <add>, %mul3A_65, %reduce_sum3A_66 [0] : vector<400x512xf32> to vector<512xf32>
    %broadcast_in_dim3A_68 = vector.shape_cast %reduce_sum3A_67 : vector<512xf32> to vector<1x512xf32>
    %add3A_69 = arith.addf %get3A_64, %broadcast_in_dim3A_68 : vector<1x512xf32>
    %swap3A_70 = arith.constant 0 : index
    %swap3A_71 = arith.constant 0 : index
    %swap3A_72 = vector.load %arg11[%swap3A_70, %swap3A_71] : memref<1x512xf32, #tpu.memory_space<vmem>>, vector<1x512xf32>
    tpu.vector_store %arg11[%swap3A_70, %swap3A_71], %add3A_69 {strides = array<i32>} : memref<1x512xf32, #tpu.memory_space<vmem>>, vector<1x512xf32>,
    return
  }
  func.func @transform_0(%arg0: i32) -> (i32, i32) {
    %c0_i32 = arith.constant 0 : i32
    %c0_i32_0 = arith.constant 0 : i32
    return %arg0, %c0_i32 : i32, i32
  }
  func.func @transform_1(%arg0: i32) -> (i32, i32) {
    %c0_i32 = arith.constant 0 : i32
    %c0_i32_0 = arith.constant 0 : i32
    return %arg0, %c0_i32 : i32, i32
  }
  func.func @transform_2(%arg0: i32) -> (i32, i32) {
    %c0_i32 = arith.constant 0 : i32
    %c0_i32_0 = arith.constant 0 : i32
    return %arg0, %c0_i32 : i32, i32
  }
  func.func @transform_3(%arg0: i32) -> (i32, i32) {
    %c0_i32 = arith.constant 0 : i32
    %c0_i32_0 = arith.constant 0 : i32
    return %arg0, %c0_i32 : i32, i32
  }
  func.func @transform_4(%arg0: i32) -> (i32, i32) {
    %c0_i32 = arith.constant 0 : i32
    %c0_i32_0 = arith.constant 0 : i32
    return %arg0, %c0_i32 : i32, i32
  }
  func.func @transform_5(%arg0: i32) -> (i32, i32) {
    %c0_i32 = arith.constant 0 : i32
    %c0_i32_0 = arith.constant 0 : i32
    %c0_i32_1 = arith.constant 0 : i32
    return %c0_i32, %c0_i32_0 : i32, i32
  }
  func.func @transform_6(%arg0: i32) -> (i32, i32) {
    %c0_i32 = arith.constant 0 : i32
    %c0_i32_0 = arith.constant 0 : i32
    %c0_i32_1 = arith.constant 0 : i32
    return %c0_i32, %c0_i32_0 : i32, i32
  }
  func.func @transform_7(%arg0: i32) -> (i32, i32) {
    %c0_i32 = arith.constant 0 : i32
    %c0_i32_0 = arith.constant 0 : i32
    %c0_i32_1 = arith.constant 0 : i32
    return %c0_i32, %c0_i32_0 : i32, i32
  }
  func.func @transform_8(%arg0: i32) -> (i32, i32) {
    %c0_i32 = arith.constant 0 : i32
    %c0_i32_0 = arith.constant 0 : i32
    return %arg0, %c0_i32 : i32, i32
  }
  func.func @transform_9(%arg0: i32) -> (i32, i32) {
    %c0_i32 = arith.constant 0 : i32
    %c0_i32_0 = arith.constant 0 : i32
    %c0_i32_1 = arith.constant 0 : i32
    return %c0_i32, %c0_i32_0 : i32, i32
  }
  func.func @transform_10(%arg0: i32) -> (i32, i32) {
    %c0_i32 = arith.constant 0 : i32
    %c0_i32_0 = arith.constant 0 : i32
    %c0_i32_1 = arith.constant 0 : i32
    return %c0_i32, %c0_i32_0 : i32, i32
  }
}

module attributes {stable_mosaic.version = 14 : i64} {
  func.func @body(%arg0: i32, %arg1: memref<400x512xf32, #tpu.memory_space<vmem>>, %arg2: memref<1x512xf32, #tpu.memory_space<vmem>>, %arg3: memref<1x512xf32, #tpu.memory_space<vmem>>, %arg4: memref<1x512xf32, #tpu.memory_space<vmem>>, %arg5: memref<1x512xf32, #tpu.memory_space<vmem>>, %arg6: memref<400x128xf32, #tpu.memory_space<vmem>>, %arg7: memref<400x128xf32, #tpu.memory_space<vmem>>, %arg8: memref<400x128xf32, #tpu.memory_space<vmem>>, %arg9: memref<400x128xf32, #tpu.memory_space<vmem>>) attributes {dimension_semantics = [#tpu.dimension_semantics<arbitrary>], iteration_bounds = array<i64: 25>, scalar_prefetch = 0 : i64, scratch_operands = 0 : i64, tpu.core_type = #tpu.core_type<tc>, window_params = [{transform_indices = @transform_0, window_bounds = array<i64: 400, 512>}, {pipeline_mode = #tpu.pipeline_mode<synchronous>, transform_indices = @transform_1, window_bounds = array<i64: 1, 512>}, {pipeline_mode = #tpu.pipeline_mode<synchronous>, transform_indices = @transform_2, window_bounds = array<i64: 1, 512>}, {pipeline_mode = #tpu.pipeline_mode<synchronous>, transform_indices = @transform_3, window_bounds = array<i64: 1, 512>}, {pipeline_mode = #tpu.pipeline_mode<synchronous>, transform_indices = @transform_4, window_bounds = array<i64: 1, 512>}, {transform_indices = @transform_5, window_bounds = array<i64: 400, 128>}, {transform_indices = @transform_6, window_bounds = array<i64: 400, 128>}, {transform_indices = @transform_7, window_bounds = array<i64: 400, 128>}, {transform_indices = @transform_8, window_bounds = array<i64: 400, 128>}]} {
    %get3A = arith.constant 0 : index
    %get3A_0 = arith.constant 0 : index
    %get3A_1 = vector.load %arg2[%get3A, %get3A_0] : memref<1x512xf32, #tpu.memory_space<vmem>>, vector<1x512xf32>
    %mul3A = arith.constant 9.99999974E-5 : f32
    %mul3A_2 = vector.broadcast %mul3A : f32 to vector<1x512xf32>
    %mul3A_3 = arith.mulf %get3A_1, %mul3A_2 : vector<1x512xf32>
    %get3A_4 = arith.constant 0 : index
    %get3A_5 = arith.constant 0 : index
    %get3A_6 = vector.load %arg3[%get3A_4, %get3A_5] : memref<1x512xf32, #tpu.memory_space<vmem>>, vector<1x512xf32>
    %mul3A_7 = arith.constant 9.99999974E-5 : f32
    %mul3A_8 = vector.broadcast %mul3A_7 : f32 to vector<1x512xf32>
    %mul3A_9 = arith.mulf %get3A_6, %mul3A_8 : vector<1x512xf32>
    %mul3A_10 = arith.mulf %mul3A_3, %mul3A_3 : vector<1x512xf32>
    %sub3A = arith.subf %mul3A_9, %mul3A_10 : vector<1x512xf32>
    %add3A = arith.constant 9.99999974E-6 : f32
    %add3A_11 = vector.broadcast %add3A : f32 to vector<1x512xf32>
    %add3A_12 = arith.addf %sub3A, %add3A_11 : vector<1x512xf32>
    %rsqrt3A = math.rsqrt %add3A_12 : vector<1x512xf32>
    %get3A_13 = arith.constant 0 : index
    %get3A_14 = arith.constant 0 : index
    %get3A_15 = vector.load %arg4[%get3A_13, %get3A_14] : memref<1x512xf32, #tpu.memory_space<vmem>>, vector<1x512xf32>
    %mul3A_16 = arith.mulf %rsqrt3A, %get3A_15 : vector<1x512xf32>
    %get3A_17 = arith.constant 0 : index
    %get3A_18 = arith.constant 0 : index
    %get3A_19 = vector.load %arg1[%get3A_17, %get3A_18] : memref<400x512xf32, #tpu.memory_space<vmem>>, vector<400x512xf32>
    %sub3A_20 = vector.broadcast %mul3A_3 : vector<1x512xf32> to vector<400x512xf32>
    %sub3A_21 = arith.subf %get3A_19, %sub3A_20 : vector<400x512xf32>
    %mul3A_22 = vector.broadcast %mul3A_16 : vector<1x512xf32> to vector<400x512xf32>
    %mul3A_23 = arith.mulf %sub3A_21, %mul3A_22 : vector<400x512xf32>
    %get3A_24 = arith.constant 0 : index
    %get3A_25 = arith.constant 0 : index
    %get3A_26 = vector.load %arg5[%get3A_24, %get3A_25] : memref<1x512xf32, #tpu.memory_space<vmem>>, vector<1x512xf32>
    %add3A_27 = vector.broadcast %get3A_26 : vector<1x512xf32> to vector<400x512xf32>
    %add3A_28 = arith.addf %mul3A_23, %add3A_27 : vector<400x512xf32>
    %max3A = arith.constant 0.000000e+00 : f32
    %max3A_29 = vector.broadcast %max3A : f32 to vector<400x512xf32>
    %max3A_30 = arith.maximumf %add3A_28, %max3A_29 : vector<400x512xf32>
    %slice3A = vector.extract_strided_slice %max3A_30 {offsets = [0, 0], sizes = [400, 128], strides = [1, 1]} : vector<400x512xf32> to vector<400x128xf32>
    %swap3A = arith.constant 0 : index
    %swap3A_31 = arith.constant 0 : index
    %swap3A_32 = vector.load %arg6[%swap3A, %swap3A_31] : memref<400x128xf32, #tpu.memory_space<vmem>>, vector<400x128xf32>
    tpu.vector_store %arg6[%swap3A, %swap3A_31], %slice3A {strides = array<i32>} : memref<400x128xf32, #tpu.memory_space<vmem>>, vector<400x128xf32>,
    %slice3A_33 = vector.extract_strided_slice %max3A_30 {offsets = [0, 128], sizes = [400, 128], strides = [1, 1]} : vector<400x512xf32> to vector<400x128xf32>
    %swap3A_34 = arith.constant 0 : index
    %swap3A_35 = arith.constant 0 : index
    %swap3A_36 = vector.load %arg7[%swap3A_34, %swap3A_35] : memref<400x128xf32, #tpu.memory_space<vmem>>, vector<400x128xf32>
    tpu.vector_store %arg7[%swap3A_34, %swap3A_35], %slice3A_33 {strides = array<i32>} : memref<400x128xf32, #tpu.memory_space<vmem>>, vector<400x128xf32>,
    %slice3A_37 = vector.extract_strided_slice %max3A_30 {offsets = [0, 256], sizes = [400, 128], strides = [1, 1]} : vector<400x512xf32> to vector<400x128xf32>
    %swap3A_38 = arith.constant 0 : index
    %swap3A_39 = arith.constant 0 : index
    %swap3A_40 = vector.load %arg8[%swap3A_38, %swap3A_39] : memref<400x128xf32, #tpu.memory_space<vmem>>, vector<400x128xf32>
    tpu.vector_store %arg8[%swap3A_38, %swap3A_39], %slice3A_37 {strides = array<i32>} : memref<400x128xf32, #tpu.memory_space<vmem>>, vector<400x128xf32>,
    %slice3A_41 = vector.extract_strided_slice %max3A_30 {offsets = [0, 384], sizes = [400, 128], strides = [1, 1]} : vector<400x512xf32> to vector<400x128xf32>
    %swap3A_42 = arith.constant 0 : index
    %swap3A_43 = arith.constant 0 : index
    %swap3A_44 = vector.load %arg9[%swap3A_42, %swap3A_43] : memref<400x128xf32, #tpu.memory_space<vmem>>, vector<400x128xf32>
    tpu.vector_store %arg9[%swap3A_42, %swap3A_43], %slice3A_41 {strides = array<i32>} : memref<400x128xf32, #tpu.memory_space<vmem>>, vector<400x128xf32>,
    return
  }
  func.func @transform_0(%arg0: i32) -> (i32, i32) {
    %c0_i32 = arith.constant 0 : i32
    %c0_i32_0 = arith.constant 0 : i32
    return %arg0, %c0_i32 : i32, i32
  }
  func.func @transform_1(%arg0: i32) -> (i32, i32) {
    %c0_i32 = arith.constant 0 : i32
    %c0_i32_0 = arith.constant 0 : i32
    %c0_i32_1 = arith.constant 0 : i32
    return %c0_i32, %c0_i32_0 : i32, i32
  }
  func.func @transform_2(%arg0: i32) -> (i32, i32) {
    %c0_i32 = arith.constant 0 : i32
    %c0_i32_0 = arith.constant 0 : i32
    %c0_i32_1 = arith.constant 0 : i32
    return %c0_i32, %c0_i32_0 : i32, i32
  }
  func.func @transform_3(%arg0: i32) -> (i32, i32) {
    %c0_i32 = arith.constant 0 : i32
    %c0_i32_0 = arith.constant 0 : i32
    %c0_i32_1 = arith.constant 0 : i32
    return %c0_i32, %c0_i32_0 : i32, i32
  }
  func.func @transform_4(%arg0: i32) -> (i32, i32) {
    %c0_i32 = arith.constant 0 : i32
    %c0_i32_0 = arith.constant 0 : i32
    %c0_i32_1 = arith.constant 0 : i32
    return %c0_i32, %c0_i32_0 : i32, i32
  }
  func.func @transform_5(%arg0: i32) -> (i32, i32) {
    %c0_i32 = arith.constant 0 : i32
    %c0_i32_0 = arith.constant 0 : i32
    return %arg0, %c0_i32 : i32, i32
  }
  func.func @transform_6(%arg0: i32) -> (i32, i32) {
    %c0_i32 = arith.constant 0 : i32
    %c0_i32_0 = arith.constant 0 : i32
    return %arg0, %c0_i32 : i32, i32
  }
  func.func @transform_7(%arg0: i32) -> (i32, i32) {
    %c0_i32 = arith.constant 0 : i32
    %c0_i32_0 = arith.constant 0 : i32
    return %arg0, %c0_i32 : i32, i32
  }
  func.func @transform_8(%arg0: i32) -> (i32, i32) {
    %c0_i32 = arith.constant 0 : i32
    %c0_i32_0 = arith.constant 0 : i32
    return %arg0, %c0_i32 : i32, i32
  }
}

module attributes {stable_mosaic.version = 14 : i64} {
  func.func @body(%arg0: i32, %arg1: memref<400x128xf32, #tpu.memory_space<vmem>>, %arg2: memref<400x128xf32, #tpu.memory_space<vmem>>, %arg3: memref<400x128xf32, #tpu.memory_space<vmem>>, %arg4: memref<400x128xf32, #tpu.memory_space<vmem>>, %arg5: memref<400x128xf32, #tpu.memory_space<vmem>>, %arg6: memref<400x128xf32, #tpu.memory_space<vmem>>, %arg7: memref<400x128xf32, #tpu.memory_space<vmem>>, %arg8: memref<400x128xf32, #tpu.memory_space<vmem>>, %arg9: memref<400x1xf32, #tpu.memory_space<vmem>>, %arg10: memref<512x256xf32, #tpu.memory_space<vmem>>, %arg11: memref<512x256xf32, #tpu.memory_space<vmem>>, %arg12: memref<1x256xf32, #tpu.memory_space<vmem>>, %arg13: memref<400x256xf32, #tpu.memory_space<vmem>>, %arg14: memref<1x256xf32, #tpu.memory_space<vmem>>, %arg15: memref<1x256xf32, #tpu.memory_space<vmem>>) attributes {dimension_semantics = [#tpu.dimension_semantics<arbitrary>], iteration_bounds = array<i64: 25>, scalar_prefetch = 0 : i64, scratch_operands = 0 : i64, tpu.core_type = #tpu.core_type<tc>, window_params = [{transform_indices = @transform_0, window_bounds = array<i64: 400, 128>}, {transform_indices = @transform_1, window_bounds = array<i64: 400, 128>}, {transform_indices = @transform_2, window_bounds = array<i64: 400, 128>}, {transform_indices = @transform_3, window_bounds = array<i64: 400, 128>}, {transform_indices = @transform_4, window_bounds = array<i64: 400, 128>}, {transform_indices = @transform_5, window_bounds = array<i64: 400, 128>}, {transform_indices = @transform_6, window_bounds = array<i64: 400, 128>}, {transform_indices = @transform_7, window_bounds = array<i64: 400, 128>}, {transform_indices = @transform_8, window_bounds = array<i64: 400, 1>}, {pipeline_mode = #tpu.pipeline_mode<synchronous>, transform_indices = @transform_9, window_bounds = array<i64: 512, 256>}, {pipeline_mode = #tpu.pipeline_mode<synchronous>, transform_indices = @transform_10, window_bounds = array<i64: 512, 256>}, {pipeline_mode = #tpu.pipeline_mode<synchronous>, transform_indices = @transform_11, window_bounds = array<i64: 1, 256>}, {transform_indices = @transform_12, window_bounds = array<i64: 400, 256>}, {pipeline_mode = #tpu.pipeline_mode<synchronous>, transform_indices = @transform_13, window_bounds = array<i64: 1, 256>}, {pipeline_mode = #tpu.pipeline_mode<synchronous>, transform_indices = @transform_14, window_bounds = array<i64: 1, 256>}]} {
    %get3A = arith.constant 0 : index
    %get3A_0 = arith.constant 0 : index
    %get3A_1 = vector.load %arg9[%get3A, %get3A_0] : memref<400x1xf32, #tpu.memory_space<vmem>>, vector<400x1xf32>
    %max3A = arith.constant 1.000000e+00 : f32
    %max3A_2 = vector.broadcast %max3A : f32 to vector<400x1xf32>
    %max3A_3 = arith.maximumf %get3A_1, %max3A_2 : vector<400x1xf32>
    %div3A = arith.constant 1.000000e+00 : f32
    %div3A_4 = vector.broadcast %div3A : f32 to vector<400x1xf32>
    %div3A_5 = arith.divf %div3A_4, %max3A_3 : vector<400x1xf32>
    %broadcast_in_dim3A = arith.constant 0.000000e+00 : f32
    %broadcast_in_dim3A_6 = vector.broadcast %broadcast_in_dim3A : f32 to vector<400x256xf32>
    %get3A_7 = arith.constant 0 : index
    %get3A_8 = arith.constant 0 : index
    %get3A_9 = vector.load %arg1[%get3A_7, %get3A_8] : memref<400x128xf32, #tpu.memory_space<vmem>>, vector<400x128xf32>
    %mul3A = vector.broadcast %div3A_5 : vector<400x1xf32> to vector<400x128xf32>
    %mul3A_10 = arith.mulf %get3A_9, %mul3A : vector<400x128xf32>
    %get3A_11 = arith.constant 0 : index
    %get3A_12 = arith.constant 0 : index
    %get3A_13 = vector.load %arg10[%get3A_11, %get3A_12] : memref<512x256xf32, #tpu.memory_space<vmem>>, vector<128x256xf32>
    %dot_general3A = arith.constant dense<0.000000e+00> : vector<400x256xf32>
    %dot_general3A_14 = tpu.matmul %mul3A_10, %get3A_13, %dot_general3A {dimension_numbers = #tpu.dot_dimension_numbers<[1], [0], [0], [1], [0, 0, 1, 1], [], []>, transpose_lhs_hint = false} : vector<400x128xf32>, vector<128x256xf32>, vector<400x256xf32> -> vector<400x256xf32>
    %add3A = arith.addf %broadcast_in_dim3A_6, %dot_general3A_14 : vector<400x256xf32>
    %get3A_15 = arith.constant 0 : index
    %get3A_16 = arith.constant 0 : index
    %get3A_17 = vector.load %arg5[%get3A_15, %get3A_16] : memref<400x128xf32, #tpu.memory_space<vmem>>, vector<400x128xf32>
    %get3A_18 = arith.constant 0 : index
    %get3A_19 = arith.constant 0 : index
    %get3A_20 = vector.load %arg11[%get3A_18, %get3A_19] : memref<512x256xf32, #tpu.memory_space<vmem>>, vector<128x256xf32>
    %dot_general3A_21 = arith.constant dense<0.000000e+00> : vector<400x256xf32>
    %dot_general3A_22 = tpu.matmul %get3A_17, %get3A_20, %dot_general3A_21 {dimension_numbers = #tpu.dot_dimension_numbers<[1], [0], [0], [1], [0, 0, 1, 1], [], []>, transpose_lhs_hint = false} : vector<400x128xf32>, vector<128x256xf32>, vector<400x256xf32> -> vector<400x256xf32>
    %add3A_23 = arith.addf %add3A, %dot_general3A_22 : vector<400x256xf32>
    %get3A_24 = arith.constant 0 : index
    %get3A_25 = arith.constant 0 : index
    %get3A_26 = vector.load %arg2[%get3A_24, %get3A_25] : memref<400x128xf32, #tpu.memory_space<vmem>>, vector<400x128xf32>
    %mul3A_27 = vector.broadcast %div3A_5 : vector<400x1xf32> to vector<400x128xf32>
    %mul3A_28 = arith.mulf %get3A_26, %mul3A_27 : vector<400x128xf32>
    %get3A_29 = arith.constant 128 : index
    %get3A_30 = arith.constant 0 : index
    %get3A_31 = vector.load %arg10[%get3A_29, %get3A_30] : memref<512x256xf32, #tpu.memory_space<vmem>>, vector<128x256xf32>
    %dot_general3A_32 = arith.constant dense<0.000000e+00> : vector<400x256xf32>
    %dot_general3A_33 = tpu.matmul %mul3A_28, %get3A_31, %dot_general3A_32 {dimension_numbers = #tpu.dot_dimension_numbers<[1], [0], [0], [1], [0, 0, 1, 1], [], []>, transpose_lhs_hint = false} : vector<400x128xf32>, vector<128x256xf32>, vector<400x256xf32> -> vector<400x256xf32>
    %add3A_34 = arith.addf %add3A_23, %dot_general3A_33 : vector<400x256xf32>
    %get3A_35 = arith.constant 0 : index
    %get3A_36 = arith.constant 0 : index
    %get3A_37 = vector.load %arg6[%get3A_35, %get3A_36] : memref<400x128xf32, #tpu.memory_space<vmem>>, vector<400x128xf32>
    %get3A_38 = arith.constant 128 : index
    %get3A_39 = arith.constant 0 : index
    %get3A_40 = vector.load %arg11[%get3A_38, %get3A_39] : memref<512x256xf32, #tpu.memory_space<vmem>>, vector<128x256xf32>
    %dot_general3A_41 = arith.constant dense<0.000000e+00> : vector<400x256xf32>
    %dot_general3A_42 = tpu.matmul %get3A_37, %get3A_40, %dot_general3A_41 {dimension_numbers = #tpu.dot_dimension_numbers<[1], [0], [0], [1], [0, 0, 1, 1], [], []>, transpose_lhs_hint = false} : vector<400x128xf32>, vector<128x256xf32>, vector<400x256xf32> -> vector<400x256xf32>
    %add3A_43 = arith.addf %add3A_34, %dot_general3A_42 : vector<400x256xf32>
    %get3A_44 = arith.constant 0 : index
    %get3A_45 = arith.constant 0 : index
    %get3A_46 = vector.load %arg3[%get3A_44, %get3A_45] : memref<400x128xf32, #tpu.memory_space<vmem>>, vector<400x128xf32>
    %mul3A_47 = vector.broadcast %div3A_5 : vector<400x1xf32> to vector<400x128xf32>
    %mul3A_48 = arith.mulf %get3A_46, %mul3A_47 : vector<400x128xf32>
    %get3A_49 = arith.constant 256 : index
    %get3A_50 = arith.constant 0 : index
    %get3A_51 = vector.load %arg10[%get3A_49, %get3A_50] : memref<512x256xf32, #tpu.memory_space<vmem>>, vector<128x256xf32>
    %dot_general3A_52 = arith.constant dense<0.000000e+00> : vector<400x256xf32>
    %dot_general3A_53 = tpu.matmul %mul3A_48, %get3A_51, %dot_general3A_52 {dimension_numbers = #tpu.dot_dimension_numbers<[1], [0], [0], [1], [0, 0, 1, 1], [], []>, transpose_lhs_hint = false} : vector<400x128xf32>, vector<128x256xf32>, vector<400x256xf32> -> vector<400x256xf32>
    %add3A_54 = arith.addf %add3A_43, %dot_general3A_53 : vector<400x256xf32>
    %get3A_55 = arith.constant 0 : index
    %get3A_56 = arith.constant 0 : index
    %get3A_57 = vector.load %arg7[%get3A_55, %get3A_56] : memref<400x128xf32, #tpu.memory_space<vmem>>, vector<400x128xf32>
    %get3A_58 = arith.constant 256 : index
    %get3A_59 = arith.constant 0 : index
    %get3A_60 = vector.load %arg11[%get3A_58, %get3A_59] : memref<512x256xf32, #tpu.memory_space<vmem>>, vector<128x256xf32>
    %dot_general3A_61 = arith.constant dense<0.000000e+00> : vector<400x256xf32>
    %dot_general3A_62 = tpu.matmul %get3A_57, %get3A_60, %dot_general3A_61 {dimension_numbers = #tpu.dot_dimension_numbers<[1], [0], [0], [1], [0, 0, 1, 1], [], []>, transpose_lhs_hint = false} : vector<400x128xf32>, vector<128x256xf32>, vector<400x256xf32> -> vector<400x256xf32>
    %add3A_63 = arith.addf %add3A_54, %dot_general3A_62 : vector<400x256xf32>
    %get3A_64 = arith.constant 0 : index
    %get3A_65 = arith.constant 0 : index
    %get3A_66 = vector.load %arg4[%get3A_64, %get3A_65] : memref<400x128xf32, #tpu.memory_space<vmem>>, vector<400x128xf32>
    %mul3A_67 = vector.broadcast %div3A_5 : vector<400x1xf32> to vector<400x128xf32>
    %mul3A_68 = arith.mulf %get3A_66, %mul3A_67 : vector<400x128xf32>
    %get3A_69 = arith.constant 384 : index
    %get3A_70 = arith.constant 0 : index
    %get3A_71 = vector.load %arg10[%get3A_69, %get3A_70] : memref<512x256xf32, #tpu.memory_space<vmem>>, vector<128x256xf32>
    %dot_general3A_72 = arith.constant dense<0.000000e+00> : vector<400x256xf32>
    %dot_general3A_73 = tpu.matmul %mul3A_68, %get3A_71, %dot_general3A_72 {dimension_numbers = #tpu.dot_dimension_numbers<[1], [0], [0], [1], [0, 0, 1, 1], [], []>, transpose_lhs_hint = false} : vector<400x128xf32>, vector<128x256xf32>, vector<400x256xf32> -> vector<400x256xf32>
    %add3A_74 = arith.addf %add3A_63, %dot_general3A_73 : vector<400x256xf32>
    %get3A_75 = arith.constant 0 : index
    %get3A_76 = arith.constant 0 : index
    %get3A_77 = vector.load %arg8[%get3A_75, %get3A_76] : memref<400x128xf32, #tpu.memory_space<vmem>>, vector<400x128xf32>
    %get3A_78 = arith.constant 384 : index
    %get3A_79 = arith.constant 0 : index
    %get3A_80 = vector.load %arg11[%get3A_78, %get3A_79] : memref<512x256xf32, #tpu.memory_space<vmem>>, vector<128x256xf32>
    %dot_general3A_81 = arith.constant dense<0.000000e+00> : vector<400x256xf32>
    %dot_general3A_82 = tpu.matmul %get3A_77, %get3A_80, %dot_general3A_81 {dimension_numbers = #tpu.dot_dimension_numbers<[1], [0], [0], [1], [0, 0, 1, 1], [], []>, transpose_lhs_hint = false} : vector<400x128xf32>, vector<128x256xf32>, vector<400x256xf32> -> vector<400x256xf32>
    %add3A_83 = arith.addf %add3A_74, %dot_general3A_82 : vector<400x256xf32>
    %get3A_84 = arith.constant 0 : index
    %get3A_85 = arith.constant 0 : index
    %get3A_86 = vector.load %arg12[%get3A_84, %get3A_85] : memref<1x256xf32, #tpu.memory_space<vmem>>, vector<1x256xf32>
    %add3A_87 = vector.broadcast %get3A_86 : vector<1x256xf32> to vector<400x256xf32>
    %add3A_88 = arith.addf %add3A_83, %add3A_87 : vector<400x256xf32>
    %swap3A = arith.constant 0 : index
    %swap3A_89 = arith.constant 0 : index
    %swap3A_90 = vector.load %arg13[%swap3A, %swap3A_89] : memref<400x256xf32, #tpu.memory_space<vmem>>, vector<400x256xf32>
    tpu.vector_store %arg13[%swap3A, %swap3A_89], %add3A_88 {strides = array<i32>} : memref<400x256xf32, #tpu.memory_space<vmem>>, vector<400x256xf32>,
    %eq3A = arith.constant 0 : i32
    %eq3A_91 = arith.cmpi eq, %arg0, %eq3A : i32
    %convert_element_type3A = arith.extui %eq3A_91 : i1 to i32
    %cond3A = arith.constant 0 : i32
    %cond3A_92 = arith.cmpi ne, %convert_element_type3A, %cond3A : i32
    scf.if %cond3A_92 {
      %broadcast_in_dim3A_113 = arith.constant 0.000000e+00 : f32
      %broadcast_in_dim3A_114 = vector.broadcast %broadcast_in_dim3A_113 : f32 to vector<1x256xf32>
      %swap3A_115 = arith.constant 0 : index
      %swap3A_116 = arith.constant 0 : index
      %swap3A_117 = vector.load %arg14[%swap3A_115, %swap3A_116] : memref<1x256xf32, #tpu.memory_space<vmem>>, vector<1x256xf32>
      tpu.vector_store %arg14[%swap3A_115, %swap3A_116], %broadcast_in_dim3A_114 {strides = array<i32>} : memref<1x256xf32, #tpu.memory_space<vmem>>, vector<1x256xf32>,
      %broadcast_in_dim3A_118 = arith.constant 0.000000e+00 : f32
      %broadcast_in_dim3A_119 = vector.broadcast %broadcast_in_dim3A_118 : f32 to vector<1x256xf32>
      %swap3A_120 = arith.constant 0 : index
      %swap3A_121 = arith.constant 0 : index
      %swap3A_122 = vector.load %arg15[%swap3A_120, %swap3A_121] : memref<1x256xf32, #tpu.memory_space<vmem>>, vector<1x256xf32>
      tpu.vector_store %arg15[%swap3A_120, %swap3A_121], %broadcast_in_dim3A_119 {strides = array<i32>} : memref<1x256xf32, #tpu.memory_space<vmem>>, vector<1x256xf32>,
    } else {
    }
    %get3A_93 = arith.constant 0 : index
    %get3A_94 = arith.constant 0 : index
    %get3A_95 = vector.load %arg14[%get3A_93, %get3A_94] : memref<1x256xf32, #tpu.memory_space<vmem>>, vector<1x256xf32>
    %reduce_sum3A = arith.constant dense<0.000000e+00> : vector<256xf32>
    %reduce_sum3A_96 = vector.multi_reduction <add>, %add3A_88, %reduce_sum3A [0] : vector<400x256xf32> to vector<256xf32>
    %broadcast_in_dim3A_97 = vector.shape_cast %reduce_sum3A_96 : vector<256xf32> to vector<1x256xf32>
    %add3A_98 = arith.addf %get3A_95, %broadcast_in_dim3A_97 : vector<1x256xf32>
    %swap3A_99 = arith.constant 0 : index
    %swap3A_100 = arith.constant 0 : index
    %swap3A_101 = vector.load %arg14[%swap3A_99, %swap3A_100] : memref<1x256xf32, #tpu.memory_space<vmem>>, vector<1x256xf32>
    tpu.vector_store %arg14[%swap3A_99, %swap3A_100], %add3A_98 {strides = array<i32>} : memref<1x256xf32, #tpu.memory_space<vmem>>, vector<1x256xf32>,
    %get3A_102 = arith.constant 0 : index
    %get3A_103 = arith.constant 0 : index
    %get3A_104 = vector.load %arg15[%get3A_102, %get3A_103] : memref<1x256xf32, #tpu.memory_space<vmem>>, vector<1x256xf32>
    %mul3A_105 = arith.mulf %add3A_88, %add3A_88 : vector<400x256xf32>
    %reduce_sum3A_106 = arith.constant dense<0.000000e+00> : vector<256xf32>
    %reduce_sum3A_107 = vector.multi_reduction <add>, %mul3A_105, %reduce_sum3A_106 [0] : vector<400x256xf32> to vector<256xf32>
    %broadcast_in_dim3A_108 = vector.shape_cast %reduce_sum3A_107 : vector<256xf32> to vector<1x256xf32>
    %add3A_109 = arith.addf %get3A_104, %broadcast_in_dim3A_108 : vector<1x256xf32>
    %swap3A_110 = arith.constant 0 : index
    %swap3A_111 = arith.constant 0 : index
    %swap3A_112 = vector.load %arg15[%swap3A_110, %swap3A_111] : memref<1x256xf32, #tpu.memory_space<vmem>>, vector<1x256xf32>
    tpu.vector_store %arg15[%swap3A_110, %swap3A_111], %add3A_109 {strides = array<i32>} : memref<1x256xf32, #tpu.memory_space<vmem>>, vector<1x256xf32>,
    return
  }
  func.func @transform_0(%arg0: i32) -> (i32, i32) {
    %c0_i32 = arith.constant 0 : i32
    %c0_i32_0 = arith.constant 0 : i32
    return %arg0, %c0_i32 : i32, i32
  }
  func.func @transform_1(%arg0: i32) -> (i32, i32) {
    %c0_i32 = arith.constant 0 : i32
    %c0_i32_0 = arith.constant 0 : i32
    return %arg0, %c0_i32 : i32, i32
  }
  func.func @transform_2(%arg0: i32) -> (i32, i32) {
    %c0_i32 = arith.constant 0 : i32
    %c0_i32_0 = arith.constant 0 : i32
    return %arg0, %c0_i32 : i32, i32
  }
  func.func @transform_3(%arg0: i32) -> (i32, i32) {
    %c0_i32 = arith.constant 0 : i32
    %c0_i32_0 = arith.constant 0 : i32
    return %arg0, %c0_i32 : i32, i32
  }
  func.func @transform_4(%arg0: i32) -> (i32, i32) {
    %c0_i32 = arith.constant 0 : i32
    %c0_i32_0 = arith.constant 0 : i32
    return %arg0, %c0_i32 : i32, i32
  }
  func.func @transform_5(%arg0: i32) -> (i32, i32) {
    %c0_i32 = arith.constant 0 : i32
    %c0_i32_0 = arith.constant 0 : i32
    return %arg0, %c0_i32 : i32, i32
  }
  func.func @transform_6(%arg0: i32) -> (i32, i32) {
    %c0_i32 = arith.constant 0 : i32
    %c0_i32_0 = arith.constant 0 : i32
    return %arg0, %c0_i32 : i32, i32
  }
  func.func @transform_7(%arg0: i32) -> (i32, i32) {
    %c0_i32 = arith.constant 0 : i32
    %c0_i32_0 = arith.constant 0 : i32
    return %arg0, %c0_i32 : i32, i32
  }
  func.func @transform_8(%arg0: i32) -> (i32, i32) {
    %c0_i32 = arith.constant 0 : i32
    %c0_i32_0 = arith.constant 0 : i32
    return %arg0, %c0_i32 : i32, i32
  }
  func.func @transform_9(%arg0: i32) -> (i32, i32) {
    %c0_i32 = arith.constant 0 : i32
    %c0_i32_0 = arith.constant 0 : i32
    %c0_i32_1 = arith.constant 0 : i32
    return %c0_i32, %c0_i32_0 : i32, i32
  }
  func.func @transform_10(%arg0: i32) -> (i32, i32) {
    %c0_i32 = arith.constant 0 : i32
    %c0_i32_0 = arith.constant 0 : i32
    %c0_i32_1 = arith.constant 0 : i32
    return %c0_i32, %c0_i32_0 : i32, i32
  }
  func.func @transform_11(%arg0: i32) -> (i32, i32) {
    %c0_i32 = arith.constant 0 : i32
    %c0_i32_0 = arith.constant 0 : i32
    %c0_i32_1 = arith.constant 0 : i32
    return %c0_i32, %c0_i32_0 : i32, i32
  }
  func.func @transform_12(%arg0: i32) -> (i32, i32) {
    %c0_i32 = arith.constant 0 : i32
    %c0_i32_0 = arith.constant 0 : i32
    return %arg0, %c0_i32 : i32, i32
  }
  func.func @transform_13(%arg0: i32) -> (i32, i32) {
    %c0_i32 = arith.constant 0 : i32
    %c0_i32_0 = arith.constant 0 : i32
    %c0_i32_1 = arith.constant 0 : i32
    return %c0_i32, %c0_i32_0 : i32, i32
  }
  func.func @transform_14(%arg0: i32) -> (i32, i32) {
    %c0_i32 = arith.constant 0 : i32
    %c0_i32_0 = arith.constant 0 : i32
    %c0_i32_1 = arith.constant 0 : i32
    return %c0_i32, %c0_i32_0 : i32, i32
  }
}

module attributes {stable_mosaic.version = 14 : i64} {
  func.func @body(%arg0: i32, %arg1: memref<400x256xf32, #tpu.memory_space<vmem>>, %arg2: memref<1x256xf32, #tpu.memory_space<vmem>>, %arg3: memref<1x256xf32, #tpu.memory_space<vmem>>, %arg4: memref<1x256xf32, #tpu.memory_space<vmem>>, %arg5: memref<1x256xf32, #tpu.memory_space<vmem>>, %arg6: memref<400x128xf32, #tpu.memory_space<vmem>>, %arg7: memref<400x128xf32, #tpu.memory_space<vmem>>) attributes {dimension_semantics = [#tpu.dimension_semantics<arbitrary>], iteration_bounds = array<i64: 25>, scalar_prefetch = 0 : i64, scratch_operands = 0 : i64, tpu.core_type = #tpu.core_type<tc>, window_params = [{transform_indices = @transform_0, window_bounds = array<i64: 400, 256>}, {pipeline_mode = #tpu.pipeline_mode<synchronous>, transform_indices = @transform_1, window_bounds = array<i64: 1, 256>}, {pipeline_mode = #tpu.pipeline_mode<synchronous>, transform_indices = @transform_2, window_bounds = array<i64: 1, 256>}, {pipeline_mode = #tpu.pipeline_mode<synchronous>, transform_indices = @transform_3, window_bounds = array<i64: 1, 256>}, {pipeline_mode = #tpu.pipeline_mode<synchronous>, transform_indices = @transform_4, window_bounds = array<i64: 1, 256>}, {transform_indices = @transform_5, window_bounds = array<i64: 400, 128>}, {transform_indices = @transform_6, window_bounds = array<i64: 400, 128>}]} {
    %get3A = arith.constant 0 : index
    %get3A_0 = arith.constant 0 : index
    %get3A_1 = vector.load %arg2[%get3A, %get3A_0] : memref<1x256xf32, #tpu.memory_space<vmem>>, vector<1x256xf32>
    %mul3A = arith.constant 9.99999974E-5 : f32
    %mul3A_2 = vector.broadcast %mul3A : f32 to vector<1x256xf32>
    %mul3A_3 = arith.mulf %get3A_1, %mul3A_2 : vector<1x256xf32>
    %get3A_4 = arith.constant 0 : index
    %get3A_5 = arith.constant 0 : index
    %get3A_6 = vector.load %arg3[%get3A_4, %get3A_5] : memref<1x256xf32, #tpu.memory_space<vmem>>, vector<1x256xf32>
    %mul3A_7 = arith.constant 9.99999974E-5 : f32
    %mul3A_8 = vector.broadcast %mul3A_7 : f32 to vector<1x256xf32>
    %mul3A_9 = arith.mulf %get3A_6, %mul3A_8 : vector<1x256xf32>
    %mul3A_10 = arith.mulf %mul3A_3, %mul3A_3 : vector<1x256xf32>
    %sub3A = arith.subf %mul3A_9, %mul3A_10 : vector<1x256xf32>
    %add3A = arith.constant 9.99999974E-6 : f32
    %add3A_11 = vector.broadcast %add3A : f32 to vector<1x256xf32>
    %add3A_12 = arith.addf %sub3A, %add3A_11 : vector<1x256xf32>
    %rsqrt3A = math.rsqrt %add3A_12 : vector<1x256xf32>
    %get3A_13 = arith.constant 0 : index
    %get3A_14 = arith.constant 0 : index
    %get3A_15 = vector.load %arg4[%get3A_13, %get3A_14] : memref<1x256xf32, #tpu.memory_space<vmem>>, vector<1x256xf32>
    %mul3A_16 = arith.mulf %rsqrt3A, %get3A_15 : vector<1x256xf32>
    %get3A_17 = arith.constant 0 : index
    %get3A_18 = arith.constant 0 : index
    %get3A_19 = vector.load %arg1[%get3A_17, %get3A_18] : memref<400x256xf32, #tpu.memory_space<vmem>>, vector<400x256xf32>
    %sub3A_20 = vector.broadcast %mul3A_3 : vector<1x256xf32> to vector<400x256xf32>
    %sub3A_21 = arith.subf %get3A_19, %sub3A_20 : vector<400x256xf32>
    %mul3A_22 = vector.broadcast %mul3A_16 : vector<1x256xf32> to vector<400x256xf32>
    %mul3A_23 = arith.mulf %sub3A_21, %mul3A_22 : vector<400x256xf32>
    %get3A_24 = arith.constant 0 : index
    %get3A_25 = arith.constant 0 : index
    %get3A_26 = vector.load %arg5[%get3A_24, %get3A_25] : memref<1x256xf32, #tpu.memory_space<vmem>>, vector<1x256xf32>
    %add3A_27 = vector.broadcast %get3A_26 : vector<1x256xf32> to vector<400x256xf32>
    %add3A_28 = arith.addf %mul3A_23, %add3A_27 : vector<400x256xf32>
    %max3A = arith.constant 0.000000e+00 : f32
    %max3A_29 = vector.broadcast %max3A : f32 to vector<400x256xf32>
    %max3A_30 = arith.maximumf %add3A_28, %max3A_29 : vector<400x256xf32>
    %slice3A = vector.extract_strided_slice %max3A_30 {offsets = [0, 0], sizes = [400, 128], strides = [1, 1]} : vector<400x256xf32> to vector<400x128xf32>
    %swap3A = arith.constant 0 : index
    %swap3A_31 = arith.constant 0 : index
    %swap3A_32 = vector.load %arg6[%swap3A, %swap3A_31] : memref<400x128xf32, #tpu.memory_space<vmem>>, vector<400x128xf32>
    tpu.vector_store %arg6[%swap3A, %swap3A_31], %slice3A {strides = array<i32>} : memref<400x128xf32, #tpu.memory_space<vmem>>, vector<400x128xf32>,
    %slice3A_33 = vector.extract_strided_slice %max3A_30 {offsets = [0, 128], sizes = [400, 128], strides = [1, 1]} : vector<400x256xf32> to vector<400x128xf32>
    %swap3A_34 = arith.constant 0 : index
    %swap3A_35 = arith.constant 0 : index
    %swap3A_36 = vector.load %arg7[%swap3A_34, %swap3A_35] : memref<400x128xf32, #tpu.memory_space<vmem>>, vector<400x128xf32>
    tpu.vector_store %arg7[%swap3A_34, %swap3A_35], %slice3A_33 {strides = array<i32>} : memref<400x128xf32, #tpu.memory_space<vmem>>, vector<400x128xf32>,
    return
  }
  func.func @transform_0(%arg0: i32) -> (i32, i32) {
    %c0_i32 = arith.constant 0 : i32
    %c0_i32_0 = arith.constant 0 : i32
    return %arg0, %c0_i32 : i32, i32
  }
  func.func @transform_1(%arg0: i32) -> (i32, i32) {
    %c0_i32 = arith.constant 0 : i32
    %c0_i32_0 = arith.constant 0 : i32
    %c0_i32_1 = arith.constant 0 : i32
    return %c0_i32, %c0_i32_0 : i32, i32
  }
  func.func @transform_2(%arg0: i32) -> (i32, i32) {
    %c0_i32 = arith.constant 0 : i32
    %c0_i32_0 = arith.constant 0 : i32
    %c0_i32_1 = arith.constant 0 : i32
    return %c0_i32, %c0_i32_0 : i32, i32
  }
  func.func @transform_3(%arg0: i32) -> (i32, i32) {
    %c0_i32 = arith.constant 0 : i32
    %c0_i32_0 = arith.constant 0 : i32
    %c0_i32_1 = arith.constant 0 : i32
    return %c0_i32, %c0_i32_0 : i32, i32
  }
  func.func @transform_4(%arg0: i32) -> (i32, i32) {
    %c0_i32 = arith.constant 0 : i32
    %c0_i32_0 = arith.constant 0 : i32
    %c0_i32_1 = arith.constant 0 : i32
    return %c0_i32, %c0_i32_0 : i32, i32
  }
  func.func @transform_5(%arg0: i32) -> (i32, i32) {
    %c0_i32 = arith.constant 0 : i32
    %c0_i32_0 = arith.constant 0 : i32
    return %arg0, %c0_i32 : i32, i32
  }
  func.func @transform_6(%arg0: i32) -> (i32, i32) {
    %c0_i32 = arith.constant 0 : i32
    %c0_i32_0 = arith.constant 0 : i32
    return %arg0, %c0_i32 : i32, i32
  }
}

module attributes {stable_mosaic.version = 14 : i64} {
  func.func @body(%arg0: i32, %arg1: memref<400x128xf32, #tpu.memory_space<vmem>>, %arg2: memref<400x128xf32, #tpu.memory_space<vmem>>, %arg3: memref<400x128xf32, #tpu.memory_space<vmem>>, %arg4: memref<400x128xf32, #tpu.memory_space<vmem>>, %arg5: memref<400x1xf32, #tpu.memory_space<vmem>>, %arg6: memref<256x256xf32, #tpu.memory_space<vmem>>, %arg7: memref<256x256xf32, #tpu.memory_space<vmem>>, %arg8: memref<1x256xf32, #tpu.memory_space<vmem>>, %arg9: memref<400x256xf32, #tpu.memory_space<vmem>>, %arg10: memref<1x256xf32, #tpu.memory_space<vmem>>, %arg11: memref<1x256xf32, #tpu.memory_space<vmem>>) attributes {dimension_semantics = [#tpu.dimension_semantics<arbitrary>], iteration_bounds = array<i64: 25>, scalar_prefetch = 0 : i64, scratch_operands = 0 : i64, tpu.core_type = #tpu.core_type<tc>, window_params = [{transform_indices = @transform_0, window_bounds = array<i64: 400, 128>}, {transform_indices = @transform_1, window_bounds = array<i64: 400, 128>}, {transform_indices = @transform_2, window_bounds = array<i64: 400, 128>}, {transform_indices = @transform_3, window_bounds = array<i64: 400, 128>}, {transform_indices = @transform_4, window_bounds = array<i64: 400, 1>}, {pipeline_mode = #tpu.pipeline_mode<synchronous>, transform_indices = @transform_5, window_bounds = array<i64: 256, 256>}, {pipeline_mode = #tpu.pipeline_mode<synchronous>, transform_indices = @transform_6, window_bounds = array<i64: 256, 256>}, {pipeline_mode = #tpu.pipeline_mode<synchronous>, transform_indices = @transform_7, window_bounds = array<i64: 1, 256>}, {transform_indices = @transform_8, window_bounds = array<i64: 400, 256>}, {pipeline_mode = #tpu.pipeline_mode<synchronous>, transform_indices = @transform_9, window_bounds = array<i64: 1, 256>}, {pipeline_mode = #tpu.pipeline_mode<synchronous>, transform_indices = @transform_10, window_bounds = array<i64: 1, 256>}]} {
    %get3A = arith.constant 0 : index
    %get3A_0 = arith.constant 0 : index
    %get3A_1 = vector.load %arg5[%get3A, %get3A_0] : memref<400x1xf32, #tpu.memory_space<vmem>>, vector<400x1xf32>
    %max3A = arith.constant 1.000000e+00 : f32
    %max3A_2 = vector.broadcast %max3A : f32 to vector<400x1xf32>
    %max3A_3 = arith.maximumf %get3A_1, %max3A_2 : vector<400x1xf32>
    %div3A = arith.constant 1.000000e+00 : f32
    %div3A_4 = vector.broadcast %div3A : f32 to vector<400x1xf32>
    %div3A_5 = arith.divf %div3A_4, %max3A_3 : vector<400x1xf32>
    %broadcast_in_dim3A = arith.constant 0.000000e+00 : f32
    %broadcast_in_dim3A_6 = vector.broadcast %broadcast_in_dim3A : f32 to vector<400x256xf32>
    %get3A_7 = arith.constant 0 : index
    %get3A_8 = arith.constant 0 : index
    %get3A_9 = vector.load %arg1[%get3A_7, %get3A_8] : memref<400x128xf32, #tpu.memory_space<vmem>>, vector<400x128xf32>
    %mul3A = vector.broadcast %div3A_5 : vector<400x1xf32> to vector<400x128xf32>
    %mul3A_10 = arith.mulf %get3A_9, %mul3A : vector<400x128xf32>
    %get3A_11 = arith.constant 0 : index
    %get3A_12 = arith.constant 0 : index
    %get3A_13 = vector.load %arg6[%get3A_11, %get3A_12] : memref<256x256xf32, #tpu.memory_space<vmem>>, vector<128x256xf32>
    %dot_general3A = arith.constant dense<0.000000e+00> : vector<400x256xf32>
    %dot_general3A_14 = tpu.matmul %mul3A_10, %get3A_13, %dot_general3A {dimension_numbers = #tpu.dot_dimension_numbers<[1], [0], [0], [1], [0, 0, 1, 1], [], []>, transpose_lhs_hint = false} : vector<400x128xf32>, vector<128x256xf32>, vector<400x256xf32> -> vector<400x256xf32>
    %add3A = arith.addf %broadcast_in_dim3A_6, %dot_general3A_14 : vector<400x256xf32>
    %get3A_15 = arith.constant 0 : index
    %get3A_16 = arith.constant 0 : index
    %get3A_17 = vector.load %arg3[%get3A_15, %get3A_16] : memref<400x128xf32, #tpu.memory_space<vmem>>, vector<400x128xf32>
    %get3A_18 = arith.constant 0 : index
    %get3A_19 = arith.constant 0 : index
    %get3A_20 = vector.load %arg7[%get3A_18, %get3A_19] : memref<256x256xf32, #tpu.memory_space<vmem>>, vector<128x256xf32>
    %dot_general3A_21 = arith.constant dense<0.000000e+00> : vector<400x256xf32>
    %dot_general3A_22 = tpu.matmul %get3A_17, %get3A_20, %dot_general3A_21 {dimension_numbers = #tpu.dot_dimension_numbers<[1], [0], [0], [1], [0, 0, 1, 1], [], []>, transpose_lhs_hint = false} : vector<400x128xf32>, vector<128x256xf32>, vector<400x256xf32> -> vector<400x256xf32>
    %add3A_23 = arith.addf %add3A, %dot_general3A_22 : vector<400x256xf32>
    %get3A_24 = arith.constant 0 : index
    %get3A_25 = arith.constant 0 : index
    %get3A_26 = vector.load %arg2[%get3A_24, %get3A_25] : memref<400x128xf32, #tpu.memory_space<vmem>>, vector<400x128xf32>
    %mul3A_27 = vector.broadcast %div3A_5 : vector<400x1xf32> to vector<400x128xf32>
    %mul3A_28 = arith.mulf %get3A_26, %mul3A_27 : vector<400x128xf32>
    %get3A_29 = arith.constant 128 : index
    %get3A_30 = arith.constant 0 : index
    %get3A_31 = vector.load %arg6[%get3A_29, %get3A_30] : memref<256x256xf32, #tpu.memory_space<vmem>>, vector<128x256xf32>
    %dot_general3A_32 = arith.constant dense<0.000000e+00> : vector<400x256xf32>
    %dot_general3A_33 = tpu.matmul %mul3A_28, %get3A_31, %dot_general3A_32 {dimension_numbers = #tpu.dot_dimension_numbers<[1], [0], [0], [1], [0, 0, 1, 1], [], []>, transpose_lhs_hint = false} : vector<400x128xf32>, vector<128x256xf32>, vector<400x256xf32> -> vector<400x256xf32>
    %add3A_34 = arith.addf %add3A_23, %dot_general3A_33 : vector<400x256xf32>
    %get3A_35 = arith.constant 0 : index
    %get3A_36 = arith.constant 0 : index
    %get3A_37 = vector.load %arg4[%get3A_35, %get3A_36] : memref<400x128xf32, #tpu.memory_space<vmem>>, vector<400x128xf32>
    %get3A_38 = arith.constant 128 : index
    %get3A_39 = arith.constant 0 : index
    %get3A_40 = vector.load %arg7[%get3A_38, %get3A_39] : memref<256x256xf32, #tpu.memory_space<vmem>>, vector<128x256xf32>
    %dot_general3A_41 = arith.constant dense<0.000000e+00> : vector<400x256xf32>
    %dot_general3A_42 = tpu.matmul %get3A_37, %get3A_40, %dot_general3A_41 {dimension_numbers = #tpu.dot_dimension_numbers<[1], [0], [0], [1], [0, 0, 1, 1], [], []>, transpose_lhs_hint = false} : vector<400x128xf32>, vector<128x256xf32>, vector<400x256xf32> -> vector<400x256xf32>
    %add3A_43 = arith.addf %add3A_34, %dot_general3A_42 : vector<400x256xf32>
    %get3A_44 = arith.constant 0 : index
    %get3A_45 = arith.constant 0 : index
    %get3A_46 = vector.load %arg8[%get3A_44, %get3A_45] : memref<1x256xf32, #tpu.memory_space<vmem>>, vector<1x256xf32>
    %add3A_47 = vector.broadcast %get3A_46 : vector<1x256xf32> to vector<400x256xf32>
    %add3A_48 = arith.addf %add3A_43, %add3A_47 : vector<400x256xf32>
    %swap3A = arith.constant 0 : index
    %swap3A_49 = arith.constant 0 : index
    %swap3A_50 = vector.load %arg9[%swap3A, %swap3A_49] : memref<400x256xf32, #tpu.memory_space<vmem>>, vector<400x256xf32>
    tpu.vector_store %arg9[%swap3A, %swap3A_49], %add3A_48 {strides = array<i32>} : memref<400x256xf32, #tpu.memory_space<vmem>>, vector<400x256xf32>,
    %eq3A = arith.constant 0 : i32
    %eq3A_51 = arith.cmpi eq, %arg0, %eq3A : i32
    %convert_element_type3A = arith.extui %eq3A_51 : i1 to i32
    %cond3A = arith.constant 0 : i32
    %cond3A_52 = arith.cmpi ne, %convert_element_type3A, %cond3A : i32
    scf.if %cond3A_52 {
      %broadcast_in_dim3A_73 = arith.constant 0.000000e+00 : f32
      %broadcast_in_dim3A_74 = vector.broadcast %broadcast_in_dim3A_73 : f32 to vector<1x256xf32>
      %swap3A_75 = arith.constant 0 : index
      %swap3A_76 = arith.constant 0 : index
      %swap3A_77 = vector.load %arg10[%swap3A_75, %swap3A_76] : memref<1x256xf32, #tpu.memory_space<vmem>>, vector<1x256xf32>
      tpu.vector_store %arg10[%swap3A_75, %swap3A_76], %broadcast_in_dim3A_74 {strides = array<i32>} : memref<1x256xf32, #tpu.memory_space<vmem>>, vector<1x256xf32>,
      %broadcast_in_dim3A_78 = arith.constant 0.000000e+00 : f32
      %broadcast_in_dim3A_79 = vector.broadcast %broadcast_in_dim3A_78 : f32 to vector<1x256xf32>
      %swap3A_80 = arith.constant 0 : index
      %swap3A_81 = arith.constant 0 : index
      %swap3A_82 = vector.load %arg11[%swap3A_80, %swap3A_81] : memref<1x256xf32, #tpu.memory_space<vmem>>, vector<1x256xf32>
      tpu.vector_store %arg11[%swap3A_80, %swap3A_81], %broadcast_in_dim3A_79 {strides = array<i32>} : memref<1x256xf32, #tpu.memory_space<vmem>>, vector<1x256xf32>,
    } else {
    }
    %get3A_53 = arith.constant 0 : index
    %get3A_54 = arith.constant 0 : index
    %get3A_55 = vector.load %arg10[%get3A_53, %get3A_54] : memref<1x256xf32, #tpu.memory_space<vmem>>, vector<1x256xf32>
    %reduce_sum3A = arith.constant dense<0.000000e+00> : vector<256xf32>
    %reduce_sum3A_56 = vector.multi_reduction <add>, %add3A_48, %reduce_sum3A [0] : vector<400x256xf32> to vector<256xf32>
    %broadcast_in_dim3A_57 = vector.shape_cast %reduce_sum3A_56 : vector<256xf32> to vector<1x256xf32>
    %add3A_58 = arith.addf %get3A_55, %broadcast_in_dim3A_57 : vector<1x256xf32>
    %swap3A_59 = arith.constant 0 : index
    %swap3A_60 = arith.constant 0 : index
    %swap3A_61 = vector.load %arg10[%swap3A_59, %swap3A_60] : memref<1x256xf32, #tpu.memory_space<vmem>>, vector<1x256xf32>
    tpu.vector_store %arg10[%swap3A_59, %swap3A_60], %add3A_58 {strides = array<i32>} : memref<1x256xf32, #tpu.memory_space<vmem>>, vector<1x256xf32>,
    %get3A_62 = arith.constant 0 : index
    %get3A_63 = arith.constant 0 : index
    %get3A_64 = vector.load %arg11[%get3A_62, %get3A_63] : memref<1x256xf32, #tpu.memory_space<vmem>>, vector<1x256xf32>
    %mul3A_65 = arith.mulf %add3A_48, %add3A_48 : vector<400x256xf32>
    %reduce_sum3A_66 = arith.constant dense<0.000000e+00> : vector<256xf32>
    %reduce_sum3A_67 = vector.multi_reduction <add>, %mul3A_65, %reduce_sum3A_66 [0] : vector<400x256xf32> to vector<256xf32>
    %broadcast_in_dim3A_68 = vector.shape_cast %reduce_sum3A_67 : vector<256xf32> to vector<1x256xf32>
    %add3A_69 = arith.addf %get3A_64, %broadcast_in_dim3A_68 : vector<1x256xf32>
    %swap3A_70 = arith.constant 0 : index
    %swap3A_71 = arith.constant 0 : index
    %swap3A_72 = vector.load %arg11[%swap3A_70, %swap3A_71] : memref<1x256xf32, #tpu.memory_space<vmem>>, vector<1x256xf32>
    tpu.vector_store %arg11[%swap3A_70, %swap3A_71], %add3A_69 {strides = array<i32>} : memref<1x256xf32, #tpu.memory_space<vmem>>, vector<1x256xf32>,
    return
  }
  func.func @transform_0(%arg0: i32) -> (i32, i32) {
    %c0_i32 = arith.constant 0 : i32
    %c0_i32_0 = arith.constant 0 : i32
    return %arg0, %c0_i32 : i32, i32
  }
  func.func @transform_1(%arg0: i32) -> (i32, i32) {
    %c0_i32 = arith.constant 0 : i32
    %c0_i32_0 = arith.constant 0 : i32
    return %arg0, %c0_i32 : i32, i32
  }
  func.func @transform_2(%arg0: i32) -> (i32, i32) {
    %c0_i32 = arith.constant 0 : i32
    %c0_i32_0 = arith.constant 0 : i32
    return %arg0, %c0_i32 : i32, i32
  }
  func.func @transform_3(%arg0: i32) -> (i32, i32) {
    %c0_i32 = arith.constant 0 : i32
    %c0_i32_0 = arith.constant 0 : i32
    return %arg0, %c0_i32 : i32, i32
  }
  func.func @transform_4(%arg0: i32) -> (i32, i32) {
    %c0_i32 = arith.constant 0 : i32
    %c0_i32_0 = arith.constant 0 : i32
    return %arg0, %c0_i32 : i32, i32
  }
  func.func @transform_5(%arg0: i32) -> (i32, i32) {
    %c0_i32 = arith.constant 0 : i32
    %c0_i32_0 = arith.constant 0 : i32
    %c0_i32_1 = arith.constant 0 : i32
    return %c0_i32, %c0_i32_0 : i32, i32
  }
  func.func @transform_6(%arg0: i32) -> (i32, i32) {
    %c0_i32 = arith.constant 0 : i32
    %c0_i32_0 = arith.constant 0 : i32
    %c0_i32_1 = arith.constant 0 : i32
    return %c0_i32, %c0_i32_0 : i32, i32
  }
  func.func @transform_7(%arg0: i32) -> (i32, i32) {
    %c0_i32 = arith.constant 0 : i32
    %c0_i32_0 = arith.constant 0 : i32
    %c0_i32_1 = arith.constant 0 : i32
    return %c0_i32, %c0_i32_0 : i32, i32
  }
  func.func @transform_8(%arg0: i32) -> (i32, i32) {
    %c0_i32 = arith.constant 0 : i32
    %c0_i32_0 = arith.constant 0 : i32
    return %arg0, %c0_i32 : i32, i32
  }
  func.func @transform_9(%arg0: i32) -> (i32, i32) {
    %c0_i32 = arith.constant 0 : i32
    %c0_i32_0 = arith.constant 0 : i32
    %c0_i32_1 = arith.constant 0 : i32
    return %c0_i32, %c0_i32_0 : i32, i32
  }
  func.func @transform_10(%arg0: i32) -> (i32, i32) {
    %c0_i32 = arith.constant 0 : i32
    %c0_i32_0 = arith.constant 0 : i32
    %c0_i32_1 = arith.constant 0 : i32
    return %c0_i32, %c0_i32_0 : i32, i32
  }
}

module attributes {stable_mosaic.version = 14 : i64} {
  func.func @body(%arg0: i32, %arg1: memref<400x256xf32, #tpu.memory_space<vmem>>, %arg2: memref<1x256xf32, #tpu.memory_space<vmem>>, %arg3: memref<1x256xf32, #tpu.memory_space<vmem>>, %arg4: memref<1x256xf32, #tpu.memory_space<vmem>>, %arg5: memref<1x256xf32, #tpu.memory_space<vmem>>, %arg6: memref<400x256xf32, #tpu.memory_space<vmem>>) attributes {dimension_semantics = [#tpu.dimension_semantics<arbitrary>], iteration_bounds = array<i64: 25>, scalar_prefetch = 0 : i64, scratch_operands = 0 : i64, tpu.core_type = #tpu.core_type<tc>, window_params = [{transform_indices = @transform_0, window_bounds = array<i64: 400, 256>}, {pipeline_mode = #tpu.pipeline_mode<synchronous>, transform_indices = @transform_1, window_bounds = array<i64: 1, 256>}, {pipeline_mode = #tpu.pipeline_mode<synchronous>, transform_indices = @transform_2, window_bounds = array<i64: 1, 256>}, {pipeline_mode = #tpu.pipeline_mode<synchronous>, transform_indices = @transform_3, window_bounds = array<i64: 1, 256>}, {pipeline_mode = #tpu.pipeline_mode<synchronous>, transform_indices = @transform_4, window_bounds = array<i64: 1, 256>}, {transform_indices = @transform_5, window_bounds = array<i64: 400, 256>}]} {
    %get3A = arith.constant 0 : index
    %get3A_0 = arith.constant 0 : index
    %get3A_1 = vector.load %arg2[%get3A, %get3A_0] : memref<1x256xf32, #tpu.memory_space<vmem>>, vector<1x256xf32>
    %mul3A = arith.constant 9.99999974E-5 : f32
    %mul3A_2 = vector.broadcast %mul3A : f32 to vector<1x256xf32>
    %mul3A_3 = arith.mulf %get3A_1, %mul3A_2 : vector<1x256xf32>
    %get3A_4 = arith.constant 0 : index
    %get3A_5 = arith.constant 0 : index
    %get3A_6 = vector.load %arg3[%get3A_4, %get3A_5] : memref<1x256xf32, #tpu.memory_space<vmem>>, vector<1x256xf32>
    %mul3A_7 = arith.constant 9.99999974E-5 : f32
    %mul3A_8 = vector.broadcast %mul3A_7 : f32 to vector<1x256xf32>
    %mul3A_9 = arith.mulf %get3A_6, %mul3A_8 : vector<1x256xf32>
    %mul3A_10 = arith.mulf %mul3A_3, %mul3A_3 : vector<1x256xf32>
    %sub3A = arith.subf %mul3A_9, %mul3A_10 : vector<1x256xf32>
    %add3A = arith.constant 9.99999974E-6 : f32
    %add3A_11 = vector.broadcast %add3A : f32 to vector<1x256xf32>
    %add3A_12 = arith.addf %sub3A, %add3A_11 : vector<1x256xf32>
    %rsqrt3A = math.rsqrt %add3A_12 : vector<1x256xf32>
    %get3A_13 = arith.constant 0 : index
    %get3A_14 = arith.constant 0 : index
    %get3A_15 = vector.load %arg4[%get3A_13, %get3A_14] : memref<1x256xf32, #tpu.memory_space<vmem>>, vector<1x256xf32>
    %mul3A_16 = arith.mulf %rsqrt3A, %get3A_15 : vector<1x256xf32>
    %get3A_17 = arith.constant 0 : index
    %get3A_18 = arith.constant 0 : index
    %get3A_19 = vector.load %arg1[%get3A_17, %get3A_18] : memref<400x256xf32, #tpu.memory_space<vmem>>, vector<400x256xf32>
    %sub3A_20 = vector.broadcast %mul3A_3 : vector<1x256xf32> to vector<400x256xf32>
    %sub3A_21 = arith.subf %get3A_19, %sub3A_20 : vector<400x256xf32>
    %mul3A_22 = vector.broadcast %mul3A_16 : vector<1x256xf32> to vector<400x256xf32>
    %mul3A_23 = arith.mulf %sub3A_21, %mul3A_22 : vector<400x256xf32>
    %get3A_24 = arith.constant 0 : index
    %get3A_25 = arith.constant 0 : index
    %get3A_26 = vector.load %arg5[%get3A_24, %get3A_25] : memref<1x256xf32, #tpu.memory_space<vmem>>, vector<1x256xf32>
    %add3A_27 = vector.broadcast %get3A_26 : vector<1x256xf32> to vector<400x256xf32>
    %add3A_28 = arith.addf %mul3A_23, %add3A_27 : vector<400x256xf32>
    %max3A = arith.constant 0.000000e+00 : f32
    %max3A_29 = vector.broadcast %max3A : f32 to vector<400x256xf32>
    %max3A_30 = arith.maximumf %add3A_28, %max3A_29 : vector<400x256xf32>
    %swap3A = arith.constant 0 : index
    %swap3A_31 = arith.constant 0 : index
    %swap3A_32 = vector.load %arg6[%swap3A, %swap3A_31] : memref<400x256xf32, #tpu.memory_space<vmem>>, vector<400x256xf32>
    tpu.vector_store %arg6[%swap3A, %swap3A_31], %max3A_30 {strides = array<i32>} : memref<400x256xf32, #tpu.memory_space<vmem>>, vector<400x256xf32>,
    return
  }
  func.func @transform_0(%arg0: i32) -> (i32, i32) {
    %c0_i32 = arith.constant 0 : i32
    %c0_i32_0 = arith.constant 0 : i32
    return %arg0, %c0_i32 : i32, i32
  }
  func.func @transform_1(%arg0: i32) -> (i32, i32) {
    %c0_i32 = arith.constant 0 : i32
    %c0_i32_0 = arith.constant 0 : i32
    %c0_i32_1 = arith.constant 0 : i32
    return %c0_i32, %c0_i32_0 : i32, i32
  }
  func.func @transform_2(%arg0: i32) -> (i32, i32) {
    %c0_i32 = arith.constant 0 : i32
    %c0_i32_0 = arith.constant 0 : i32
    %c0_i32_1 = arith.constant 0 : i32
    return %c0_i32, %c0_i32_0 : i32, i32
  }
  func.func @transform_3(%arg0: i32) -> (i32, i32) {
    %c0_i32 = arith.constant 0 : i32
    %c0_i32_0 = arith.constant 0 : i32
    %c0_i32_1 = arith.constant 0 : i32
    return %c0_i32, %c0_i32_0 : i32, i32
  }
  func.func @transform_4(%arg0: i32) -> (i32, i32) {
    %c0_i32 = arith.constant 0 : i32
    %c0_i32_0 = arith.constant 0 : i32
    %c0_i32_1 = arith.constant 0 : i32
    return %c0_i32, %c0_i32_0 : i32, i32
  }
  func.func @transform_5(%arg0: i32) -> (i32, i32) {
    %c0_i32 = arith.constant 0 : i32
    %c0_i32_0 = arith.constant 0 : i32
    return %arg0, %c0_i32 : i32, i32
  }
}

</mosaic_0001>

<sc_bundles>
// kernel: kernel.15.cloned.1.call-start
scs
__scs_entry_jumppad:
0x0: {  	(pc) =	sbr.rel $0x88, $3  }
0x1: {  	(tag) =	ssettag $0x0;
	lr =	simm.s32 $0x1  }
0x2: {  	[smem:$0x3F8B] =	sst lr;
	_ =	strace $0xD0000000  }
0x3: {  	_ = 	snop  }
0x4: {  	_ = 	snop  }
0x5: {  	_ = 	snop  }
0x6: {  	_ = 	snop  }
0x7: {  	_ = 	snop  }
__scs_overlays_trampoline_lowered:
0x8: {  	[smem:$0x3F9A] =	sst s0  }
0x9: {  	[smem:$0x3F9B] =	sst s1  }
0xa: {  	[smem:$0x3F9C] =	sst s2  }
0xb: {  	[smem:$0x3F9D] =	sst s3  }
0xc: {  	[smem:$0x3F9E] =	sst s4  }
0xd: {  	[smem:$0x3F9F] =	sst s5  }
0xe: {  	[smem:$0x3FA0] =	sst s6  }
0xf: {  	[smem:$0x3FA1] =	sst s7  }
0x10: {  	[smem:$0x3FA2] =	sst s8  }
0x11: {  	[smem:$0x3FA3] =	sst s9;
	s0 =	simm.s32 @!p0 $0x0  }
0x12: {  	s1 =	sld [smem:$0x3F89];
	s0 =	simm.s32 @p0 $0x1  }
0x13: {  	[smem:$0x3FA4] =	sst s0;
	s0 =	simm.s32 @!p1 $0x0  }
0x14: {  	s2 =	sld [smem:$0x3F88];
	s0 =	simm.s32 @p1 $0x1  }
0x15: {  	[smem:$0x3FA5] =	sst s0;
	s0 =	simm.s32 @!p2 $0x0  }
0x16: {  	s3 =	sld [smem:$0x3FDB];
	s0 =	simm.s32 @p2 $0x1  }
0x17: {  	s4 =	simm.s32 $0x1BF5;
	[smem:$0x3FA7] =	sst s0  }
0x18: {  	s0 =	sld [smem:$0x3F8A];
	_ =	swait.ge [sflag:s4], $0x0  }
0x19: {  	s7 =	sld [smem:$0x3F8B]  }
0x1a: {  	s8 =	sadd.s32 $0xFFFFE003, lr  }
0x1b: {  	s9 =	sadd.s32 $0xFFFFFEF7, lr;
	s5 =	simm.s32 $0xFFFFFFFF;
	p2 =	slt.u32 s8, $0xFFFFF086  }
0x1c: {  	p1 =	slt.u32 s9, $0xF7A;
	s5 =	simm.s32 @!p2 $0x0  }
0x1d: {  	s5 =	simm.s32 @p1 $0x1;
	p0 =	seq.s32 s7, s2  }
0x1e: {  	s7 =	smul.u32 @!p0 $0xF7A, s2;
	p2 =	seq.s32 @!p0 s5, $0x0  }
0x1f: {  	s9 =	smul.u32 $0xF7A, s1;
	s8 =	simm.s32 @!p0 $0x1BF5;
	p2 =	por !p2, p0  }
0x20: {  	[sflag:s8] =	ssyncset.s32 @!p0 $0xFFFFF086;
	s6 =	sadd.s32 @!p0 s3, s7;
	s7 =	simm.s32 @!p0 $0x108  }
0x21: {  	s3 =	sadd.s32 s3, s9;
	s6 =	sadd.s32 @!p0 $0x88, s6;
	s7 =	simm.s32 @p2 $0x1082  }
0x22: {  	[simem:s7], [sflag:s8] =	dma.local @!p0 [hbm:s6], $0xF7A  }
0x23: {  	s9 =	sor.u32 $0xD0000000, s2;
	s6 =	simm.s32 $0x108;
	_ =	swait.ge @!p0 [sflag:s8], $0x0  }
0x24: {  	s3 =	sadd.s32 $0x88, s3;
	s6 =	simm.s32 @!p1 $0x1082;
	[sflag:s4] =	ssyncset.s32 $0xFFFFF086  }
0x25: {  	[simem:s6], [sflag:s4] =	dma.local [hbm:s3], $0xF7A  }
0x26: {  	[smem:$0x3F8B] =	sst s1;
	(tag) =	ssettag s2;
	_ =	strace s9  }
0x27: {  	s1 =	sld [smem:$0x3F9B]  }
0x28: {  	s2 =	sld [smem:$0x3F9C]  }
0x29: {  	s4 =	sld [smem:$0x3F9E]  }
0x2a: {  	p0 =	seq.s32 s5, $0x0;
	s5 =	sld [smem:$0x3F9F]  }
0x2b: {  	s6 =	sld [smem:$0x3FA0]  }
0x2c: {  	s7 =	sld [smem:$0x3FA1]  }
0x2d: {  	s3 =	simm.s32 $0x108;
	s8 =	sld [smem:$0x3FA2]  }
0x2e: {  	s3 =	simm.s32 @!p0 $0x1082;
	s9 =	sld [smem:$0x3FA3]  }
0x2f: {  	lr =	sadd.s32 s0, s3;
	s0 =	sld [smem:$0x3F9A]  }
0x30: {  	s3 =	sld [smem:$0x3F9D]  }
0x31: {  	[smem:$0x3FA6] =	sst s10  }
0x32: {  	s10 =	sld [smem:$0x3FA4];
	_ =	sdelay $0x3  }
0x33: {  	p0 =	seq.s32 s10, $0x1;
	s10 =	sld [smem:$0x3FA6];
	_ =	sdelay $0x3  }
0x34: {  	[smem:$0x3FA6] =	sst s10  }
0x35: {  	s10 =	sld [smem:$0x3FA5];
	_ =	sdelay $0x3  }
0x36: {  	p1 =	seq.s32 s10, $0x1;
	s10 =	sld [smem:$0x3FA6];
	_ =	sdelay $0x3  }
0x37: {  	[smem:$0x3FA6] =	sst s10  }
0x38: {  	s10 =	sld [smem:$0x3FA7]  }
0x39: {  	_ = 	snop;
	(pc) =	sbr.ind lr, $3  }
0x3a: {  	_ = 	snop  }
0x3b: {  	_ = 	snop  }
0x3c: {  	p2 =	seq.s32 s10, $0x1;
	s10 =	sld [smem:$0x3FA6]  }
0x3d: {  	_ =	shalt  }
0x3e: {  	_ =	shalt  }
0x3f: {  	_ =	shalt  }
0x40: {  	_ =	shalt  }
0x41: {  	_ =	shalt  }
0x42: {  	_ =	shalt  }
0x43: {  	_ =	shalt  }
0x44: {  	_ =	shalt  }
0x45: {  	_ =	shalt  }
0x46: {  	_ =	shalt  }
0x47: {  	_ =	shalt  }
0x48: {  	_ =	shalt  }
0x49: {  	_ =	shalt  }
0x4a: {  	_ =	shalt  }
0x4b: {  	_ =	shalt  }
0x4c: {  	_ =	shalt  }
0x4d: {  	_ =	shalt  }
0x4e: {  	_ =	shalt  }
0x4f: {  	_ =	shalt  }
0x50: {  	_ =	shalt  }
0x51: {  	_ =	shalt  }
0x52: {  	_ =	shalt  }
0x53: {  	_ =	shalt  }
0x54: {  	_ =	shalt  }
0x55: {  	_ =	shalt  }
0x56: {  	_ =	shalt  }
0x57: {  	_ =	shalt  }
0x58: {  	_ =	shalt  }
0x59: {  	_ =	shalt  }
0x5a: {  	_ =	shalt  }
0x5b: {  	_ =	shalt  }
0x5c: {  	_ =	shalt  }
0x5d: {  	_ =	shalt  }
0x5e: {  	_ =	shalt  }
0x5f: {  	_ =	shalt  }
0x60: {  	_ =	shalt  }
0x61: {  	_ =	shalt  }
0x62: {  	_ =	shalt  }
0x63: {  	_ =	shalt  }
0x64: {  	_ =	shalt  }
0x65: {  	_ =	shalt  }
0x66: {  	_ =	shalt  }
0x67: {  	_ =	shalt  }
0x68: {  	_ =	shalt  }
0x69: {  	_ =	shalt  }
0x6a: {  	_ =	shalt  }
0x6b: {  	_ =	shalt  }
0x6c: {  	_ =	shalt  }
0x6d: {  	_ =	shalt  }
0x6e: {  	_ =	shalt  }
0x6f: {  	_ =	shalt  }
0x70: {  	_ =	shalt  }
0x71: {  	_ =	shalt  }
0x72: {  	_ =	shalt  }
0x73: {  	_ =	shalt  }
0x74: {  	_ =	shalt  }
0x75: {  	_ =	shalt  }
0x76: {  	_ =	shalt  }
0x77: {  	_ =	shalt  }
0x78: {  	_ =	shalt  }
0x79: {  	_ =	shalt  }
0x7a: {  	_ =	shalt  }
0x7b: {  	_ =	shalt  }
0x7c: {  	_ =	shalt  }
0x7d: {  	_ =	shalt  }
0x7e: {  	_ =	shalt  }
0x7f: {  	_ =	shalt  }
0x80: {  	_ =	shalt  }
0x81: {  	_ =	shalt  }
0x82: {  	_ =	shalt  }
0x83: {  	_ =	shalt  }
0x84: {  	_ =	shalt  }
0x85: {  	_ =	shalt  }
0x86: {  	_ =	shalt  }
0x87: {  	_ =	shalt  }
.Lfunc_end0:
.L_simem_size_0:
called_computation_lowered:
.L_overlay_start_0:
0x88: {  	s2 =	sld [smem:$0x3FD9]  }
0x89: {  	s3 =	sld [smem:$0x3FFE];
	_ =	sdelay $0x1  }
0x8a: {  	s1 =	srdreg.scid  }
0x8b: {  	s0 =	sand.u32 $0x1, s1  }
0x8c: {  	s16 =	sshll.u32 s0, $0xA;
	s2 =	sadd.s32 s3, s2  }
0x8d: {  	s2 =	sadd.s32 s2, s16  }
0x8e: {  	[smem:$0x3FB2] =	sst s2  }
0x8f: {  	_ = 	snop  }
0x90: {  	(tm) =	ssettm $0x1  }
0x91: {  	s17 =	sld [smem:$0x3FFB];
	_ =	sdelay $0x3  }
0x92: {  	_ =	strace s17  }
0x93: {  	s2 =	sld [smem:$0x3FFC];
	_ =	sdelay $0x3  }
0x94: {  	_ =	strace s2  }
0x95: {  	s2 =	sld [smem:$0x3FFD];
	_ =	sdelay $0x3  }
0x96: {  	_ =	strace s2  }
0x97: {  	_ =	strace $0x8FFFFFFF  }
0x98: {  	s18 =	sld [smem:$0x3FDB];
	_ =	sdelay $0x1  }
0x99: {  	s19 =	simm.s32 $_scs_section_size  }
0x9a: {  	s4 =	simm.s32 $_size__tile_overlayer_lowered;
	s5 =	simm.s32 $_tile_overlayer_lowered  }
0x9b: {  	s22 =	simm.s32 $0x1BFF;
	s21 =	sshll.u32 s5, $0x1;
	s2 =	sadd.s32 s19, s18  }
0x9c: {  	s6 =	simm.s32 $0x0;
	s20 =	sshll.u32 s4, $0x1;
	s4 =	sadd.s32 s21, s2  }
0x9d: {  	[timem:s6], [sflag:s22] =	dma.local [hbm:s4], s20  }
0x9e: {  	_ =	swait.ge [sflag:s22], s20  }
0x9f: {  	s3 =	ssub.s32 $0x0, s20;
	[sflag:s22] =	ssyncset.done $0x0  }
0xa0: {  	[sflag:s22] =	ssyncadd.s32 s3;
	_ =	sdelay $0x1  }
0xa1: {  	s23 =	simm.s32 $0x1B8B  }
0xa2: {  	_ =	swait.ge [sflag:s23], $0x1  }
0xa3: {  	[sflag:s23] =	ssyncset.done $0x0  }
0xa4: {  	s25 =	simm.s32 $0x1B8E;
	s24 =	sld [smem:$0x3FFE];
	[sflag:s23] =	ssyncadd.s32 $0xFFFFFFFF  }
0xa5: {  	s26 =	simm.s32 $execute0_lowered;
	[smem:$0x3FD2] =	sst s25  }
0xa6: {  	s4 =	sshll.u32 s26, $0x1;
	_ =	strace $0x80000046;
	[dreg:$0x1] =	wrdreg $0xFFFFFFFF  }
0xa7: {  	s28 =	simm.s32 $_size_execute0_lowered;
	s2 =	sadd.s32 s2, s4;
	[dreg:$0x0] =	wrdreg $0x0  }
0xa8: {  	s4 =	sshll.u32 s28, $0x1;
	[dreg:$0x2] =	wrdreg s2  }
0xa9: {  	[dreg:$0x3] =	wrdreg s4  }
0xaa: {  	[dreg:$0x4] =	wrdreg $0xC0  }
0xab: {  	_ =	task [dreg:s6], $0x5FFFF  }
0xac: {  	[dreg:$0x1] =	wrdreg $0xFFFFFFFF  }
0xad: {  	[dreg:$0x0] =	wrdreg $0x60  }
0xae: {  	[dreg:$0x2] =	wrdreg s24  }
0xaf: {  	[dreg:$0x3] =	wrdreg $0x68000  }
0xb0: {  	[dreg:$0x4] =	wrdreg $0x9  }
0xb1: {  	_ =	task.clear_ibuf [dreg:s6], $0x5FFFF;
	_ =	strace $0x90000046  }
0xb2: {  	s29 =	simm.s32 $0x9;
	_ =	strace $0x80000048  }
0xb3: {  	_ =	swait.ge [sflag:s29], $0x1  }
0xb4: {  	[sflag:s29] =	ssyncadd.s32 $0xFFFFFFFF  }
0xb5: {  	_ =	strace $0x90000048  }
0xb6: {  	_ =	sfence  }
0xb7: {  	s30 =	sld [smem:$0x0];
	_ =	sdelay $0x2  }
0xb8: {  	s31 =	sshll.u32 s1, $0xD;
	s1 =	sshrl.u32 s1, $0x2  }
0xb9: {  	s3 =	sand.u32 $0x4000, s31;
	s1 =	sadd.s32 s1, s30  }
0xba: {  	s0 =	sor.u32 s3, s0;
	s1 =	sshll.u32 s1, $0x11  }
0xbb: {  	s0 =	sor.u32 s1, s0  }
0xbc: {  	s0 =	sadd.s32 $0x8F2B, s0  }
0xbd: {  	[sflag:s0] =	ssyncadd.remote.s32 $0x1  }
0xbe: {  	_ =	sfence.sel $0xFFFF  }
0xbf: {  	[dreg:$0x0] =	wrdreg $0xFFFFFFFF;
	(pc) =	sbr.abs _section_cstart, $3  }
0xc0: {  	[dreg:$0x1] =	wrdreg $0xFFFFFFFF  }
0xc1: {  	_ =	task.clear_ibuf [dreg:s6], $0x2FFFF;
	_ =	strace $0x9FFFFFFF  }
0xc2: {  	(tm) =	ssettm $0x7FFFFFFF  }
0xc3: {  	_ =	shalt  }
tec
execute0_lowered:
.L_overlay_start_1:
0x0: {  	(tag) =	ssettag $0x1  }
0x1: {  	s1 =	srdreg.scid  }
0x2: {  	s1 =	sand.u32 $0x1, s1  }
0x3: {  	p0 =	seq.s32 s1, $0x1  }
.Ltmp0:
0x4: {  	_ = 	snop;
	(pc) =	sbr.rel @p0 .LBB2_4-.Ltmp0, $4  }
0x5: {  	s4 =	rddreg [dreg:$0x0]  }
0x6: {  	s2 =	rddreg [dreg:$0x1];
	s6 =	simm.s32 $0x0  }
0x7: {  	[smem:$0x7FF] =	sst s6  }
0x8: {  	s0 =	rddreg [dreg:$0x2];
	_ =	strace $0x80000047;
	s1 =	stileid.u32  }
0x9: {  	s3 =	sadd.s32 $0x9600, s4;
	s5 =	sshll.u32 s1, $0xB  }
0xa: {  	s3 =	sadd.s32 s3, s5  }
0xb: {  	[tilespmem:s6], [sflag:$0x1] =	stream.linear.gather [hbm4b:s3+s6], $0x3E80, $0x38;
	[tilespmem:$0x1A800] =	vst v63  }
0xc: {  	s3 =	simm.s32 $0x1  }
0xd: {  	_ =	swait.ge [sflag:s3], $0x3E80  }
0xe: {  	s7 =	sadd.s32 $0x11600, s4;
	[sflag:s3] =	ssyncset.done $0x0  }
0xf: {  	s8 =	smul.u32 $0x50000, s1;
	s5 =	simm.s32 $0x4000;
	[sflag:s3] =	ssyncadd.s32 $0xFFFFC180  }
0x10: {  	[tilespmem:s5], [sflag:$0x1] =	stream.linear.gather [hbm4b:s7+s6], $0x2800, $0x38;
	[tilespmem:$0x1A800] =	vst v63  }
0x11: {  	s9 =	sadd.s32 $0x11C00, s4;
	s26 =	sshrl.u32 s8, $0x2;
	_ =	swait.ge [sflag:s3], $0x2800  }
0x12: {  	s29 =	sshll.u32 s1, $0x6;
	s28 =	sadd.s32 s26, s2;
	[sflag:s3] =	ssyncset.done $0x0  }
0x13: {  	s6 =	sor.u32 $0x1C01, s29;
	s7 =	sshrl.u32 s28, $0x3;
	[sflag:s3] =	ssyncadd.s32 $0xFFFFD800  }
0x14: {  	[spmem:s7], [sflag:s6] =	dma.local [hbm:s9], $0x2800  }
0x15: {  	_ =	swait.ge [sflag:s3], $0x2800  }
0x16: {  	[sflag:s3] =	ssyncset.done $0x0  }
0x17: {  	s30 =	smul.u32 $0x2800, s1;
	[sflag:s3] =	ssyncadd.s32 $0xFFFFD800  }
0x18: {  	s10 =	simm.s32 $0x0;
	s8 =	simm.s32 $0x50;
	[bflag:$0x0] =	sbarrier.arrive $0xFFFF  }
0x19: {  	[spmem:s2] =	stream.indirect.scatter.add.f32 [tilespmem:s5], [sflag:$0x1], $0x80, s10, s8, $0xb8;
	[tilespmem:$0x1A800] =	vst v63  }
0x1a: {  	s31 =	sadd.s32 s30, s4;
	_ =	swait.ge [sflag:s3], $0x2800  }
0x1b: {  	s4 =	sadd.s32 $0x14400, s31;
	s9 =	simm.s32 $0x200;
	[sflag:s3] =	ssyncset.done $0x0  }
.LBB2_2:
0x1c: {  	s10 =	sshra.s32 s9, $0x2;
	[sflag:s3] =	ssyncadd.s32 $0xFFFFD800;
	p0 =	sne.s32 s9, $0xF800  }
0x1d: {  	[spmem:s2] =	stream.indirect.scatter.add.f32 [tilespmem:s5], [sflag:$0x1], $0x80, s10, s8, $0xb8;
	[tilespmem:$0x1A800] =	vst v63  }
.Ltmp1:
0x1e: {  	_ = 	snop;
	(pc) =	sbr.rel @p0 .LBB2_2-.Ltmp1, $4  }
0x1f: {  	_ = 	snop  }
0x20: {  	s9 =	sadd.s32 $0x200, s9  }
0x21: {  	_ =	swait.ge [sflag:s3], $0x2800  }
0x22: {  	[sflag:s3] =	ssyncset.done $0x0  }
0x23: {  	[sflag:s3] =	ssyncadd.s32 $0xFFFFD800  }
0x24: {  	s2 =	simm.s32 $0x1;
	[bflag:$0x0] =	sbarrier.arrive $0xFFFF  }
0x25: {  	[hbm:s4], [sflag:s6] =	dma.local [spmem:s7], $0x2800  }
0x26: {  	_ =	swait.ge [sflag:s2], $0x2800  }
0x27: {  	[sflag:s2] =	ssyncset.done $0x0  }
0x28: {  	[sflag:s2] =	ssyncadd.s32 $0xFFFFD800  }
.LBB2_4:
0x29: {  	_ =	sfence.sel $0x180000  }
0x2a: {  	[bflag:$0x0] =	sbarrier.arrive $0xFFFF  }
0x2b: {  	p0 =	sne.s32 s1, $0x0;
	_ =	strace $0x90000047  }
0x2c: {  	s0 =	sadd.s32 @!p0 $0x100000, s0;
	[bflag:$0x2] =	sbarrier.arrive $0xFFFF  }
0x2d: {  	[sflag:s0] =	ssyncadd.tile.s32 @!p0 $0x1;
	_ =	shalt  }
.Lfunc_end2:
_tile_overlayer_lowered:
.L_overlay_start_2:
0x2e: {  	(tag) =	ssettag $0x2  }
0x2f: {  	s0 =	rddreg [dreg:$0x0];
	s2 =	stileid.u32  }
0x30: {  	s1 =	rddreg [dreg:$0x1];
	p0 =	sne.s32 s2, $0x0  }
0x31: {  	s3 =	rddreg [dreg:$0x2];
	[bflag:$0x3] =	sbarrier.arrive $0xFFFF;
	s2 =	simm.s32 @!p0 $0x1C01  }
0x32: {  	[timem:s3], [sflag:s2] =	dma.local @!p0 [hbm:s0], s1  }
0x33: {  	s0 =	simm.s32 @!p0 $0x1  }
0x34: {  	_ =	swait.ge @!p0 [sflag:s0], s1  }
0x35: {  	s1 =	ssub.s32 @!p0 $0x0, s1;
	[sflag:s0] =	ssyncset.done @!p0 $0x0  }
0x36: {  	[sflag:s0] =	ssyncadd.s32 @!p0 s1  }
0x37: {  	[bflag:$0x3] =	sbarrier.arrive $0xFFFF  }
0x38: {  	_ =	shalt  }

// kernel: kernel.18.cloned.1.call-start
scs
__scs_entry_jumppad:
0x0: {  	(pc) =	sbr.rel $0x88, $3  }
0x1: {  	(tag) =	ssettag $0x0;
	lr =	simm.s32 $0x1  }
0x2: {  	[smem:$0x3F8B] =	sst lr;
	_ =	strace $0xD0000000  }
0x3: {  	_ = 	snop  }
0x4: {  	_ = 	snop  }
0x5: {  	_ = 	snop  }
0x6: {  	_ = 	snop  }
0x7: {  	_ = 	snop  }
__scs_overlays_trampoline_lowered:
0x8: {  	[smem:$0x3F9A] =	sst s0  }
0x9: {  	[smem:$0x3F9B] =	sst s1  }
0xa: {  	[smem:$0x3F9C] =	sst s2  }
0xb: {  	[smem:$0x3F9D] =	sst s3  }
0xc: {  	[smem:$0x3F9E] =	sst s4  }
0xd: {  	[smem:$0x3F9F] =	sst s5  }
0xe: {  	[smem:$0x3FA0] =	sst s6  }
0xf: {  	[smem:$0x3FA1] =	sst s7  }
0x10: {  	[smem:$0x3FA2] =	sst s8  }
0x11: {  	[smem:$0x3FA3] =	sst s9;
	s0 =	simm.s32 @!p0 $0x0  }
0x12: {  	s1 =	sld [smem:$0x3F89];
	s0 =	simm.s32 @p0 $0x1  }
0x13: {  	[smem:$0x3FA4] =	sst s0;
	s0 =	simm.s32 @!p1 $0x0  }
0x14: {  	s2 =	sld [smem:$0x3F88];
	s0 =	simm.s32 @p1 $0x1  }
0x15: {  	[smem:$0x3FA5] =	sst s0;
	s0 =	simm.s32 @!p2 $0x0  }
0x16: {  	s3 =	sld [smem:$0x3FDB];
	s0 =	simm.s32 @p2 $0x1  }
0x17: {  	s4 =	simm.s32 $0x1BF5;
	[smem:$0x3FA7] =	sst s0  }
0x18: {  	s0 =	sld [smem:$0x3F8A];
	_ =	swait.ge [sflag:s4], $0x0  }
0x19: {  	s7 =	sld [smem:$0x3F8B]  }
0x1a: {  	s8 =	sadd.s32 $0xFFFFE003, lr  }
0x1b: {  	s9 =	sadd.s32 $0xFFFFFEF7, lr;
	s5 =	simm.s32 $0xFFFFFFFF;
	p2 =	slt.u32 s8, $0xFFFFF086  }
0x1c: {  	p1 =	slt.u32 s9, $0xF7A;
	s5 =	simm.s32 @!p2 $0x0  }
0x1d: {  	s5 =	simm.s32 @p1 $0x1;
	p0 =	seq.s32 s7, s2  }
0x1e: {  	s7 =	smul.u32 @!p0 $0xF7A, s2;
	p2 =	seq.s32 @!p0 s5, $0x0  }
0x1f: {  	s9 =	smul.u32 $0xF7A, s1;
	s8 =	simm.s32 @!p0 $0x1BF5;
	p2 =	por !p2, p0  }
0x20: {  	[sflag:s8] =	ssyncset.s32 @!p0 $0xFFFFF086;
	s6 =	sadd.s32 @!p0 s3, s7;
	s7 =	simm.s32 @!p0 $0x108  }
0x21: {  	s3 =	sadd.s32 s3, s9;
	s6 =	sadd.s32 @!p0 $0x88, s6;
	s7 =	simm.s32 @p2 $0x1082  }
0x22: {  	[simem:s7], [sflag:s8] =	dma.local @!p0 [hbm:s6], $0xF7A  }
0x23: {  	s9 =	sor.u32 $0xD0000000, s2;
	s6 =	simm.s32 $0x108;
	_ =	swait.ge @!p0 [sflag:s8], $0x0  }
0x24: {  	s3 =	sadd.s32 $0x88, s3;
	s6 =	simm.s32 @!p1 $0x1082;
	[sflag:s4] =	ssyncset.s32 $0xFFFFF086  }
0x25: {  	[simem:s6], [sflag:s4] =	dma.local [hbm:s3], $0xF7A  }
0x26: {  	[smem:$0x3F8B] =	sst s1;
	(tag) =	ssettag s2;
	_ =	strace s9  }
0x27: {  	s1 =	sld [smem:$0x3F9B]  }
0x28: {  	s2 =	sld [smem:$0x3F9C]  }
0x29: {  	s4 =	sld [smem:$0x3F9E]  }
0x2a: {  	p0 =	seq.s32 s5, $0x0;
	s5 =	sld [smem:$0x3F9F]  }
0x2b: {  	s6 =	sld [smem:$0x3FA0]  }
0x2c: {  	s7 =	sld [smem:$0x3FA1]  }
0x2d: {  	s3 =	simm.s32 $0x108;
	s8 =	sld [smem:$0x3FA2]  }
0x2e: {  	s3 =	simm.s32 @!p0 $0x1082;
	s9 =	sld [smem:$0x3FA3]  }
0x2f: {  	lr =	sadd.s32 s0, s3;
	s0 =	sld [smem:$0x3F9A]  }
0x30: {  	s3 =	sld [smem:$0x3F9D]  }
0x31: {  	[smem:$0x3FA6] =	sst s10  }
0x32: {  	s10 =	sld [smem:$0x3FA4];
	_ =	sdelay $0x3  }
0x33: {  	p0 =	seq.s32 s10, $0x1;
	s10 =	sld [smem:$0x3FA6];
	_ =	sdelay $0x3  }
0x34: {  	[smem:$0x3FA6] =	sst s10  }
0x35: {  	s10 =	sld [smem:$0x3FA5];
	_ =	sdelay $0x3  }
0x36: {  	p1 =	seq.s32 s10, $0x1;
	s10 =	sld [smem:$0x3FA6];
	_ =	sdelay $0x3  }
0x37: {  	[smem:$0x3FA6] =	sst s10  }
0x38: {  	s10 =	sld [smem:$0x3FA7]  }
0x39: {  	_ = 	snop;
	(pc) =	sbr.ind lr, $3  }
0x3a: {  	_ = 	snop  }
0x3b: {  	_ = 	snop  }
0x3c: {  	p2 =	seq.s32 s10, $0x1;
	s10 =	sld [smem:$0x3FA6]  }
0x3d: {  	_ =	shalt  }
0x3e: {  	_ =	shalt  }
0x3f: {  	_ =	shalt  }
0x40: {  	_ =	shalt  }
0x41: {  	_ =	shalt  }
0x42: {  	_ =	shalt  }
0x43: {  	_ =	shalt  }
0x44: {  	_ =	shalt  }
0x45: {  	_ =	shalt  }
0x46: {  	_ =	shalt  }
0x47: {  	_ =	shalt  }
0x48: {  	_ =	shalt  }
0x49: {  	_ =	shalt  }
0x4a: {  	_ =	shalt  }
0x4b: {  	_ =	shalt  }
0x4c: {  	_ =	shalt  }
0x4d: {  	_ =	shalt  }
0x4e: {  	_ =	shalt  }
0x4f: {  	_ =	shalt  }
0x50: {  	_ =	shalt  }
0x51: {  	_ =	shalt  }
0x52: {  	_ =	shalt  }
0x53: {  	_ =	shalt  }
0x54: {  	_ =	shalt  }
0x55: {  	_ =	shalt  }
0x56: {  	_ =	shalt  }
0x57: {  	_ =	shalt  }
0x58: {  	_ =	shalt  }
0x59: {  	_ =	shalt  }
0x5a: {  	_ =	shalt  }
0x5b: {  	_ =	shalt  }
0x5c: {  	_ =	shalt  }
0x5d: {  	_ =	shalt  }
0x5e: {  	_ =	shalt  }
0x5f: {  	_ =	shalt  }
0x60: {  	_ =	shalt  }
0x61: {  	_ =	shalt  }
0x62: {  	_ =	shalt  }
0x63: {  	_ =	shalt  }
0x64: {  	_ =	shalt  }
0x65: {  	_ =	shalt  }
0x66: {  	_ =	shalt  }
0x67: {  	_ =	shalt  }
0x68: {  	_ =	shalt  }
0x69: {  	_ =	shalt  }
0x6a: {  	_ =	shalt  }
0x6b: {  	_ =	shalt  }
0x6c: {  	_ =	shalt  }
0x6d: {  	_ =	shalt  }
0x6e: {  	_ =	shalt  }
0x6f: {  	_ =	shalt  }
0x70: {  	_ =	shalt  }
0x71: {  	_ =	shalt  }
0x72: {  	_ =	shalt  }
0x73: {  	_ =	shalt  }
0x74: {  	_ =	shalt  }
0x75: {  	_ =	shalt  }
0x76: {  	_ =	shalt  }
0x77: {  	_ =	shalt  }
0x78: {  	_ =	shalt  }
0x79: {  	_ =	shalt  }
0x7a: {  	_ =	shalt  }
0x7b: {  	_ =	shalt  }
0x7c: {  	_ =	shalt  }
0x7d: {  	_ =	shalt  }
0x7e: {  	_ =	shalt  }
0x7f: {  	_ =	shalt  }
0x80: {  	_ =	shalt  }
0x81: {  	_ =	shalt  }
0x82: {  	_ =	shalt  }
0x83: {  	_ =	shalt  }
0x84: {  	_ =	shalt  }
0x85: {  	_ =	shalt  }
0x86: {  	_ =	shalt  }
0x87: {  	_ =	shalt  }
.Lfunc_end0:
.L_simem_size_0:
called_computation.1_lowered:
.L_overlay_start_0:
0x88: {  	s2 =	sld [smem:$0x3FD9]  }
0x89: {  	s3 =	sld [smem:$0x3FFE];
	_ =	sdelay $0x1  }
0x8a: {  	s1 =	srdreg.scid  }
0x8b: {  	s0 =	sand.u32 $0x1, s1  }
0x8c: {  	s17 =	sshll.u32 s0, $0xA;
	s2 =	sadd.s32 s3, s2  }
0x8d: {  	s2 =	sadd.s32 s2, s17  }
0x8e: {  	[smem:$0x3FB2] =	sst s2  }
0x8f: {  	_ = 	snop  }
0x90: {  	s18 =	sld [smem:$0x3FD0];
	(tm) =	ssettm $0x1  }
0x91: {  	s19 =	sld [smem:$0x3FFB];
	_ =	sdelay $0x3  }
0x92: {  	_ =	strace s19  }
0x93: {  	s2 =	sld [smem:$0x3FFC];
	_ =	sdelay $0x3  }
0x94: {  	_ =	strace s2  }
0x95: {  	s2 =	sld [smem:$0x3FFD];
	_ =	sdelay $0x3  }
0x96: {  	_ =	strace s2  }
0x97: {  	_ =	strace $0x8FFFFFFF  }
0x98: {  	s20 =	sld [smem:$0x3FDB];
	_ =	sdelay $0x1  }
0x99: {  	s4 =	simm.s32 $_scs_section_size  }
0x9a: {  	s5 =	simm.s32 $_size__tile_overlayer_lowered;
	s6 =	simm.s32 $_tile_overlayer_lowered  }
0x9b: {  	s7 =	simm.s32 $0x1BFF;
	s21 =	sshll.u32 s6, $0x1;
	s4 =	sadd.s32 s4, s20  }
0x9c: {  	s22 =	simm.s32 $0x0;
	s5 =	sshll.u32 s5, $0x1;
	s6 =	sadd.s32 s21, s4  }
0x9d: {  	[timem:s22], [sflag:s7] =	dma.local [hbm:s6], s5  }
0x9e: {  	_ =	swait.ge [sflag:s7], s5  }
0x9f: {  	s5 =	ssub.s32 $0x0, s5;
	[sflag:s7] =	ssyncset.done $0x0  }
0xa0: {  	[sflag:s7] =	ssyncadd.s32 s5;
	_ =	sdelay $0x1  }
0xa1: {  	s23 =	simm.s32 $0x1B8B  }
0xa2: {  	_ =	swait.ge [sflag:s23], $0x1  }
0xa3: {  	[sflag:s23] =	ssyncset.done $0x0  }
0xa4: {  	[sflag:s23] =	ssyncadd.s32 $0xFFFFFFFF  }
0xa5: {  	s5 =	sld [smem:$0x0]  }
0xa6: {  	s6 =	sand.u32 $0xFFFFFFFE, s1  }
0xa7: {  	p0 =	sne.s32 s1, s6  }
0xa8: {  	s6 =	sshll.u32 @p0 s6, $0xE  }
0xa9: {  	s6 =	sadd.s32 @p0 $0x11B8D, s6;
	s7 =	sshll.u32 @p0 s5, $0x11  }
0xaa: {  	s6 =	sor.u32 @p0 s7, s6  }
0xab: {  	[sflag:s6] =	ssyncadd.remote.s32 @p0 $0x1;
	_ =	sdelay $0x1  }
0xac: {  	s6 =	simm.s32 @p0 $0x1B8D  }
0xad: {  	_ =	swait.eq @p0 [sflag:s6], $0x1  }
0xae: {  	[sflag:s6] =	ssyncadd.s32 @p0 $0xFFFFFFFF  }
0xaf: {  	s7 =	sshll.u32 @!p0 s1, $0xE  }
0xb0: {  	s7 =	sor.u32 @!p0 $0x4000, s7;
	s6 =	simm.s32 @!p0 $0x1B8D  }
0xb1: {  	s5 =	sshll.u32 @!p0 s5, $0x11;
	s7 =	sadd.s32 @!p0 $0x11B8D, s7;
	_ =	swait.eq @!p0 [sflag:s6], $0x1  }
0xb2: {  	s5 =	sor.u32 @!p0 s5, s7;
	[sflag:s6] =	ssyncadd.s32 @!p0 $0xFFFFFFFF  }
0xb3: {  	s25 =	simm.s32 $0x1B8E;
	s24 =	sld [smem:$0x3FFE];
	[sflag:s5] =	ssyncadd.remote.s32 @!p0 $0x1  }
0xb4: {  	s26 =	simm.s32 $execute0_lowered;
	[smem:$0x3FD2] =	sst s25  }
0xb5: {  	s6 =	sshll.u32 s26, $0x1;
	_ =	strace $0x80000049;
	[dreg:$0x1] =	wrdreg $0xFFFFFFFF  }
0xb6: {  	s28 =	simm.s32 $_size_execute0_lowered;
	s4 =	sadd.s32 s4, s6;
	[dreg:$0x0] =	wrdreg $0x0  }
0xb7: {  	s6 =	sshll.u32 s28, $0x1;
	[dreg:$0x2] =	wrdreg s4  }
0xb8: {  	[dreg:$0x3] =	wrdreg s6  }
0xb9: {  	[dreg:$0x4] =	wrdreg $0xC0  }
0xba: {  	_ =	task [dreg:s22], $0x5FFFF  }
0xbb: {  	[dreg:$0x1] =	wrdreg $0xFFFFFFFF  }
0xbc: {  	[dreg:$0x0] =	wrdreg $0x60  }
0xbd: {  	[dreg:$0x2] =	wrdreg s24  }
0xbe: {  	[dreg:$0x3] =	wrdreg s18  }
0xbf: {  	[dreg:$0x4] =	wrdreg $0xA8000  }
0xc0: {  	[dreg:$0x5] =	wrdreg $0xA  }
0xc1: {  	_ =	task.clear_ibuf [dreg:s22], $0x6FFFF;
	_ =	strace $0x90000049  }
0xc2: {  	s29 =	simm.s32 $0xA;
	_ =	strace $0x8000004B  }
0xc3: {  	_ =	swait.ge [sflag:s29], $0x1  }
0xc4: {  	[sflag:s29] =	ssyncadd.s32 $0xFFFFFFFF  }
0xc5: {  	_ =	strace $0x9000004B  }
0xc6: {  	_ =	sfence  }
0xc7: {  	s30 =	sld [smem:$0x0];
	_ =	sdelay $0x2  }
0xc8: {  	s31 =	sshll.u32 s1, $0xD;
	s1 =	sshrl.u32 s1, $0x2  }
0xc9: {  	s4 =	sand.u32 $0x4000, s31;
	s1 =	sadd.s32 s1, s30  }
0xca: {  	s0 =	sor.u32 s4, s0;
	s1 =	sshll.u32 s1, $0x11  }
0xcb: {  	s0 =	sor.u32 s1, s0  }
0xcc: {  	s0 =	sadd.s32 $0x8F2B, s0  }
0xcd: {  	[sflag:s0] =	ssyncadd.remote.s32 $0x1  }
0xce: {  	_ =	sfence.sel $0xFFFF  }
0xcf: {  	[dreg:$0x0] =	wrdreg $0xFFFFFFFF;
	(pc) =	sbr.abs _section_cstart, $3  }
0xd0: {  	[dreg:$0x1] =	wrdreg $0xFFFFFFFF  }
0xd1: {  	_ =	task.clear_ibuf [dreg:s22], $0x2FFFF;
	_ =	strace $0x9FFFFFFF  }
0xd2: {  	(tm) =	ssettm $0x7FFFFFFF  }
0xd3: {  	_ =	shalt  }
tec
execute0_lowered:
.L_overlay_start_1:
0x0: {  	(tag) =	ssettag $0x1  }
0x1: {  	s8 =	rddreg [dreg:$0x0]  }
0x2: {  	s1 =	rddreg [dreg:$0x1]  }
0x3: {  	s2 =	rddreg [dreg:$0x2]  }
0x4: {  	s0 =	rddreg [dreg:$0x3];
	s3 =	simm.s32 $0x0;
	s6 =	srdreg.scid  }
0x5: {  	s4 =	stileid.u32;
	s14 =	simm.s32 $0x4000;
	s17 =	simm.s32 $0x50  }
0x6: {  	s18 =	simm.s32 $0x8000;
	s19 =	simm.s32 $0x0;
	[smem:$0x7FF] =	sst s3  }
0x7: {  	s5 =	sadd.s32 $0x44400, s8;
	s11 =	sand.u32 $0x1, s6;
	s6 =	sadd.s32 $0x6B600, s8  }
0x8: {  	s7 =	sshll.u32 s4, $0xB;
	s13 =	smul.u32 $0x50000, s4;
	s15 =	sshll.u32 s4, $0x6  }
0x9: {  	_ =	strace $0x8000004A;
	s9 =	ssub.s32 $0x2, s11;
	s10 =	sadd.s32 s7, s8  }
.Ltmp0:
0xa: {  	s7 =	sadd.s32 $0x11C00, s8;
	s8 =	sadd.s32 $0x92800, s8;
	(pc) =	sbr.rel .LBB2_1-.Ltmp0, $4  }
0xb: {  	p0 =	seq.s32 s11, $0x1;
	s11 =	smul.u32 $0x2800, s4;
	s12 =	sshrl.u32 s9, $0x1  }
0xc: {  	s15 =	sor.u32 $0x1C01, s15;
	s13 =	sshrl.u32 s13, $0x2;
	s12 =	ssub.s32 s9, s12  }
0xd: {  	s9 =	sadd.s32 $0x3C400, s10;
	s10 =	sadd.s32 $0x9600, s10;
	s16 =	sadd.s32 s13, s2  }
0xe: {  	s13 =	simm.s32 $0x1;
	s12 =	smax.u32 s12, $0x1;
	s16 =	sshrl.u32 s16, $0x3  }
.LBB2_7:
0xf: {  	s20 =	sshra.s32 s20, $0x2;
	[sflag:s13] =	ssyncadd.s32 $0xFFFFD800  }
0x10: {  	[tilespmem:s18], [sflag:$0x1] =	stream.indirect.gather [hbm4b:s6+s17], $0x80, s20, s17, $0xb8;
	[tilespmem:$0x1E800] =	vst v63  }
0x11: {  	_ =	swait.ge [sflag:s13], $0x2800  }
0x12: {  	[sflag:s13] =	ssyncset.done $0x0  }
0x13: {  	s20 =	sadd.s32 $0x4000, s20;
	[sflag:s13] =	ssyncadd.s32 $0xFFFFD800  }
0x14: {  	[spmem:s2] =	stream.indirect.scatter.add.f32 [tilespmem:s18], [sflag:$0x1], $0x80, s20, s17, $0xb8;
	[tilespmem:$0x1E800] =	vst v63  }
0x15: {  	_ =	swait.ge [sflag:s13], $0x2800  }
0x16: {  	[sflag:s13] =	ssyncset.done $0x0  }
0x17: {  	s20 =	smov.u32 s8;
	[sflag:s13] =	ssyncadd.s32 $0xFFFFD800  }
.LBB2_8:
0x18: {  	s19 =	sadd.s32 $0x1, s19  }
0x19: {  	p1 =	sne.s32 s19, s12  }
.Ltmp1:
0x1a: {  	s20 =	sadd.s32 s20, s11;
	[bflag:$0x0] =	sbarrier.arrive $0xFFFF;
	(pc) =	sbr.rel @!p1 .LBB2_9-.Ltmp1, $4  }
0x1b: {  	[hbm:s20], [sflag:s15] =	dma.local [spmem:s16], $0x2800  }
0x1c: {  	_ =	swait.ge [sflag:s13], $0x2800  }
0x1d: {  	[sflag:s13] =	ssyncset.done $0x0  }
0x1e: {  	[sflag:s13] =	ssyncadd.s32 $0xFFFFD800  }
.LBB2_1:
0x1f: {  	[tilespmem:s3], [sflag:$0x1] =	stream.linear.gather [hbm4b:s9+s3], $0x3E80, $0x38;
	[tilespmem:$0x1E800] =	vst v63  }
0x20: {  	_ =	swait.ge [sflag:s13], $0x3E80  }
0x21: {  	[sflag:s13] =	ssyncset.done $0x0  }
0x22: {  	[sflag:s13] =	ssyncadd.s32 $0xFFFFC180  }
0x23: {  	[tilespmem:s14], [sflag:$0x1] =	stream.linear.gather [hbm4b:s10+s3], $0x3E80, $0x38;
	[tilespmem:$0x1E800] =	vst v63  }
0x24: {  	_ =	swait.ge [sflag:s13], $0x3E80  }
0x25: {  	[sflag:s13] =	ssyncset.done $0x0  }
0x26: {  	[sflag:s13] =	ssyncadd.s32 $0xFFFFC180  }
0x27: {  	[spmem:s16], [sflag:s15] =	dma.local [hbm:s7], $0x2800  }
.Ltmp2:
0x28: {  	_ =	swait.ge [sflag:s13], $0x2800;
	(pc) =	sbr.rel @!p0 .LBB2_2-.Ltmp2, $4  }
0x29: {  	[sflag:s13] =	ssyncset.done $0x0  }
0x2a: {  	[sflag:s13] =	ssyncadd.s32 $0xFFFFD800  }
0x2b: {  	[bflag:$0x0] =	sbarrier.arrive $0xFFFF  }
0x2c: {  	s20 =	simm.s32 $0x0  }
0x2d: {  	[tilespmem:s18], [sflag:$0x1] =	stream.indirect.gather [hbm4b:s6+s17], $0x80, s20, s17, $0xb8;
	[tilespmem:$0x1E800] =	vst v63  }
0x2e: {  	_ =	swait.ge [sflag:s13], $0x2800  }
0x2f: {  	[sflag:s13] =	ssyncset.done $0x0  }
0x30: {  	s31 =	simm.s32 $0x4000;
	[sflag:s13] =	ssyncadd.s32 $0xFFFFD800  }
0x31: {  	[spmem:s2] =	stream.indirect.scatter.add.f32 [tilespmem:s18], [sflag:$0x1], $0x80, s31, s17, $0xb8;
	[tilespmem:$0x1E800] =	vst v63  }
0x32: {  	_ =	swait.ge [sflag:s13], $0x2800  }
0x33: {  	s20 =	simm.s32 $0x200;
	s21 =	simm.s32 $0x400;
	[sflag:s13] =	ssyncset.done $0x0  }
.LBB2_6:
0x34: {  	s22 =	sshra.s32 s20, $0x2  }
0x35: {  	[sflag:s13] =	ssyncadd.s32 $0xFFFFD800;
	s20 =	smov.u32 s21;
	s23 =	sadd.s32 $0x200, s21  }
0x36: {  	[tilespmem:s18], [sflag:$0x1] =	stream.indirect.gather [hbm4b:s6+s17], $0x80, s22, s17, $0xb8;
	[tilespmem:$0x1E800] =	vst v63  }
0x37: {  	p1 =	sne.s32 s21, $0xF800;
	_ =	swait.ge [sflag:s13], $0x2800  }
.Ltmp3:
0x38: {  	[sflag:s13] =	ssyncset.done $0x0;
	(pc) =	sbr.rel @p1 .LBB2_6-.Ltmp3, $4  }
0x39: {  	s21 =	sadd.s32 $0x4000, s22;
	[sflag:s13] =	ssyncadd.s32 $0xFFFFD800  }
0x3a: {  	[spmem:s2] =	stream.indirect.scatter.add.f32 [tilespmem:s18], [sflag:$0x1], $0x80, s21, s17, $0xb8;
	[tilespmem:$0x1E800] =	vst v63  }
0x3b: {  	_ =	swait.ge [sflag:s13], $0x2800  }
0x3c: {  	s21 =	smov.u32 s23;
	[sflag:s13] =	ssyncset.done $0x0  }
.Ltmp4:
0x3d: {  	_ = 	snop;
	(pc) =	sbr.rel .LBB2_7-.Ltmp4, $1  }
0x3e: {  	_ =	sdelay $0x3  }
.LBB2_2:
0x3f: {  	[tilespmem:s18], [sflag:$0x1] =	stream.indirect.gather [hbm4b:s5+s17], $0x80, s20, s17, $0xb8;
	[tilespmem:$0x1E800] =	vst v63  }
0x40: {  	_ =	swait.ge [sflag:s13], $0x2800  }
0x41: {  	[sflag:s13] =	ssyncset.done $0x0  }
0x42: {  	s31 =	simm.s32 $0x4000;
	[sflag:s13] =	ssyncadd.s32 $0xFFFFD800  }
0x43: {  	[spmem:s2] =	stream.indirect.scatter.add.f32 [tilespmem:s18], [sflag:$0x1], $0x80, s31, s17, $0xb8;
	[tilespmem:$0x1E800] =	vst v63  }
0x44: {  	_ =	swait.ge [sflag:s13], $0x2800  }
0x45: {  	s20 =	simm.s32 $0x200;
	s21 =	simm.s32 $0x400;
	[sflag:s13] =	ssyncset.done $0x0  }
.LBB2_3:
0x46: {  	s22 =	sshra.s32 s20, $0x2  }
0x47: {  	[sflag:s13] =	ssyncadd.s32 $0xFFFFD800;
	s20 =	smov.u32 s21;
	s23 =	sadd.s32 $0x200, s21  }
0x48: {  	[tilespmem:s18], [sflag:$0x1] =	stream.indirect.gather [hbm4b:s5+s17], $0x80, s22, s17, $0xb8;
	[tilespmem:$0x1E800] =	vst v63  }
0x49: {  	p1 =	seq.s32 s21, $0xF800;
	_ =	swait.ge [sflag:s13], $0x2800  }
.Ltmp5:
0x4a: {  	[sflag:s13] =	ssyncset.done $0x0;
	(pc) =	sbr.rel @!p1 .LBB2_3-.Ltmp5, $4  }
0x4b: {  	s21 =	sadd.s32 $0x4000, s22;
	[sflag:s13] =	ssyncadd.s32 $0xFFFFD800  }
0x4c: {  	[spmem:s2] =	stream.indirect.scatter.add.f32 [tilespmem:s18], [sflag:$0x1], $0x80, s21, s17, $0xb8;
	[tilespmem:$0x1E800] =	vst v63  }
0x4d: {  	_ =	swait.ge [sflag:s13], $0x2800  }
0x4e: {  	s21 =	smov.u32 s23;
	[sflag:s13] =	ssyncset.done $0x0  }
0x4f: {  	s20 =	sshra.s32 s20, $0x2;
	[sflag:s13] =	ssyncadd.s32 $0xFFFFD800  }
0x50: {  	[tilespmem:s18], [sflag:$0x1] =	stream.indirect.gather [hbm4b:s5+s17], $0x80, s20, s17, $0xb8;
	[tilespmem:$0x1E800] =	vst v63  }
0x51: {  	_ =	swait.ge [sflag:s13], $0x2800  }
0x52: {  	[sflag:s13] =	ssyncset.done $0x0  }
.Ltmp6:
0x53: {  	s20 =	sadd.s32 $0x4000, s20;
	[sflag:s13] =	ssyncadd.s32 $0xFFFFD800;
	(pc) =	sbr.rel .LBB2_8-.Ltmp6, $4  }
0x54: {  	[spmem:s2] =	stream.indirect.scatter.add.f32 [tilespmem:s18], [sflag:$0x1], $0x80, s20, s17, $0xb8;
	[tilespmem:$0x1E800] =	vst v63  }
0x55: {  	_ =	swait.ge [sflag:s13], $0x2800  }
0x56: {  	[sflag:s13] =	ssyncset.done $0x0  }
0x57: {  	s20 =	smov.u32 s1;
	[sflag:s13] =	ssyncadd.s32 $0xFFFFD800  }
.LBB2_9:
0x58: {  	_ =	sfence.sel $0x180000  }
0x59: {  	[bflag:$0x0] =	sbarrier.arrive $0xFFFF  }
0x5a: {  	p0 =	sne.s32 s4, $0x0;
	_ =	strace $0x9000004A  }
0x5b: {  	s0 =	sadd.s32 @!p0 $0x100000, s0;
	[bflag:$0x2] =	sbarrier.arrive $0xFFFF  }
0x5c: {  	[sflag:s0] =	ssyncadd.tile.s32 @!p0 $0x1;
	_ =	shalt  }
.Lfunc_end2:
_tile_overlayer_lowered:
.L_overlay_start_2:
0x5d: {  	(tag) =	ssettag $0x2  }
0x5e: {  	s0 =	rddreg [dreg:$0x0];
	s2 =	stileid.u32  }
0x5f: {  	s1 =	rddreg [dreg:$0x1];
	p0 =	sne.s32 s2, $0x0  }
0x60: {  	s3 =	rddreg [dreg:$0x2];
	[bflag:$0x3] =	sbarrier.arrive $0xFFFF;
	s2 =	simm.s32 @!p0 $0x1C01  }
0x61: {  	[timem:s3], [sflag:s2] =	dma.local @!p0 [hbm:s0], s1  }
0x62: {  	s0 =	simm.s32 @!p0 $0x1  }
0x63: {  	_ =	swait.ge @!p0 [sflag:s0], s1  }
0x64: {  	s1 =	ssub.s32 @!p0 $0x0, s1;
	[sflag:s0] =	ssyncset.done @!p0 $0x0  }
0x65: {  	[sflag:s0] =	ssyncadd.s32 @!p0 s1  }
0x66: {  	[bflag:$0x3] =	sbarrier.arrive $0xFFFF  }
0x67: {  	_ =	shalt  }

// kernel: kernel.21.cloned.1.call-start
scs
__scs_entry_jumppad:
0x0: {  	(pc) =	sbr.rel $0x88, $3  }
0x1: {  	(tag) =	ssettag $0x0;
	lr =	simm.s32 $0x1  }
0x2: {  	[smem:$0x3F8B] =	sst lr;
	_ =	strace $0xD0000000  }
0x3: {  	_ = 	snop  }
0x4: {  	_ = 	snop  }
0x5: {  	_ = 	snop  }
0x6: {  	_ = 	snop  }
0x7: {  	_ = 	snop  }
__scs_overlays_trampoline_lowered:
0x8: {  	[smem:$0x3F9A] =	sst s0  }
0x9: {  	[smem:$0x3F9B] =	sst s1  }
0xa: {  	[smem:$0x3F9C] =	sst s2  }
0xb: {  	[smem:$0x3F9D] =	sst s3  }
0xc: {  	[smem:$0x3F9E] =	sst s4  }
0xd: {  	[smem:$0x3F9F] =	sst s5  }
0xe: {  	[smem:$0x3FA0] =	sst s6  }
0xf: {  	[smem:$0x3FA1] =	sst s7  }
0x10: {  	[smem:$0x3FA2] =	sst s8  }
0x11: {  	[smem:$0x3FA3] =	sst s9;
	s0 =	simm.s32 @!p0 $0x0  }
0x12: {  	s1 =	sld [smem:$0x3F89];
	s0 =	simm.s32 @p0 $0x1  }
0x13: {  	[smem:$0x3FA4] =	sst s0;
	s0 =	simm.s32 @!p1 $0x0  }
0x14: {  	s2 =	sld [smem:$0x3F88];
	s0 =	simm.s32 @p1 $0x1  }
0x15: {  	[smem:$0x3FA5] =	sst s0;
	s0 =	simm.s32 @!p2 $0x0  }
0x16: {  	s3 =	sld [smem:$0x3FDB];
	s0 =	simm.s32 @p2 $0x1  }
0x17: {  	s4 =	simm.s32 $0x1BF5;
	[smem:$0x3FA7] =	sst s0  }
0x18: {  	s0 =	sld [smem:$0x3F8A];
	_ =	swait.ge [sflag:s4], $0x0  }
0x19: {  	s7 =	sld [smem:$0x3F8B]  }
0x1a: {  	s8 =	sadd.s32 $0xFFFFE003, lr  }
0x1b: {  	s9 =	sadd.s32 $0xFFFFFEF7, lr;
	s5 =	simm.s32 $0xFFFFFFFF;
	p2 =	slt.u32 s8, $0xFFFFF086  }
0x1c: {  	p1 =	slt.u32 s9, $0xF7A;
	s5 =	simm.s32 @!p2 $0x0  }
0x1d: {  	s5 =	simm.s32 @p1 $0x1;
	p0 =	seq.s32 s7, s2  }
0x1e: {  	s7 =	smul.u32 @!p0 $0xF7A, s2;
	p2 =	seq.s32 @!p0 s5, $0x0  }
0x1f: {  	s9 =	smul.u32 $0xF7A, s1;
	s8 =	simm.s32 @!p0 $0x1BF5;
	p2 =	por !p2, p0  }
0x20: {  	[sflag:s8] =	ssyncset.s32 @!p0 $0xFFFFF086;
	s6 =	sadd.s32 @!p0 s3, s7;
	s7 =	simm.s32 @!p0 $0x108  }
0x21: {  	s3 =	sadd.s32 s3, s9;
	s6 =	sadd.s32 @!p0 $0x88, s6;
	s7 =	simm.s32 @p2 $0x1082  }
0x22: {  	[simem:s7], [sflag:s8] =	dma.local @!p0 [hbm:s6], $0xF7A  }
0x23: {  	s9 =	sor.u32 $0xD0000000, s2;
	s6 =	simm.s32 $0x108;
	_ =	swait.ge @!p0 [sflag:s8], $0x0  }
0x24: {  	s3 =	sadd.s32 $0x88, s3;
	s6 =	simm.s32 @!p1 $0x1082;
	[sflag:s4] =	ssyncset.s32 $0xFFFFF086  }
0x25: {  	[simem:s6], [sflag:s4] =	dma.local [hbm:s3], $0xF7A  }
0x26: {  	[smem:$0x3F8B] =	sst s1;
	(tag) =	ssettag s2;
	_ =	strace s9  }
0x27: {  	s1 =	sld [smem:$0x3F9B]  }
0x28: {  	s2 =	sld [smem:$0x3F9C]  }
0x29: {  	s4 =	sld [smem:$0x3F9E]  }
0x2a: {  	p0 =	seq.s32 s5, $0x0;
	s5 =	sld [smem:$0x3F9F]  }
0x2b: {  	s6 =	sld [smem:$0x3FA0]  }
0x2c: {  	s7 =	sld [smem:$0x3FA1]  }
0x2d: {  	s3 =	simm.s32 $0x108;
	s8 =	sld [smem:$0x3FA2]  }
0x2e: {  	s3 =	simm.s32 @!p0 $0x1082;
	s9 =	sld [smem:$0x3FA3]  }
0x2f: {  	lr =	sadd.s32 s0, s3;
	s0 =	sld [smem:$0x3F9A]  }
0x30: {  	s3 =	sld [smem:$0x3F9D]  }
0x31: {  	[smem:$0x3FA6] =	sst s10  }
0x32: {  	s10 =	sld [smem:$0x3FA4];
	_ =	sdelay $0x3  }
0x33: {  	p0 =	seq.s32 s10, $0x1;
	s10 =	sld [smem:$0x3FA6];
	_ =	sdelay $0x3  }
0x34: {  	[smem:$0x3FA6] =	sst s10  }
0x35: {  	s10 =	sld [smem:$0x3FA5];
	_ =	sdelay $0x3  }
0x36: {  	p1 =	seq.s32 s10, $0x1;
	s10 =	sld [smem:$0x3FA6];
	_ =	sdelay $0x3  }
0x37: {  	[smem:$0x3FA6] =	sst s10  }
0x38: {  	s10 =	sld [smem:$0x3FA7]  }
0x39: {  	_ = 	snop;
	(pc) =	sbr.ind lr, $3  }
0x3a: {  	_ = 	snop  }
0x3b: {  	_ = 	snop  }
0x3c: {  	p2 =	seq.s32 s10, $0x1;
	s10 =	sld [smem:$0x3FA6]  }
0x3d: {  	_ =	shalt  }
0x3e: {  	_ =	shalt  }
0x3f: {  	_ =	shalt  }
0x40: {  	_ =	shalt  }
0x41: {  	_ =	shalt  }
0x42: {  	_ =	shalt  }
0x43: {  	_ =	shalt  }
0x44: {  	_ =	shalt  }
0x45: {  	_ =	shalt  }
0x46: {  	_ =	shalt  }
0x47: {  	_ =	shalt  }
0x48: {  	_ =	shalt  }
0x49: {  	_ =	shalt  }
0x4a: {  	_ =	shalt  }
0x4b: {  	_ =	shalt  }
0x4c: {  	_ =	shalt  }
0x4d: {  	_ =	shalt  }
0x4e: {  	_ =	shalt  }
0x4f: {  	_ =	shalt  }
0x50: {  	_ =	shalt  }
0x51: {  	_ =	shalt  }
0x52: {  	_ =	shalt  }
0x53: {  	_ =	shalt  }
0x54: {  	_ =	shalt  }
0x55: {  	_ =	shalt  }
0x56: {  	_ =	shalt  }
0x57: {  	_ =	shalt  }
0x58: {  	_ =	shalt  }
0x59: {  	_ =	shalt  }
0x5a: {  	_ =	shalt  }
0x5b: {  	_ =	shalt  }
0x5c: {  	_ =	shalt  }
0x5d: {  	_ =	shalt  }
0x5e: {  	_ =	shalt  }
0x5f: {  	_ =	shalt  }
0x60: {  	_ =	shalt  }
0x61: {  	_ =	shalt  }
0x62: {  	_ =	shalt  }
0x63: {  	_ =	shalt  }
0x64: {  	_ =	shalt  }
0x65: {  	_ =	shalt  }
0x66: {  	_ =	shalt  }
0x67: {  	_ =	shalt  }
0x68: {  	_ =	shalt  }
0x69: {  	_ =	shalt  }
0x6a: {  	_ =	shalt  }
0x6b: {  	_ =	shalt  }
0x6c: {  	_ =	shalt  }
0x6d: {  	_ =	shalt  }
0x6e: {  	_ =	shalt  }
0x6f: {  	_ =	shalt  }
0x70: {  	_ =	shalt  }
0x71: {  	_ =	shalt  }
0x72: {  	_ =	shalt  }
0x73: {  	_ =	shalt  }
0x74: {  	_ =	shalt  }
0x75: {  	_ =	shalt  }
0x76: {  	_ =	shalt  }
0x77: {  	_ =	shalt  }
0x78: {  	_ =	shalt  }
0x79: {  	_ =	shalt  }
0x7a: {  	_ =	shalt  }
0x7b: {  	_ =	shalt  }
0x7c: {  	_ =	shalt  }
0x7d: {  	_ =	shalt  }
0x7e: {  	_ =	shalt  }
0x7f: {  	_ =	shalt  }
0x80: {  	_ =	shalt  }
0x81: {  	_ =	shalt  }
0x82: {  	_ =	shalt  }
0x83: {  	_ =	shalt  }
0x84: {  	_ =	shalt  }
0x85: {  	_ =	shalt  }
0x86: {  	_ =	shalt  }
0x87: {  	_ =	shalt  }
.Lfunc_end0:
.L_simem_size_0:
called_computation.2_lowered:
.L_overlay_start_0:
0x88: {  	s2 =	sld [smem:$0x3FD9]  }
0x89: {  	s3 =	sld [smem:$0x3FFE];
	_ =	sdelay $0x1  }
0x8a: {  	s1 =	srdreg.scid  }
0x8b: {  	s0 =	sand.u32 $0x1, s1  }
0x8c: {  	s17 =	sshll.u32 s0, $0xA;
	s2 =	sadd.s32 s3, s2  }
0x8d: {  	s2 =	sadd.s32 s2, s17  }
0x8e: {  	[smem:$0x3FB2] =	sst s2  }
0x8f: {  	_ = 	snop  }
0x90: {  	s2 =	sld [smem:$0x3FD0];
	(tm) =	ssettm $0x1  }
0x91: {  	s18 =	sld [smem:$0x3FFB];
	_ =	sdelay $0x3  }
0x92: {  	_ =	strace s18  }
0x93: {  	s3 =	sld [smem:$0x3FFC];
	_ =	sdelay $0x3  }
0x94: {  	_ =	strace s3  }
0x95: {  	s3 =	sld [smem:$0x3FFD];
	_ =	sdelay $0x3  }
0x96: {  	_ =	strace s3  }
0x97: {  	_ =	strace $0x8FFFFFFF  }
0x98: {  	s19 =	sld [smem:$0x3FDB];
	_ =	sdelay $0x1  }
0x99: {  	s4 =	simm.s32 $_scs_section_size  }
0x9a: {  	s5 =	simm.s32 $_size__tile_overlayer_lowered;
	s6 =	simm.s32 $_tile_overlayer_lowered  }
0x9b: {  	s22 =	simm.s32 $0x1BFF;
	s21 =	sshll.u32 s6, $0x1;
	s3 =	sadd.s32 s4, s19  }
0x9c: {  	s7 =	simm.s32 $0x0;
	s20 =	sshll.u32 s5, $0x1;
	s5 =	sadd.s32 s21, s3  }
0x9d: {  	[timem:s7], [sflag:s22] =	dma.local [hbm:s5], s20  }
0x9e: {  	_ =	swait.ge [sflag:s22], s20  }
0x9f: {  	s4 =	ssub.s32 $0x0, s20;
	[sflag:s22] =	ssyncset.done $0x0  }
0xa0: {  	[sflag:s22] =	ssyncadd.s32 s4;
	_ =	sdelay $0x1  }
0xa1: {  	s23 =	simm.s32 $0x1B8B  }
0xa2: {  	_ =	swait.ge [sflag:s23], $0x1  }
0xa3: {  	[sflag:s23] =	ssyncset.done $0x0  }
0xa4: {  	s25 =	simm.s32 $0x1B8E;
	s24 =	sld [smem:$0x3FFE];
	[sflag:s23] =	ssyncadd.s32 $0xFFFFFFFF  }
0xa5: {  	s26 =	simm.s32 $execute0_lowered;
	[smem:$0x3FD2] =	sst s25  }
0xa6: {  	s5 =	sshll.u32 s26, $0x1;
	_ =	strace $0x8000004C;
	[dreg:$0x1] =	wrdreg $0xFFFFFFFF  }
0xa7: {  	s28 =	simm.s32 $_size_execute0_lowered;
	s3 =	sadd.s32 s3, s5;
	[dreg:$0x0] =	wrdreg $0x0  }
0xa8: {  	s5 =	sshll.u32 s28, $0x1;
	[dreg:$0x2] =	wrdreg s3  }
0xa9: {  	[dreg:$0x3] =	wrdreg s5  }
0xaa: {  	[dreg:$0x4] =	wrdreg $0xC0  }
0xab: {  	_ =	task [dreg:s7], $0x5FFFF  }
0xac: {  	[dreg:$0x1] =	wrdreg $0xFFFFFFFF  }
0xad: {  	[dreg:$0x0] =	wrdreg $0x60  }
0xae: {  	[dreg:$0x2] =	wrdreg s2  }
0xaf: {  	[dreg:$0x3] =	wrdreg s24  }
0xb0: {  	[dreg:$0x4] =	wrdreg $0xA8000  }
0xb1: {  	[dreg:$0x5] =	wrdreg $0x9  }
0xb2: {  	_ =	task.clear_ibuf [dreg:s7], $0x6FFFF;
	_ =	strace $0x9000004C  }
0xb3: {  	s29 =	simm.s32 $0x9;
	_ =	strace $0x8000004E  }
0xb4: {  	_ =	swait.ge [sflag:s29], $0x1  }
0xb5: {  	[sflag:s29] =	ssyncadd.s32 $0xFFFFFFFF  }
0xb6: {  	_ =	strace $0x9000004E  }
0xb7: {  	_ =	sfence  }
0xb8: {  	s30 =	sld [smem:$0x0];
	_ =	sdelay $0x2  }
0xb9: {  	s31 =	sshll.u32 s1, $0xD;
	s1 =	sshrl.u32 s1, $0x2  }
0xba: {  	s3 =	sand.u32 $0x4000, s31;
	s1 =	sadd.s32 s1, s30  }
0xbb: {  	s0 =	sor.u32 s3, s0;
	s1 =	sshll.u32 s1, $0x11  }
0xbc: {  	s0 =	sor.u32 s1, s0  }
0xbd: {  	s0 =	sadd.s32 $0x8F2B, s0  }
0xbe: {  	[sflag:s0] =	ssyncadd.remote.s32 $0x1  }
0xbf: {  	_ =	sfence.sel $0xFFFF  }
0xc0: {  	[dreg:$0x0] =	wrdreg $0xFFFFFFFF;
	(pc) =	sbr.abs _section_cstart, $3  }
0xc1: {  	[dreg:$0x1] =	wrdreg $0xFFFFFFFF  }
0xc2: {  	_ =	task.clear_ibuf [dreg:s7], $0x2FFFF;
	_ =	strace $0x9FFFFFFF  }
0xc3: {  	(tm) =	ssettm $0x7FFFFFFF  }
tec
execute0_lowered:
.L_overlay_start_1:
0x0: {  	(tag) =	ssettag $0x1  }
0x1: {  	s1 =	rddreg [dreg:$0x0]  }
0x2: {  	s11 =	rddreg [dreg:$0x1]  }
0x3: {  	s2 =	rddreg [dreg:$0x2]  }
0x4: {  	s0 =	rddreg [dreg:$0x3];
	s3 =	simm.s32 $0x0  }
0x5: {  	s4 =	stileid.u32;
	s9 =	srdreg.scid;
	s18 =	simm.s32 $0x4000  }
0x6: {  	s21 =	simm.s32 $0x50;
	s22 =	simm.s32 $0x8000;
	s23 =	simm.s32 $0x0  }
0x7: {  	[smem:$0x7FF] =	sst s3;
	s5 =	sadd.s32 $0x44400, s11;
	s6 =	sadd.s32 $0x6B600, s11  }
0x8: {  	s7 =	sadd.s32 $0x92800, s11;
	s8 =	sshll.u32 s4, $0xB;
	s14 =	sand.u32 $0x1, s9  }
0x9: {  	s9 =	sadd.s32 $0x11C00, s11;
	s10 =	sadd.s32 $0xE1A00, s11;
	s17 =	smul.u32 $0x50000, s4  }
0xa: {  	s19 =	sshll.u32 s4, $0x6;
	_ =	strace $0x8000004D;
	s13 =	sadd.s32 s8, s11  }
0xb: {  	s8 =	smul.u32 $0x2800, s4;
	s12 =	ssub.s32 $0x2, s14;
	p0 =	seq.s32 s14, $0x1  }
.Ltmp0:
0xc: {  	s19 =	sor.u32 $0x1C01, s19;
	s16 =	sshrl.u32 s12, $0x1;
	(pc) =	sbr.rel .LBB2_1-.Ltmp0, $4  }
0xd: {  	s31 =	sshrl.u32 s17, $0x2;
	s17 =	simm.s32 $0x1;
	s15 =	sadd.s32 s8, s11  }
0xe: {  	s11 =	sadd.s32 $0x131A00, s11;
	s16 =	ssub.s32 s12, s16;
	s12 =	sadd.s32 $0x3C400, s13  }
0xf: {  	s13 =	sadd.s32 $0x9600, s13;
	s20 =	sadd.s32 s31, s2;
	s14 =	sadd.s32 $0xB9A00, s15  }
0x10: {  	s15 =	sadd.s32 $0x109A00, s15;
	s16 =	smax.u32 s16, $0x1;
	s20 =	sshrl.u32 s20, $0x3  }
.LBB2_11:
0x11: {  	s24 =	sshra.s32 s24, $0x2;
	[sflag:s17] =	ssyncadd.s32 $0xFFFFD800  }
0x12: {  	[tilespmem:s22], [sflag:$0x1] =	stream.indirect.gather [hbm4b:s7+s21], $0x80, s24, s21, $0xb8;
	[tilespmem:$0x1E800] =	vst v63  }
0x13: {  	_ =	swait.ge [sflag:s17], $0x2800  }
0x14: {  	[sflag:s17] =	ssyncset.done $0x0  }
0x15: {  	s24 =	sadd.s32 $0x4000, s24;
	[sflag:s17] =	ssyncadd.s32 $0xFFFFD800  }
0x16: {  	[spmem:s2] =	stream.indirect.scatter.add.f32 [tilespmem:s22], [sflag:$0x1], $0x80, s24, s21, $0xb8;
	[tilespmem:$0x1E800] =	vst v63  }
0x17: {  	_ =	swait.ge [sflag:s17], $0x2800  }
0x18: {  	[sflag:s17] =	ssyncset.done $0x0  }
0x19: {  	s24 =	smov.u32 s11;
	[sflag:s17] =	ssyncadd.s32 $0xFFFFD800  }
.LBB2_12:
0x1a: {  	s23 =	sadd.s32 $0x1, s23  }
0x1b: {  	p1 =	sne.s32 s23, s16  }
.Ltmp1:
0x1c: {  	s24 =	sadd.s32 s24, s8;
	[bflag:$0x0] =	sbarrier.arrive $0xFFFF;
	(pc) =	sbr.rel @!p1 .LBB2_13-.Ltmp1, $4  }
0x1d: {  	[hbm:s24], [sflag:s19] =	dma.local [spmem:s20], $0x2800  }
0x1e: {  	_ =	swait.ge [sflag:s17], $0x2800  }
0x1f: {  	[sflag:s17] =	ssyncset.done $0x0  }
0x20: {  	[sflag:s17] =	ssyncadd.s32 $0xFFFFD800  }
.LBB2_1:
0x21: {  	[tilespmem:s3], [sflag:$0x1] =	stream.linear.gather [hbm4b:s12+s3], $0x3E80, $0x38;
	[tilespmem:$0x1E800] =	vst v63  }
0x22: {  	_ =	swait.ge [sflag:s17], $0x3E80  }
0x23: {  	[sflag:s17] =	ssyncset.done $0x0  }
0x24: {  	[sflag:s17] =	ssyncadd.s32 $0xFFFFC180  }
0x25: {  	[tilespmem:s18], [sflag:$0x1] =	stream.linear.gather [hbm4b:s13+s3], $0x3E80, $0x38;
	[tilespmem:$0x1E800] =	vst v63  }
0x26: {  	_ =	swait.ge [sflag:s17], $0x3E80  }
0x27: {  	[sflag:s17] =	ssyncset.done $0x0  }
0x28: {  	[sflag:s17] =	ssyncadd.s32 $0xFFFFC180  }
0x29: {  	[spmem:s20], [sflag:s19] =	dma.local [hbm:s9], $0x2800  }
.Ltmp2:
0x2a: {  	_ =	swait.ge [sflag:s17], $0x2800;
	(pc) =	sbr.rel @!p0 .LBB2_2-.Ltmp2, $4  }
0x2b: {  	[sflag:s17] =	ssyncset.done $0x0  }
0x2c: {  	[sflag:s17] =	ssyncadd.s32 $0xFFFFD800  }
0x2d: {  	[bflag:$0x0] =	sbarrier.arrive $0xFFFF  }
0x2e: {  	s24 =	simm.s32 $0x0  }
0x2f: {  	[tilespmem:s22], [sflag:$0x1] =	stream.indirect.gather [hbm4b:s6+s21], $0x80, s24, s21, $0xb8;
	[tilespmem:$0x1E800] =	vst v63  }
0x30: {  	_ =	swait.ge [sflag:s17], $0x2800  }
0x31: {  	[sflag:s17] =	ssyncset.done $0x0  }
0x32: {  	s31 =	simm.s32 $0x4000;
	[sflag:s17] =	ssyncadd.s32 $0xFFFFD800  }
0x33: {  	[spmem:s2] =	stream.indirect.scatter.add.f32 [tilespmem:s22], [sflag:$0x1], $0x80, s31, s21, $0xb8;
	[tilespmem:$0x1E800] =	vst v63  }
0x34: {  	_ =	swait.ge [sflag:s17], $0x2800  }
0x35: {  	s24 =	simm.s32 $0x200;
	s25 =	simm.s32 $0x400;
	[sflag:s17] =	ssyncset.done $0x0  }
.LBB2_8:
0x36: {  	s26 =	sshra.s32 s24, $0x2  }
0x37: {  	[sflag:s17] =	ssyncadd.s32 $0xFFFFD800;
	s24 =	smov.u32 s25;
	s28 =	sadd.s32 $0x200, s25  }
0x38: {  	[tilespmem:s22], [sflag:$0x1] =	stream.indirect.gather [hbm4b:s6+s21], $0x80, s26, s21, $0xb8;
	[tilespmem:$0x1E800] =	vst v63  }
0x39: {  	p1 =	sne.s32 s25, $0xF800;
	_ =	swait.ge [sflag:s17], $0x2800  }
.Ltmp3:
0x3a: {  	[sflag:s17] =	ssyncset.done $0x0;
	(pc) =	sbr.rel @p1 .LBB2_8-.Ltmp3, $4  }
0x3b: {  	s25 =	sadd.s32 $0x4000, s26;
	[sflag:s17] =	ssyncadd.s32 $0xFFFFD800  }
0x3c: {  	[spmem:s2] =	stream.indirect.scatter.add.f32 [tilespmem:s22], [sflag:$0x1], $0x80, s25, s21, $0xb8;
	[tilespmem:$0x1E800] =	vst v63  }
0x3d: {  	_ =	swait.ge [sflag:s17], $0x2800  }
0x3e: {  	s25 =	smov.u32 s28;
	[sflag:s17] =	ssyncset.done $0x0  }
0x3f: {  	s24 =	sshra.s32 s24, $0x2;
	[sflag:s17] =	ssyncadd.s32 $0xFFFFD800  }
0x40: {  	[tilespmem:s22], [sflag:$0x1] =	stream.indirect.gather [hbm4b:s6+s21], $0x80, s24, s21, $0xb8;
	[tilespmem:$0x1E800] =	vst v63  }
0x41: {  	_ =	swait.ge [sflag:s17], $0x2800  }
0x42: {  	[sflag:s17] =	ssyncset.done $0x0  }
0x43: {  	s24 =	sadd.s32 $0x4000, s24;
	[sflag:s17] =	ssyncadd.s32 $0xFFFFD800  }
0x44: {  	[spmem:s2] =	stream.indirect.scatter.add.f32 [tilespmem:s22], [sflag:$0x1], $0x80, s24, s21, $0xb8;
	[tilespmem:$0x1E800] =	vst v63  }
0x45: {  	_ =	swait.ge [sflag:s17], $0x2800  }
0x46: {  	[sflag:s17] =	ssyncset.done $0x0  }
0x47: {  	[sflag:s17] =	ssyncadd.s32 $0xFFFFD800  }
0x48: {  	[bflag:$0x0] =	sbarrier.arrive $0xFFFF  }
0x49: {  	[hbm:s15], [sflag:s19] =	dma.local [spmem:s20], $0x2800  }
0x4a: {  	_ =	swait.ge [sflag:s17], $0x2800  }
0x4b: {  	[sflag:s17] =	ssyncset.done $0x0  }
0x4c: {  	[sflag:s17] =	ssyncadd.s32 $0xFFFFD800  }
0x4d: {  	[spmem:s20], [sflag:s19] =	dma.local [hbm:s9], $0x2800  }
0x4e: {  	_ =	swait.ge [sflag:s17], $0x2800  }
0x4f: {  	[sflag:s17] =	ssyncset.done $0x0  }
0x50: {  	[sflag:s17] =	ssyncadd.s32 $0xFFFFD800  }
0x51: {  	s30 =	simm.s32 $0x0;
	[bflag:$0x0] =	sbarrier.arrive $0xFFFF  }
0x52: {  	[tilespmem:s22], [sflag:$0x1] =	stream.indirect.gather [hbm4b:s7+s21], $0x80, s30, s21, $0xb8;
	[tilespmem:$0x1E800] =	vst v63  }
0x53: {  	_ =	swait.ge [sflag:s17], $0x2800  }
0x54: {  	[sflag:s17] =	ssyncset.done $0x0  }
0x55: {  	s31 =	simm.s32 $0x4000;
	[sflag:s17] =	ssyncadd.s32 $0xFFFFD800  }
0x56: {  	[spmem:s2] =	stream.indirect.scatter.add.f32 [tilespmem:s22], [sflag:$0x1], $0x80, s31, s21, $0xb8;
	[tilespmem:$0x1E800] =	vst v63  }
0x57: {  	_ =	swait.ge [sflag:s17], $0x2800  }
0x58: {  	s25 =	simm.s32 $0x400;
	s24 =	simm.s32 $0x200;
	[sflag:s17] =	ssyncset.done $0x0  }
.LBB2_10:
0x59: {  	s26 =	sshra.s32 s24, $0x2  }
0x5a: {  	[sflag:s17] =	ssyncadd.s32 $0xFFFFD800;
	s24 =	smov.u32 s25;
	s28 =	sadd.s32 $0x200, s25  }
0x5b: {  	[tilespmem:s22], [sflag:$0x1] =	stream.indirect.gather [hbm4b:s7+s21], $0x80, s26, s21, $0xb8;
	[tilespmem:$0x1E800] =	vst v63  }
0x5c: {  	p1 =	sne.s32 s25, $0xF800;
	_ =	swait.ge [sflag:s17], $0x2800  }
.Ltmp4:
0x5d: {  	[sflag:s17] =	ssyncset.done $0x0;
	(pc) =	sbr.rel @p1 .LBB2_10-.Ltmp4, $4  }
0x5e: {  	s25 =	sadd.s32 $0x4000, s26;
	[sflag:s17] =	ssyncadd.s32 $0xFFFFD800  }
0x5f: {  	[spmem:s2] =	stream.indirect.scatter.add.f32 [tilespmem:s22], [sflag:$0x1], $0x80, s25, s21, $0xb8;
	[tilespmem:$0x1E800] =	vst v63  }
0x60: {  	_ =	swait.ge [sflag:s17], $0x2800  }
0x61: {  	s25 =	smov.u32 s28;
	[sflag:s17] =	ssyncset.done $0x0  }
.Ltmp5:
0x62: {  	_ = 	snop;
	(pc) =	sbr.rel .LBB2_11-.Ltmp5, $1  }
0x63: {  	_ =	sdelay $0x3  }
.LBB2_2:
0x64: {  	[tilespmem:s22], [sflag:$0x1] =	stream.indirect.gather [hbm4b:s1+s21], $0x80, s24, s21, $0xb8;
	[tilespmem:$0x1E800] =	vst v63  }
0x65: {  	_ =	swait.ge [sflag:s17], $0x2800  }
0x66: {  	[sflag:s17] =	ssyncset.done $0x0  }
0x67: {  	s31 =	simm.s32 $0x4000;
	[sflag:s17] =	ssyncadd.s32 $0xFFFFD800  }
0x68: {  	[spmem:s2] =	stream.indirect.scatter.add.f32 [tilespmem:s22], [sflag:$0x1], $0x80, s31, s21, $0xb8;
	[tilespmem:$0x1E800] =	vst v63  }
0x69: {  	_ =	swait.ge [sflag:s17], $0x2800  }
0x6a: {  	s24 =	simm.s32 $0x200;
	s25 =	simm.s32 $0x400;
	[sflag:s17] =	ssyncset.done $0x0  }
.LBB2_3:
0x6b: {  	s26 =	sshra.s32 s24, $0x2  }
0x6c: {  	[sflag:s17] =	ssyncadd.s32 $0xFFFFD800;
	s24 =	smov.u32 s25;
	s28 =	sadd.s32 $0x200, s25  }
0x6d: {  	[tilespmem:s22], [sflag:$0x1] =	stream.indirect.gather [hbm4b:s1+s21], $0x80, s26, s21, $0xb8;
	[tilespmem:$0x1E800] =	vst v63  }
0x6e: {  	p1 =	sne.s32 s25, $0xF800;
	_ =	swait.ge [sflag:s17], $0x2800  }
.Ltmp6:
0x6f: {  	[sflag:s17] =	ssyncset.done $0x0;
	(pc) =	sbr.rel @p1 .LBB2_3-.Ltmp6, $4  }
0x70: {  	s25 =	sadd.s32 $0x4000, s26;
	[sflag:s17] =	ssyncadd.s32 $0xFFFFD800  }
0x71: {  	[spmem:s2] =	stream.indirect.scatter.add.f32 [tilespmem:s22], [sflag:$0x1], $0x80, s25, s21, $0xb8;
	[tilespmem:$0x1E800] =	vst v63  }
0x72: {  	_ =	swait.ge [sflag:s17], $0x2800  }
0x73: {  	s25 =	smov.u32 s28;
	[sflag:s17] =	ssyncset.done $0x0  }
0x74: {  	s24 =	sshra.s32 s24, $0x2;
	[sflag:s17] =	ssyncadd.s32 $0xFFFFD800  }
0x75: {  	[tilespmem:s22], [sflag:$0x1] =	stream.indirect.gather [hbm4b:s1+s21], $0x80, s24, s21, $0xb8;
	[tilespmem:$0x1E800] =	vst v63  }
0x76: {  	_ =	swait.ge [sflag:s17], $0x2800  }
0x77: {  	[sflag:s17] =	ssyncset.done $0x0  }
0x78: {  	s24 =	sadd.s32 $0x4000, s24;
	[sflag:s17] =	ssyncadd.s32 $0xFFFFD800  }
0x79: {  	[spmem:s2] =	stream.indirect.scatter.add.f32 [tilespmem:s22], [sflag:$0x1], $0x80, s24, s21, $0xb8;
	[tilespmem:$0x1E800] =	vst v63  }
0x7a: {  	_ =	swait.ge [sflag:s17], $0x2800  }
0x7b: {  	[sflag:s17] =	ssyncset.done $0x0  }
0x7c: {  	[sflag:s17] =	ssyncadd.s32 $0xFFFFD800  }
0x7d: {  	[bflag:$0x0] =	sbarrier.arrive $0xFFFF  }
0x7e: {  	[hbm:s14], [sflag:s19] =	dma.local [spmem:s20], $0x2800  }
0x7f: {  	_ =	swait.ge [sflag:s17], $0x2800  }
0x80: {  	[sflag:s17] =	ssyncset.done $0x0  }
0x81: {  	[sflag:s17] =	ssyncadd.s32 $0xFFFFD800  }
0x82: {  	[spmem:s20], [sflag:s19] =	dma.local [hbm:s9], $0x2800  }
0x83: {  	_ =	swait.ge [sflag:s17], $0x2800  }
0x84: {  	[sflag:s17] =	ssyncset.done $0x0  }
0x85: {  	[sflag:s17] =	ssyncadd.s32 $0xFFFFD800  }
0x86: {  	s30 =	simm.s32 $0x0;
	[bflag:$0x0] =	sbarrier.arrive $0xFFFF  }
0x87: {  	[tilespmem:s22], [sflag:$0x1] =	stream.indirect.gather [hbm4b:s5+s21], $0x80, s30, s21, $0xb8;
	[tilespmem:$0x1E800] =	vst v63  }
0x88: {  	_ =	swait.ge [sflag:s17], $0x2800  }
0x89: {  	[sflag:s17] =	ssyncset.done $0x0  }
0x8a: {  	s31 =	simm.s32 $0x4000;
	[sflag:s17] =	ssyncadd.s32 $0xFFFFD800  }
0x8b: {  	[spmem:s2] =	stream.indirect.scatter.add.f32 [tilespmem:s22], [sflag:$0x1], $0x80, s31, s21, $0xb8;
	[tilespmem:$0x1E800] =	vst v63  }
0x8c: {  	_ =	swait.ge [sflag:s17], $0x2800  }
0x8d: {  	s25 =	simm.s32 $0x400;
	s24 =	simm.s32 $0x200;
	[sflag:s17] =	ssyncset.done $0x0  }
.LBB2_5:
0x8e: {  	s26 =	sshra.s32 s24, $0x2  }
0x8f: {  	[sflag:s17] =	ssyncadd.s32 $0xFFFFD800;
	s24 =	smov.u32 s25;
	s28 =	sadd.s32 $0x200, s25  }
0x90: {  	[tilespmem:s22], [sflag:$0x1] =	stream.indirect.gather [hbm4b:s5+s21], $0x80, s26, s21, $0xb8;
	[tilespmem:$0x1E800] =	vst v63  }
0x91: {  	p1 =	seq.s32 s25, $0xF800;
	_ =	swait.ge [sflag:s17], $0x2800  }
.Ltmp7:
0x92: {  	[sflag:s17] =	ssyncset.done $0x0;
	(pc) =	sbr.rel @!p1 .LBB2_5-.Ltmp7, $4  }
0x93: {  	s25 =	sadd.s32 $0x4000, s26;
	[sflag:s17] =	ssyncadd.s32 $0xFFFFD800  }
0x94: {  	[spmem:s2] =	stream.indirect.scatter.add.f32 [tilespmem:s22], [sflag:$0x1], $0x80, s25, s21, $0xb8;
	[tilespmem:$0x1E800] =	vst v63  }
0x95: {  	_ =	swait.ge [sflag:s17], $0x2800  }
0x96: {  	s25 =	smov.u32 s28;
	[sflag:s17] =	ssyncset.done $0x0  }
0x97: {  	s24 =	sshra.s32 s24, $0x2;
	[sflag:s17] =	ssyncadd.s32 $0xFFFFD800  }
0x98: {  	[tilespmem:s22], [sflag:$0x1] =	stream.indirect.gather [hbm4b:s5+s21], $0x80, s24, s21, $0xb8;
	[tilespmem:$0x1E800] =	vst v63  }
0x99: {  	_ =	swait.ge [sflag:s17], $0x2800  }
0x9a: {  	[sflag:s17] =	ssyncset.done $0x0  }
.Ltmp8:
0x9b: {  	s24 =	sadd.s32 $0x4000, s24;
	[sflag:s17] =	ssyncadd.s32 $0xFFFFD800;
	(pc) =	sbr.rel .LBB2_12-.Ltmp8, $4  }
0x9c: {  	[spmem:s2] =	stream.indirect.scatter.add.f32 [tilespmem:s22], [sflag:$0x1], $0x80, s24, s21, $0xb8;
	[tilespmem:$0x1E800] =	vst v63  }
0x9d: {  	_ =	swait.ge [sflag:s17], $0x2800  }
0x9e: {  	[sflag:s17] =	ssyncset.done $0x0  }
0x9f: {  	s24 =	smov.u32 s10;
	[sflag:s17] =	ssyncadd.s32 $0xFFFFD800  }
.LBB2_13:
0xa0: {  	_ =	sfence.sel $0x180000  }
0xa1: {  	[bflag:$0x0] =	sbarrier.arrive $0xFFFF  }
0xa2: {  	p0 =	sne.s32 s4, $0x0;
	_ =	strace $0x9000004D  }
0xa3: {  	s0 =	sadd.s32 @!p0 $0x100000, s0;
	[bflag:$0x2] =	sbarrier.arrive $0xFFFF  }
0xa4: {  	[sflag:s0] =	ssyncadd.tile.s32 @!p0 $0x1;
	_ =	shalt  }
.Lfunc_end2:
_tile_overlayer_lowered:
.L_overlay_start_2:
0xa5: {  	(tag) =	ssettag $0x2  }
0xa6: {  	s0 =	rddreg [dreg:$0x0];
	s2 =	stileid.u32  }
0xa7: {  	s1 =	rddreg [dreg:$0x1];
	p0 =	sne.s32 s2, $0x0  }
0xa8: {  	s3 =	rddreg [dreg:$0x2];
	[bflag:$0x3] =	sbarrier.arrive $0xFFFF;
	s2 =	simm.s32 @!p0 $0x1C01  }
0xa9: {  	[timem:s3], [sflag:s2] =	dma.local @!p0 [hbm:s0], s1  }
0xaa: {  	s0 =	simm.s32 @!p0 $0x1  }
0xab: {  	_ =	swait.ge @!p0 [sflag:s0], s1  }
0xac: {  	s1 =	ssub.s32 @!p0 $0x0, s1;
	[sflag:s0] =	ssyncset.done @!p0 $0x0  }
0xad: {  	[sflag:s0] =	ssyncadd.s32 @!p0 s1  }
0xae: {  	[bflag:$0x3] =	sbarrier.arrive $0xFFFF  }
0xaf: {  	_ =	shalt  }

// kernel: kernel.24.cloned.1.call-start
scs
__scs_entry_jumppad:
0x0: {  	(pc) =	sbr.rel $0x88, $3  }
0x1: {  	(tag) =	ssettag $0x0;
	lr =	simm.s32 $0x1  }
0x2: {  	[smem:$0x3F8B] =	sst lr;
	_ =	strace $0xD0000000  }
0x3: {  	_ = 	snop  }
0x4: {  	_ = 	snop  }
0x5: {  	_ = 	snop  }
0x6: {  	_ = 	snop  }
0x7: {  	_ = 	snop  }
__scs_overlays_trampoline_lowered:
0x8: {  	[smem:$0x3F9A] =	sst s0  }
0x9: {  	[smem:$0x3F9B] =	sst s1  }
0xa: {  	[smem:$0x3F9C] =	sst s2  }
0xb: {  	[smem:$0x3F9D] =	sst s3  }
0xc: {  	[smem:$0x3F9E] =	sst s4  }
0xd: {  	[smem:$0x3F9F] =	sst s5  }
0xe: {  	[smem:$0x3FA0] =	sst s6  }
0xf: {  	[smem:$0x3FA1] =	sst s7  }
0x10: {  	[smem:$0x3FA2] =	sst s8  }
0x11: {  	[smem:$0x3FA3] =	sst s9;
	s0 =	simm.s32 @!p0 $0x0  }
0x12: {  	s1 =	sld [smem:$0x3F89];
	s0 =	simm.s32 @p0 $0x1  }
0x13: {  	[smem:$0x3FA4] =	sst s0;
	s0 =	simm.s32 @!p1 $0x0  }
0x14: {  	s2 =	sld [smem:$0x3F88];
	s0 =	simm.s32 @p1 $0x1  }
0x15: {  	[smem:$0x3FA5] =	sst s0;
	s0 =	simm.s32 @!p2 $0x0  }
0x16: {  	s3 =	sld [smem:$0x3FDB];
	s0 =	simm.s32 @p2 $0x1  }
0x17: {  	s4 =	simm.s32 $0x1BF5;
	[smem:$0x3FA7] =	sst s0  }
0x18: {  	s0 =	sld [smem:$0x3F8A];
	_ =	swait.ge [sflag:s4], $0x0  }
0x19: {  	s7 =	sld [smem:$0x3F8B]  }
0x1a: {  	s8 =	sadd.s32 $0xFFFFE003, lr  }
0x1b: {  	s9 =	sadd.s32 $0xFFFFFEF7, lr;
	s5 =	simm.s32 $0xFFFFFFFF;
	p2 =	slt.u32 s8, $0xFFFFF086  }
0x1c: {  	p1 =	slt.u32 s9, $0xF7A;
	s5 =	simm.s32 @!p2 $0x0  }
0x1d: {  	s5 =	simm.s32 @p1 $0x1;
	p0 =	seq.s32 s7, s2  }
0x1e: {  	s7 =	smul.u32 @!p0 $0xF7A, s2;
	p2 =	seq.s32 @!p0 s5, $0x0  }
0x1f: {  	s9 =	smul.u32 $0xF7A, s1;
	s8 =	simm.s32 @!p0 $0x1BF5;
	p2 =	por !p2, p0  }
0x20: {  	[sflag:s8] =	ssyncset.s32 @!p0 $0xFFFFF086;
	s6 =	sadd.s32 @!p0 s3, s7;
	s7 =	simm.s32 @!p0 $0x108  }
0x21: {  	s3 =	sadd.s32 s3, s9;
	s6 =	sadd.s32 @!p0 $0x88, s6;
	s7 =	simm.s32 @p2 $0x1082  }
0x22: {  	[simem:s7], [sflag:s8] =	dma.local @!p0 [hbm:s6], $0xF7A  }
0x23: {  	s9 =	sor.u32 $0xD0000000, s2;
	s6 =	simm.s32 $0x108;
	_ =	swait.ge @!p0 [sflag:s8], $0x0  }
0x24: {  	s3 =	sadd.s32 $0x88, s3;
	s6 =	simm.s32 @!p1 $0x1082;
	[sflag:s4] =	ssyncset.s32 $0xFFFFF086  }
0x25: {  	[simem:s6], [sflag:s4] =	dma.local [hbm:s3], $0xF7A  }
0x26: {  	[smem:$0x3F8B] =	sst s1;
	(tag) =	ssettag s2;
	_ =	strace s9  }
0x27: {  	s1 =	sld [smem:$0x3F9B]  }
0x28: {  	s2 =	sld [smem:$0x3F9C]  }
0x29: {  	s4 =	sld [smem:$0x3F9E]  }
0x2a: {  	p0 =	seq.s32 s5, $0x0;
	s5 =	sld [smem:$0x3F9F]  }
0x2b: {  	s6 =	sld [smem:$0x3FA0]  }
0x2c: {  	s7 =	sld [smem:$0x3FA1]  }
0x2d: {  	s3 =	simm.s32 $0x108;
	s8 =	sld [smem:$0x3FA2]  }
0x2e: {  	s3 =	simm.s32 @!p0 $0x1082;
	s9 =	sld [smem:$0x3FA3]  }
0x2f: {  	lr =	sadd.s32 s0, s3;
	s0 =	sld [smem:$0x3F9A]  }
0x30: {  	s3 =	sld [smem:$0x3F9D]  }
0x31: {  	[smem:$0x3FA6] =	sst s10  }
0x32: {  	s10 =	sld [smem:$0x3FA4];
	_ =	sdelay $0x3  }
0x33: {  	p0 =	seq.s32 s10, $0x1;
	s10 =	sld [smem:$0x3FA6];
	_ =	sdelay $0x3  }
0x34: {  	[smem:$0x3FA6] =	sst s10  }
0x35: {  	s10 =	sld [smem:$0x3FA5];
	_ =	sdelay $0x3  }
0x36: {  	p1 =	seq.s32 s10, $0x1;
	s10 =	sld [smem:$0x3FA6];
	_ =	sdelay $0x3  }
0x37: {  	[smem:$0x3FA6] =	sst s10  }
0x38: {  	s10 =	sld [smem:$0x3FA7]  }
0x39: {  	_ = 	snop;
	(pc) =	sbr.ind lr, $3  }
0x3a: {  	_ = 	snop  }
0x3b: {  	_ = 	snop  }
0x3c: {  	p2 =	seq.s32 s10, $0x1;
	s10 =	sld [smem:$0x3FA6]  }
0x3d: {  	_ =	shalt  }
0x3e: {  	_ =	shalt  }
0x3f: {  	_ =	shalt  }
0x40: {  	_ =	shalt  }
0x41: {  	_ =	shalt  }
0x42: {  	_ =	shalt  }
0x43: {  	_ =	shalt  }
0x44: {  	_ =	shalt  }
0x45: {  	_ =	shalt  }
0x46: {  	_ =	shalt  }
0x47: {  	_ =	shalt  }
0x48: {  	_ =	shalt  }
0x49: {  	_ =	shalt  }
0x4a: {  	_ =	shalt  }
0x4b: {  	_ =	shalt  }
0x4c: {  	_ =	shalt  }
0x4d: {  	_ =	shalt  }
0x4e: {  	_ =	shalt  }
0x4f: {  	_ =	shalt  }
0x50: {  	_ =	shalt  }
0x51: {  	_ =	shalt  }
0x52: {  	_ =	shalt  }
0x53: {  	_ =	shalt  }
0x54: {  	_ =	shalt  }
0x55: {  	_ =	shalt  }
0x56: {  	_ =	shalt  }
0x57: {  	_ =	shalt  }
0x58: {  	_ =	shalt  }
0x59: {  	_ =	shalt  }
0x5a: {  	_ =	shalt  }
0x5b: {  	_ =	shalt  }
0x5c: {  	_ =	shalt  }
0x5d: {  	_ =	shalt  }
0x5e: {  	_ =	shalt  }
0x5f: {  	_ =	shalt  }
0x60: {  	_ =	shalt  }
0x61: {  	_ =	shalt  }
0x62: {  	_ =	shalt  }
0x63: {  	_ =	shalt  }
0x64: {  	_ =	shalt  }
0x65: {  	_ =	shalt  }
0x66: {  	_ =	shalt  }
0x67: {  	_ =	shalt  }
0x68: {  	_ =	shalt  }
0x69: {  	_ =	shalt  }
0x6a: {  	_ =	shalt  }
0x6b: {  	_ =	shalt  }
0x6c: {  	_ =	shalt  }
0x6d: {  	_ =	shalt  }
0x6e: {  	_ =	shalt  }
0x6f: {  	_ =	shalt  }
0x70: {  	_ =	shalt  }
0x71: {  	_ =	shalt  }
0x72: {  	_ =	shalt  }
0x73: {  	_ =	shalt  }
0x74: {  	_ =	shalt  }
0x75: {  	_ =	shalt  }
0x76: {  	_ =	shalt  }
0x77: {  	_ =	shalt  }
0x78: {  	_ =	shalt  }
0x79: {  	_ =	shalt  }
0x7a: {  	_ =	shalt  }
0x7b: {  	_ =	shalt  }
0x7c: {  	_ =	shalt  }
0x7d: {  	_ =	shalt  }
0x7e: {  	_ =	shalt  }
0x7f: {  	_ =	shalt  }
0x80: {  	_ =	shalt  }
0x81: {  	_ =	shalt  }
0x82: {  	_ =	shalt  }
0x83: {  	_ =	shalt  }
0x84: {  	_ =	shalt  }
0x85: {  	_ =	shalt  }
0x86: {  	_ =	shalt  }
0x87: {  	_ =	shalt  }
.Lfunc_end0:
.L_simem_size_0:
called_computation.3_lowered:
.L_overlay_start_0:
0x88: {  	s2 =	sld [smem:$0x3FD9]  }
0x89: {  	s3 =	sld [smem:$0x3FFE];
	_ =	sdelay $0x1  }
0x8a: {  	s1 =	srdreg.scid  }
0x8b: {  	s0 =	sand.u32 $0x1, s1  }
0x8c: {  	s17 =	sshll.u32 s0, $0xA;
	s2 =	sadd.s32 s3, s2  }
0x8d: {  	s2 =	sadd.s32 s2, s17  }
0x8e: {  	[smem:$0x3FB2] =	sst s2  }
0x8f: {  	_ = 	snop  }
0x90: {  	s2 =	sld [smem:$0x3FD0];
	(tm) =	ssettm $0x1  }
0x91: {  	s18 =	sld [smem:$0x3FFB];
	_ =	sdelay $0x3  }
0x92: {  	_ =	strace s18  }
0x93: {  	s3 =	sld [smem:$0x3FFC];
	_ =	sdelay $0x3  }
0x94: {  	_ =	strace s3  }
0x95: {  	s3 =	sld [smem:$0x3FFD];
	_ =	sdelay $0x3  }
0x96: {  	_ =	strace s3  }
0x97: {  	_ =	strace $0x8FFFFFFF  }
0x98: {  	s19 =	sld [smem:$0x3FDB];
	_ =	sdelay $0x1  }
0x99: {  	s4 =	simm.s32 $_scs_section_size  }
0x9a: {  	s5 =	simm.s32 $_size__tile_overlayer_lowered;
	s6 =	simm.s32 $_tile_overlayer_lowered  }
0x9b: {  	s22 =	simm.s32 $0x1BFF;
	s21 =	sshll.u32 s6, $0x1;
	s3 =	sadd.s32 s4, s19  }
0x9c: {  	s7 =	simm.s32 $0x0;
	s20 =	sshll.u32 s5, $0x1;
	s5 =	sadd.s32 s21, s3  }
0x9d: {  	[timem:s7], [sflag:s22] =	dma.local [hbm:s5], s20  }
0x9e: {  	_ =	swait.ge [sflag:s22], s20  }
0x9f: {  	s4 =	ssub.s32 $0x0, s20;
	[sflag:s22] =	ssyncset.done $0x0  }
0xa0: {  	[sflag:s22] =	ssyncadd.s32 s4;
	_ =	sdelay $0x1  }
0xa1: {  	s23 =	simm.s32 $0x1B8B  }
0xa2: {  	_ =	swait.ge [sflag:s23], $0x1  }
0xa3: {  	[sflag:s23] =	ssyncset.done $0x0  }
0xa4: {  	s25 =	simm.s32 $0x1B8E;
	s24 =	sld [smem:$0x3FFE];
	[sflag:s23] =	ssyncadd.s32 $0xFFFFFFFF  }
0xa5: {  	s26 =	simm.s32 $execute0_lowered;
	[smem:$0x3FD2] =	sst s25  }
0xa6: {  	s5 =	sshll.u32 s26, $0x1;
	_ =	strace $0x8000004F;
	[dreg:$0x1] =	wrdreg $0xFFFFFFFF  }
0xa7: {  	s28 =	simm.s32 $_size_execute0_lowered;
	s3 =	sadd.s32 s3, s5;
	[dreg:$0x0] =	wrdreg $0x0  }
0xa8: {  	s5 =	sshll.u32 s28, $0x1;
	[dreg:$0x2] =	wrdreg s3  }
0xa9: {  	[dreg:$0x3] =	wrdreg s5  }
0xaa: {  	[dreg:$0x4] =	wrdreg $0xC0  }
0xab: {  	_ =	task [dreg:s7], $0x5FFFF  }
0xac: {  	[dreg:$0x1] =	wrdreg $0xFFFFFFFF  }
0xad: {  	[dreg:$0x0] =	wrdreg $0x60  }
0xae: {  	[dreg:$0x2] =	wrdreg s24  }
0xaf: {  	[dreg:$0x3] =	wrdreg s2  }
0xb0: {  	[dreg:$0x4] =	wrdreg $0xA8000  }
0xb1: {  	[dreg:$0x5] =	wrdreg $0x9  }
0xb2: {  	_ =	task.clear_ibuf [dreg:s7], $0x6FFFF;
	_ =	strace $0x9000004F  }
0xb3: {  	s29 =	simm.s32 $0x9;
	_ =	strace $0x80000051  }
0xb4: {  	_ =	swait.ge [sflag:s29], $0x1  }
0xb5: {  	[sflag:s29] =	ssyncadd.s32 $0xFFFFFFFF  }
0xb6: {  	_ =	strace $0x90000051  }
0xb7: {  	_ =	sfence  }
0xb8: {  	s30 =	sld [smem:$0x0];
	_ =	sdelay $0x2  }
0xb9: {  	s31 =	sshll.u32 s1, $0xD;
	s1 =	sshrl.u32 s1, $0x2  }
0xba: {  	s3 =	sand.u32 $0x4000, s31;
	s1 =	sadd.s32 s1, s30  }
0xbb: {  	s0 =	sor.u32 s3, s0;
	s1 =	sshll.u32 s1, $0x11  }
0xbc: {  	s0 =	sor.u32 s1, s0  }
0xbd: {  	s0 =	sadd.s32 $0x8F2B, s0  }
0xbe: {  	[sflag:s0] =	ssyncadd.remote.s32 $0x1  }
0xbf: {  	_ =	sfence.sel $0xFFFF  }
0xc0: {  	[dreg:$0x0] =	wrdreg $0xFFFFFFFF;
	(pc) =	sbr.abs _section_cstart, $3  }
0xc1: {  	[dreg:$0x1] =	wrdreg $0xFFFFFFFF  }
0xc2: {  	_ =	task.clear_ibuf [dreg:s7], $0x2FFFF;
	_ =	strace $0x9FFFFFFF  }
0xc3: {  	(tm) =	ssettm $0x7FFFFFFF  }
tec
execute0_lowered:
.L_overlay_start_1:
0x0: {  	(tag) =	ssettag $0x1  }
0x1: {  	s8 =	rddreg [dreg:$0x0]  }
0x2: {  	s1 =	rddreg [dreg:$0x1]  }
0x3: {  	s2 =	rddreg [dreg:$0x2]  }
0x4: {  	s0 =	rddreg [dreg:$0x3];
	s3 =	simm.s32 $0x0;
	s6 =	srdreg.scid  }
0x5: {  	s4 =	stileid.u32;
	s14 =	simm.s32 $0x4000;
	s17 =	simm.s32 $0x50  }
0x6: {  	s18 =	simm.s32 $0x8000;
	s19 =	simm.s32 $0x0;
	[smem:$0x7FF] =	sst s3  }
0x7: {  	s5 =	sadd.s32 $0x44400, s8;
	s11 =	sand.u32 $0x1, s6;
	s6 =	sadd.s32 $0x6B600, s8  }
0x8: {  	s7 =	sshll.u32 s4, $0xB;
	s13 =	smul.u32 $0x50000, s4;
	s15 =	sshll.u32 s4, $0x6  }
0x9: {  	_ =	strace $0x80000050;
	s9 =	ssub.s32 $0x2, s11;
	s10 =	sadd.s32 s7, s8  }
.Ltmp0:
0xa: {  	s7 =	sadd.s32 $0x11C00, s8;
	s8 =	sadd.s32 $0x92800, s8;
	(pc) =	sbr.rel .LBB2_1-.Ltmp0, $4  }
0xb: {  	p0 =	seq.s32 s11, $0x1;
	s11 =	smul.u32 $0x2800, s4;
	s12 =	sshrl.u32 s9, $0x1  }
0xc: {  	s15 =	sor.u32 $0x1C01, s15;
	s13 =	sshrl.u32 s13, $0x2;
	s12 =	ssub.s32 s9, s12  }
0xd: {  	s9 =	sadd.s32 $0x3C400, s10;
	s10 =	sadd.s32 $0x9600, s10;
	s16 =	sadd.s32 s13, s2  }
0xe: {  	s13 =	simm.s32 $0x1;
	s12 =	smax.u32 s12, $0x1;
	s16 =	sshrl.u32 s16, $0x3  }
.LBB2_7:
0xf: {  	s20 =	sshra.s32 s20, $0x2;
	[sflag:s13] =	ssyncadd.s32 $0xFFFFD800  }
0x10: {  	[tilespmem:s18], [sflag:$0x1] =	stream.indirect.gather [hbm4b:s6+s17], $0x80, s20, s17, $0xb8;
	[tilespmem:$0x1E800] =	vst v63  }
0x11: {  	_ =	swait.ge [sflag:s13], $0x2800  }
0x12: {  	[sflag:s13] =	ssyncset.done $0x0  }
0x13: {  	s20 =	sadd.s32 $0x4000, s20;
	[sflag:s13] =	ssyncadd.s32 $0xFFFFD800  }
0x14: {  	[spmem:s2] =	stream.indirect.scatter.add.f32 [tilespmem:s18], [sflag:$0x1], $0x80, s20, s17, $0xb8;
	[tilespmem:$0x1E800] =	vst v63  }
0x15: {  	_ =	swait.ge [sflag:s13], $0x2800  }
0x16: {  	[sflag:s13] =	ssyncset.done $0x0  }
0x17: {  	s20 =	smov.u32 s8;
	[sflag:s13] =	ssyncadd.s32 $0xFFFFD800  }
.LBB2_8:
0x18: {  	s19 =	sadd.s32 $0x1, s19  }
0x19: {  	p1 =	sne.s32 s19, s12  }
.Ltmp1:
0x1a: {  	s20 =	sadd.s32 s20, s11;
	[bflag:$0x0] =	sbarrier.arrive $0xFFFF;
	(pc) =	sbr.rel @!p1 .LBB2_9-.Ltmp1, $4  }
0x1b: {  	[hbm:s20], [sflag:s15] =	dma.local [spmem:s16], $0x2800  }
0x1c: {  	_ =	swait.ge [sflag:s13], $0x2800  }
0x1d: {  	[sflag:s13] =	ssyncset.done $0x0  }
0x1e: {  	[sflag:s13] =	ssyncadd.s32 $0xFFFFD800  }
.LBB2_1:
0x1f: {  	[tilespmem:s3], [sflag:$0x1] =	stream.linear.gather [hbm4b:s9+s3], $0x3E80, $0x38;
	[tilespmem:$0x1E800] =	vst v63  }
0x20: {  	_ =	swait.ge [sflag:s13], $0x3E80  }
0x21: {  	[sflag:s13] =	ssyncset.done $0x0  }
0x22: {  	[sflag:s13] =	ssyncadd.s32 $0xFFFFC180  }
0x23: {  	[tilespmem:s14], [sflag:$0x1] =	stream.linear.gather [hbm4b:s10+s3], $0x3E80, $0x38;
	[tilespmem:$0x1E800] =	vst v63  }
0x24: {  	_ =	swait.ge [sflag:s13], $0x3E80  }
0x25: {  	[sflag:s13] =	ssyncset.done $0x0  }
0x26: {  	[sflag:s13] =	ssyncadd.s32 $0xFFFFC180  }
0x27: {  	[spmem:s16], [sflag:s15] =	dma.local [hbm:s7], $0x2800  }
.Ltmp2:
0x28: {  	_ =	swait.ge [sflag:s13], $0x2800;
	(pc) =	sbr.rel @!p0 .LBB2_2-.Ltmp2, $4  }
0x29: {  	[sflag:s13] =	ssyncset.done $0x0  }
0x2a: {  	[sflag:s13] =	ssyncadd.s32 $0xFFFFD800  }
0x2b: {  	[bflag:$0x0] =	sbarrier.arrive $0xFFFF  }
0x2c: {  	s20 =	simm.s32 $0x0  }
0x2d: {  	[tilespmem:s18], [sflag:$0x1] =	stream.indirect.gather [hbm4b:s6+s17], $0x80, s20, s17, $0xb8;
	[tilespmem:$0x1E800] =	vst v63  }
0x2e: {  	_ =	swait.ge [sflag:s13], $0x2800  }
0x2f: {  	[sflag:s13] =	ssyncset.done $0x0  }
0x30: {  	s31 =	simm.s32 $0x4000;
	[sflag:s13] =	ssyncadd.s32 $0xFFFFD800  }
0x31: {  	[spmem:s2] =	stream.indirect.scatter.add.f32 [tilespmem:s18], [sflag:$0x1], $0x80, s31, s17, $0xb8;
	[tilespmem:$0x1E800] =	vst v63  }
0x32: {  	_ =	swait.ge [sflag:s13], $0x2800  }
0x33: {  	s20 =	simm.s32 $0x200;
	s21 =	simm.s32 $0x400;
	[sflag:s13] =	ssyncset.done $0x0  }
.LBB2_6:
0x34: {  	s22 =	sshra.s32 s20, $0x2  }
0x35: {  	[sflag:s13] =	ssyncadd.s32 $0xFFFFD800;
	s20 =	smov.u32 s21;
	s23 =	sadd.s32 $0x200, s21  }
0x36: {  	[tilespmem:s18], [sflag:$0x1] =	stream.indirect.gather [hbm4b:s6+s17], $0x80, s22, s17, $0xb8;
	[tilespmem:$0x1E800] =	vst v63  }
0x37: {  	p1 =	sne.s32 s21, $0xF800;
	_ =	swait.ge [sflag:s13], $0x2800  }
.Ltmp3:
0x38: {  	[sflag:s13] =	ssyncset.done $0x0;
	(pc) =	sbr.rel @p1 .LBB2_6-.Ltmp3, $4  }
0x39: {  	s21 =	sadd.s32 $0x4000, s22;
	[sflag:s13] =	ssyncadd.s32 $0xFFFFD800  }
0x3a: {  	[spmem:s2] =	stream.indirect.scatter.add.f32 [tilespmem:s18], [sflag:$0x1], $0x80, s21, s17, $0xb8;
	[tilespmem:$0x1E800] =	vst v63  }
0x3b: {  	_ =	swait.ge [sflag:s13], $0x2800  }
0x3c: {  	s21 =	smov.u32 s23;
	[sflag:s13] =	ssyncset.done $0x0  }
.Ltmp4:
0x3d: {  	_ = 	snop;
	(pc) =	sbr.rel .LBB2_7-.Ltmp4, $1  }
0x3e: {  	_ =	sdelay $0x3  }
.LBB2_2:
0x3f: {  	[tilespmem:s18], [sflag:$0x1] =	stream.indirect.gather [hbm4b:s5+s17], $0x80, s20, s17, $0xb8;
	[tilespmem:$0x1E800] =	vst v63  }
0x40: {  	_ =	swait.ge [sflag:s13], $0x2800  }
0x41: {  	[sflag:s13] =	ssyncset.done $0x0  }
0x42: {  	s31 =	simm.s32 $0x4000;
	[sflag:s13] =	ssyncadd.s32 $0xFFFFD800  }
0x43: {  	[spmem:s2] =	stream.indirect.scatter.add.f32 [tilespmem:s18], [sflag:$0x1], $0x80, s31, s17, $0xb8;
	[tilespmem:$0x1E800] =	vst v63  }
0x44: {  	_ =	swait.ge [sflag:s13], $0x2800  }
0x45: {  	s20 =	simm.s32 $0x200;
	s21 =	simm.s32 $0x400;
	[sflag:s13] =	ssyncset.done $0x0  }
.LBB2_3:
0x46: {  	s22 =	sshra.s32 s20, $0x2  }
0x47: {  	[sflag:s13] =	ssyncadd.s32 $0xFFFFD800;
	s20 =	smov.u32 s21;
	s23 =	sadd.s32 $0x200, s21  }
0x48: {  	[tilespmem:s18], [sflag:$0x1] =	stream.indirect.gather [hbm4b:s5+s17], $0x80, s22, s17, $0xb8;
	[tilespmem:$0x1E800] =	vst v63  }
0x49: {  	p1 =	seq.s32 s21, $0xF800;
	_ =	swait.ge [sflag:s13], $0x2800  }
.Ltmp5:
0x4a: {  	[sflag:s13] =	ssyncset.done $0x0;
	(pc) =	sbr.rel @!p1 .LBB2_3-.Ltmp5, $4  }
0x4b: {  	s21 =	sadd.s32 $0x4000, s22;
	[sflag:s13] =	ssyncadd.s32 $0xFFFFD800  }
0x4c: {  	[spmem:s2] =	stream.indirect.scatter.add.f32 [tilespmem:s18], [sflag:$0x1], $0x80, s21, s17, $0xb8;
	[tilespmem:$0x1E800] =	vst v63  }
0x4d: {  	_ =	swait.ge [sflag:s13], $0x2800  }
0x4e: {  	s21 =	smov.u32 s23;
	[sflag:s13] =	ssyncset.done $0x0  }
0x4f: {  	s20 =	sshra.s32 s20, $0x2;
	[sflag:s13] =	ssyncadd.s32 $0xFFFFD800  }
0x50: {  	[tilespmem:s18], [sflag:$0x1] =	stream.indirect.gather [hbm4b:s5+s17], $0x80, s20, s17, $0xb8;
	[tilespmem:$0x1E800] =	vst v63  }
0x51: {  	_ =	swait.ge [sflag:s13], $0x2800  }
0x52: {  	[sflag:s13] =	ssyncset.done $0x0  }
.Ltmp6:
0x53: {  	s20 =	sadd.s32 $0x4000, s20;
	[sflag:s13] =	ssyncadd.s32 $0xFFFFD800;
	(pc) =	sbr.rel .LBB2_8-.Ltmp6, $4  }
0x54: {  	[spmem:s2] =	stream.indirect.scatter.add.f32 [tilespmem:s18], [sflag:$0x1], $0x80, s20, s17, $0xb8;
	[tilespmem:$0x1E800] =	vst v63  }
0x55: {  	_ =	swait.ge [sflag:s13], $0x2800  }
0x56: {  	[sflag:s13] =	ssyncset.done $0x0  }
0x57: {  	s20 =	smov.u32 s1;
	[sflag:s13] =	ssyncadd.s32 $0xFFFFD800  }
.LBB2_9:
0x58: {  	_ =	sfence.sel $0x180000  }
0x59: {  	[bflag:$0x0] =	sbarrier.arrive $0xFFFF  }
0x5a: {  	p0 =	sne.s32 s4, $0x0;
	_ =	strace $0x90000050  }
0x5b: {  	s0 =	sadd.s32 @!p0 $0x100000, s0;
	[bflag:$0x2] =	sbarrier.arrive $0xFFFF  }
0x5c: {  	[sflag:s0] =	ssyncadd.tile.s32 @!p0 $0x1;
	_ =	shalt  }
.Lfunc_end2:
_tile_overlayer_lowered:
.L_overlay_start_2:
0x5d: {  	(tag) =	ssettag $0x2  }
0x5e: {  	s0 =	rddreg [dreg:$0x0];
	s2 =	stileid.u32  }
0x5f: {  	s1 =	rddreg [dreg:$0x1];
	p0 =	sne.s32 s2, $0x0  }
0x60: {  	s3 =	rddreg [dreg:$0x2];
	[bflag:$0x3] =	sbarrier.arrive $0xFFFF;
	s2 =	simm.s32 @!p0 $0x1C01  }
0x61: {  	[timem:s3], [sflag:s2] =	dma.local @!p0 [hbm:s0], s1  }
0x62: {  	s0 =	simm.s32 @!p0 $0x1  }
0x63: {  	_ =	swait.ge @!p0 [sflag:s0], s1  }
0x64: {  	s1 =	ssub.s32 @!p0 $0x0, s1;
	[sflag:s0] =	ssyncset.done @!p0 $0x0  }
0x65: {  	[sflag:s0] =	ssyncadd.s32 @!p0 s1  }
0x66: {  	[bflag:$0x3] =	sbarrier.arrive $0xFFFF  }
0x67: {  	_ =	shalt  }

// kernel: kernel.27.cloned.1.call-start
scs
__scs_entry_jumppad:
0x0: {  	(pc) =	sbr.rel $0x88, $3  }
0x1: {  	(tag) =	ssettag $0x0;
	lr =	simm.s32 $0x1  }
0x2: {  	[smem:$0x3F8B] =	sst lr;
	_ =	strace $0xD0000000  }
0x3: {  	_ = 	snop  }
0x4: {  	_ = 	snop  }
0x5: {  	_ = 	snop  }
0x6: {  	_ = 	snop  }
0x7: {  	_ = 	snop  }
__scs_overlays_trampoline_lowered:
0x8: {  	[smem:$0x3F9A] =	sst s0  }
0x9: {  	[smem:$0x3F9B] =	sst s1  }
0xa: {  	[smem:$0x3F9C] =	sst s2  }
0xb: {  	[smem:$0x3F9D] =	sst s3  }
0xc: {  	[smem:$0x3F9E] =	sst s4  }
0xd: {  	[smem:$0x3F9F] =	sst s5  }
0xe: {  	[smem:$0x3FA0] =	sst s6  }
0xf: {  	[smem:$0x3FA1] =	sst s7  }
0x10: {  	[smem:$0x3FA2] =	sst s8  }
0x11: {  	[smem:$0x3FA3] =	sst s9;
	s0 =	simm.s32 @!p0 $0x0  }
0x12: {  	s1 =	sld [smem:$0x3F89];
	s0 =	simm.s32 @p0 $0x1  }
0x13: {  	[smem:$0x3FA4] =	sst s0;
	s0 =	simm.s32 @!p1 $0x0  }
0x14: {  	s2 =	sld [smem:$0x3F88];
	s0 =	simm.s32 @p1 $0x1  }
0x15: {  	[smem:$0x3FA5] =	sst s0;
	s0 =	simm.s32 @!p2 $0x0  }
0x16: {  	s3 =	sld [smem:$0x3FDB];
	s0 =	simm.s32 @p2 $0x1  }
0x17: {  	s4 =	simm.s32 $0x1BF5;
	[smem:$0x3FA7] =	sst s0  }
0x18: {  	s0 =	sld [smem:$0x3F8A];
	_ =	swait.ge [sflag:s4], $0x0  }
0x19: {  	s7 =	sld [smem:$0x3F8B]  }
0x1a: {  	s8 =	sadd.s32 $0xFFFFE003, lr  }
0x1b: {  	s9 =	sadd.s32 $0xFFFFFEF7, lr;
	s5 =	simm.s32 $0xFFFFFFFF;
	p2 =	slt.u32 s8, $0xFFFFF086  }
0x1c: {  	p1 =	slt.u32 s9, $0xF7A;
	s5 =	simm.s32 @!p2 $0x0  }
0x1d: {  	s5 =	simm.s32 @p1 $0x1;
	p0 =	seq.s32 s7, s2  }
0x1e: {  	s7 =	smul.u32 @!p0 $0xF7A, s2;
	p2 =	seq.s32 @!p0 s5, $0x0  }
0x1f: {  	s9 =	smul.u32 $0xF7A, s1;
	s8 =	simm.s32 @!p0 $0x1BF5;
	p2 =	por !p2, p0  }
0x20: {  	[sflag:s8] =	ssyncset.s32 @!p0 $0xFFFFF086;
	s6 =	sadd.s32 @!p0 s3, s7;
	s7 =	simm.s32 @!p0 $0x108  }
0x21: {  	s3 =	sadd.s32 s3, s9;
	s6 =	sadd.s32 @!p0 $0x88, s6;
	s7 =	simm.s32 @p2 $0x1082  }
0x22: {  	[simem:s7], [sflag:s8] =	dma.local @!p0 [hbm:s6], $0xF7A  }
0x23: {  	s9 =	sor.u32 $0xD0000000, s2;
	s6 =	simm.s32 $0x108;
	_ =	swait.ge @!p0 [sflag:s8], $0x0  }
0x24: {  	s3 =	sadd.s32 $0x88, s3;
	s6 =	simm.s32 @!p1 $0x1082;
	[sflag:s4] =	ssyncset.s32 $0xFFFFF086  }
0x25: {  	[simem:s6], [sflag:s4] =	dma.local [hbm:s3], $0xF7A  }
0x26: {  	[smem:$0x3F8B] =	sst s1;
	(tag) =	ssettag s2;
	_ =	strace s9  }
0x27: {  	s1 =	sld [smem:$0x3F9B]  }
0x28: {  	s2 =	sld [smem:$0x3F9C]  }
0x29: {  	s4 =	sld [smem:$0x3F9E]  }
0x2a: {  	p0 =	seq.s32 s5, $0x0;
	s5 =	sld [smem:$0x3F9F]  }
0x2b: {  	s6 =	sld [smem:$0x3FA0]  }
0x2c: {  	s7 =	sld [smem:$0x3FA1]  }
0x2d: {  	s3 =	simm.s32 $0x108;
	s8 =	sld [smem:$0x3FA2]  }
0x2e: {  	s3 =	simm.s32 @!p0 $0x1082;
	s9 =	sld [smem:$0x3FA3]  }
0x2f: {  	lr =	sadd.s32 s0, s3;
	s0 =	sld [smem:$0x3F9A]  }
0x30: {  	s3 =	sld [smem:$0x3F9D]  }
0x31: {  	[smem:$0x3FA6] =	sst s10  }
0x32: {  	s10 =	sld [smem:$0x3FA4];
	_ =	sdelay $0x3  }
0x33: {  	p0 =	seq.s32 s10, $0x1;
	s10 =	sld [smem:$0x3FA6];
	_ =	sdelay $0x3  }
0x34: {  	[smem:$0x3FA6] =	sst s10  }
0x35: {  	s10 =	sld [smem:$0x3FA5];
	_ =	sdelay $0x3  }
0x36: {  	p1 =	seq.s32 s10, $0x1;
	s10 =	sld [smem:$0x3FA6];
	_ =	sdelay $0x3  }
0x37: {  	[smem:$0x3FA6] =	sst s10  }
0x38: {  	s10 =	sld [smem:$0x3FA7]  }
0x39: {  	_ = 	snop;
	(pc) =	sbr.ind lr, $3  }
0x3a: {  	_ = 	snop  }
0x3b: {  	_ = 	snop  }
0x3c: {  	p2 =	seq.s32 s10, $0x1;
	s10 =	sld [smem:$0x3FA6]  }
0x3d: {  	_ =	shalt  }
0x3e: {  	_ =	shalt  }
0x3f: {  	_ =	shalt  }
0x40: {  	_ =	shalt  }
0x41: {  	_ =	shalt  }
0x42: {  	_ =	shalt  }
0x43: {  	_ =	shalt  }
0x44: {  	_ =	shalt  }
0x45: {  	_ =	shalt  }
0x46: {  	_ =	shalt  }
0x47: {  	_ =	shalt  }
0x48: {  	_ =	shalt  }
0x49: {  	_ =	shalt  }
0x4a: {  	_ =	shalt  }
0x4b: {  	_ =	shalt  }
0x4c: {  	_ =	shalt  }
0x4d: {  	_ =	shalt  }
0x4e: {  	_ =	shalt  }
0x4f: {  	_ =	shalt  }
0x50: {  	_ =	shalt  }
0x51: {  	_ =	shalt  }
0x52: {  	_ =	shalt  }
0x53: {  	_ =	shalt  }
0x54: {  	_ =	shalt  }
0x55: {  	_ =	shalt  }
0x56: {  	_ =	shalt  }
0x57: {  	_ =	shalt  }
0x58: {  	_ =	shalt  }
0x59: {  	_ =	shalt  }
0x5a: {  	_ =	shalt  }
0x5b: {  	_ =	shalt  }
0x5c: {  	_ =	shalt  }
0x5d: {  	_ =	shalt  }
0x5e: {  	_ =	shalt  }
0x5f: {  	_ =	shalt  }
0x60: {  	_ =	shalt  }
0x61: {  	_ =	shalt  }
0x62: {  	_ =	shalt  }
0x63: {  	_ =	shalt  }
0x64: {  	_ =	shalt  }
0x65: {  	_ =	shalt  }
0x66: {  	_ =	shalt  }
0x67: {  	_ =	shalt  }
0x68: {  	_ =	shalt  }
0x69: {  	_ =	shalt  }
0x6a: {  	_ =	shalt  }
0x6b: {  	_ =	shalt  }
0x6c: {  	_ =	shalt  }
0x6d: {  	_ =	shalt  }
0x6e: {  	_ =	shalt  }
0x6f: {  	_ =	shalt  }
0x70: {  	_ =	shalt  }
0x71: {  	_ =	shalt  }
0x72: {  	_ =	shalt  }
0x73: {  	_ =	shalt  }
0x74: {  	_ =	shalt  }
0x75: {  	_ =	shalt  }
0x76: {  	_ =	shalt  }
0x77: {  	_ =	shalt  }
0x78: {  	_ =	shalt  }
0x79: {  	_ =	shalt  }
0x7a: {  	_ =	shalt  }
0x7b: {  	_ =	shalt  }
0x7c: {  	_ =	shalt  }
0x7d: {  	_ =	shalt  }
0x7e: {  	_ =	shalt  }
0x7f: {  	_ =	shalt  }
0x80: {  	_ =	shalt  }
0x81: {  	_ =	shalt  }
0x82: {  	_ =	shalt  }
0x83: {  	_ =	shalt  }
0x84: {  	_ =	shalt  }
0x85: {  	_ =	shalt  }
0x86: {  	_ =	shalt  }
0x87: {  	_ =	shalt  }
.Lfunc_end0:
.L_simem_size_0:
called_computation.4_lowered:
.L_overlay_start_0:
0x88: {  	s2 =	sld [smem:$0x3FD9]  }
0x89: {  	s3 =	sld [smem:$0x3FFE];
	_ =	sdelay $0x1  }
0x8a: {  	s1 =	srdreg.scid  }
0x8b: {  	s0 =	sand.u32 $0x1, s1  }
0x8c: {  	s17 =	sshll.u32 s0, $0xA;
	s2 =	sadd.s32 s3, s2  }
0x8d: {  	s2 =	sadd.s32 s2, s17  }
0x8e: {  	[smem:$0x3FB2] =	sst s2  }
0x8f: {  	_ = 	snop  }
0x90: {  	s2 =	sld [smem:$0x3FD0];
	(tm) =	ssettm $0x1  }
0x91: {  	s18 =	sld [smem:$0x3FFB];
	_ =	sdelay $0x3  }
0x92: {  	_ =	strace s18  }
0x93: {  	s3 =	sld [smem:$0x3FFC];
	_ =	sdelay $0x3  }
0x94: {  	_ =	strace s3  }
0x95: {  	s3 =	sld [smem:$0x3FFD];
	_ =	sdelay $0x3  }
0x96: {  	_ =	strace s3  }
0x97: {  	_ =	strace $0x8FFFFFFF  }
0x98: {  	s19 =	sld [smem:$0x3FDB];
	_ =	sdelay $0x1  }
0x99: {  	s4 =	simm.s32 $_scs_section_size  }
0x9a: {  	s5 =	simm.s32 $_size__tile_overlayer_lowered;
	s6 =	simm.s32 $_tile_overlayer_lowered  }
0x9b: {  	s22 =	simm.s32 $0x1BFF;
	s21 =	sshll.u32 s6, $0x1;
	s3 =	sadd.s32 s4, s19  }
0x9c: {  	s7 =	simm.s32 $0x0;
	s20 =	sshll.u32 s5, $0x1;
	s5 =	sadd.s32 s21, s3  }
0x9d: {  	[timem:s7], [sflag:s22] =	dma.local [hbm:s5], s20  }
0x9e: {  	_ =	swait.ge [sflag:s22], s20  }
0x9f: {  	s4 =	ssub.s32 $0x0, s20;
	[sflag:s22] =	ssyncset.done $0x0  }
0xa0: {  	[sflag:s22] =	ssyncadd.s32 s4;
	_ =	sdelay $0x1  }
0xa1: {  	s23 =	simm.s32 $0x1B8B  }
0xa2: {  	_ =	swait.ge [sflag:s23], $0x1  }
0xa3: {  	[sflag:s23] =	ssyncset.done $0x0  }
0xa4: {  	s25 =	simm.s32 $0x1B8E;
	s24 =	sld [smem:$0x3FFE];
	[sflag:s23] =	ssyncadd.s32 $0xFFFFFFFF  }
0xa5: {  	s26 =	simm.s32 $execute0_lowered;
	[smem:$0x3FD2] =	sst s25  }
0xa6: {  	s5 =	sshll.u32 s26, $0x1;
	_ =	strace $0x80000052;
	[dreg:$0x1] =	wrdreg $0xFFFFFFFF  }
0xa7: {  	s28 =	simm.s32 $_size_execute0_lowered;
	s3 =	sadd.s32 s3, s5;
	[dreg:$0x0] =	wrdreg $0x0  }
0xa8: {  	s5 =	sshll.u32 s28, $0x1;
	[dreg:$0x2] =	wrdreg s3  }
0xa9: {  	[dreg:$0x3] =	wrdreg s5  }
0xaa: {  	[dreg:$0x4] =	wrdreg $0xC0  }
0xab: {  	_ =	task [dreg:s7], $0x5FFFF  }
0xac: {  	[dreg:$0x1] =	wrdreg $0xFFFFFFFF  }
0xad: {  	[dreg:$0x0] =	wrdreg $0x60  }
0xae: {  	[dreg:$0x2] =	wrdreg s24  }
0xaf: {  	[dreg:$0x3] =	wrdreg s2  }
0xb0: {  	[dreg:$0x4] =	wrdreg $0xA8000  }
0xb1: {  	[dreg:$0x5] =	wrdreg $0x9  }
0xb2: {  	_ =	task.clear_ibuf [dreg:s7], $0x6FFFF;
	_ =	strace $0x90000052  }
0xb3: {  	s29 =	simm.s32 $0x9;
	_ =	strace $0x80000054  }
0xb4: {  	_ =	swait.ge [sflag:s29], $0x1  }
0xb5: {  	[sflag:s29] =	ssyncadd.s32 $0xFFFFFFFF  }
0xb6: {  	_ =	strace $0x90000054  }
0xb7: {  	_ =	sfence  }
0xb8: {  	s30 =	sld [smem:$0x0];
	_ =	sdelay $0x2  }
0xb9: {  	s31 =	sshll.u32 s1, $0xD;
	s1 =	sshrl.u32 s1, $0x2  }
0xba: {  	s3 =	sand.u32 $0x4000, s31;
	s1 =	sadd.s32 s1, s30  }
0xbb: {  	s0 =	sor.u32 s3, s0;
	s1 =	sshll.u32 s1, $0x11  }
0xbc: {  	s0 =	sor.u32 s1, s0  }
0xbd: {  	s0 =	sadd.s32 $0x8F2B, s0  }
0xbe: {  	[sflag:s0] =	ssyncadd.remote.s32 $0x1  }
0xbf: {  	_ =	sfence.sel $0xFFFF  }
0xc0: {  	[dreg:$0x0] =	wrdreg $0xFFFFFFFF;
	(pc) =	sbr.abs _section_cstart, $3  }
0xc1: {  	[dreg:$0x1] =	wrdreg $0xFFFFFFFF  }
0xc2: {  	_ =	task.clear_ibuf [dreg:s7], $0x2FFFF;
	_ =	strace $0x9FFFFFFF  }
0xc3: {  	(tm) =	ssettm $0x7FFFFFFF  }
tec
execute0_lowered:
.L_overlay_start_1:
0x0: {  	(tag) =	ssettag $0x1  }
0x1: {  	s8 =	rddreg [dreg:$0x0]  }
0x2: {  	s1 =	rddreg [dreg:$0x1]  }
0x3: {  	s2 =	rddreg [dreg:$0x2]  }
0x4: {  	s0 =	rddreg [dreg:$0x3];
	s3 =	simm.s32 $0x0;
	s6 =	srdreg.scid  }
0x5: {  	s4 =	stileid.u32;
	s14 =	simm.s32 $0x4000;
	s17 =	simm.s32 $0x50  }
0x6: {  	s18 =	simm.s32 $0x8000;
	s19 =	simm.s32 $0x0;
	[smem:$0x7FF] =	sst s3  }
0x7: {  	s5 =	sadd.s32 $0x44400, s8;
	s11 =	sand.u32 $0x1, s6;
	s6 =	sadd.s32 $0x6B600, s8  }
0x8: {  	s7 =	sshll.u32 s4, $0xB;
	s13 =	smul.u32 $0x50000, s4;
	s15 =	sshll.u32 s4, $0x6  }
0x9: {  	_ =	strace $0x80000053;
	s9 =	ssub.s32 $0x2, s11;
	s10 =	sadd.s32 s7, s8  }
.Ltmp0:
0xa: {  	s7 =	sadd.s32 $0x11C00, s8;
	s8 =	sadd.s32 $0x92800, s8;
	(pc) =	sbr.rel .LBB2_1-.Ltmp0, $4  }
0xb: {  	p0 =	seq.s32 s11, $0x1;
	s11 =	smul.u32 $0x2800, s4;
	s12 =	sshrl.u32 s9, $0x1  }
0xc: {  	s15 =	sor.u32 $0x1C01, s15;
	s13 =	sshrl.u32 s13, $0x2;
	s12 =	ssub.s32 s9, s12  }
0xd: {  	s9 =	sadd.s32 $0x3C400, s10;
	s10 =	sadd.s32 $0x9600, s10;
	s16 =	sadd.s32 s13, s2  }
0xe: {  	s13 =	simm.s32 $0x1;
	s12 =	smax.u32 s12, $0x1;
	s16 =	sshrl.u32 s16, $0x3  }
.LBB2_7:
0xf: {  	s20 =	sshra.s32 s20, $0x2;
	[sflag:s13] =	ssyncadd.s32 $0xFFFFD800  }
0x10: {  	[tilespmem:s18], [sflag:$0x1] =	stream.indirect.gather [hbm4b:s6+s17], $0x80, s20, s17, $0xb8;
	[tilespmem:$0x1E800] =	vst v63  }
0x11: {  	_ =	swait.ge [sflag:s13], $0x2800  }
0x12: {  	[sflag:s13] =	ssyncset.done $0x0  }
0x13: {  	s20 =	sadd.s32 $0x4000, s20;
	[sflag:s13] =	ssyncadd.s32 $0xFFFFD800  }
0x14: {  	[spmem:s2] =	stream.indirect.scatter.add.f32 [tilespmem:s18], [sflag:$0x1], $0x80, s20, s17, $0xb8;
	[tilespmem:$0x1E800] =	vst v63  }
0x15: {  	_ =	swait.ge [sflag:s13], $0x2800  }
0x16: {  	[sflag:s13] =	ssyncset.done $0x0  }
0x17: {  	s20 =	smov.u32 s8;
	[sflag:s13] =	ssyncadd.s32 $0xFFFFD800  }
.LBB2_8:
0x18: {  	s19 =	sadd.s32 $0x1, s19  }
0x19: {  	p1 =	sne.s32 s19, s12  }
.Ltmp1:
0x1a: {  	s20 =	sadd.s32 s20, s11;
	[bflag:$0x0] =	sbarrier.arrive $0xFFFF;
	(pc) =	sbr.rel @!p1 .LBB2_9-.Ltmp1, $4  }
0x1b: {  	[hbm:s20], [sflag:s15] =	dma.local [spmem:s16], $0x2800  }
0x1c: {  	_ =	swait.ge [sflag:s13], $0x2800  }
0x1d: {  	[sflag:s13] =	ssyncset.done $0x0  }
0x1e: {  	[sflag:s13] =	ssyncadd.s32 $0xFFFFD800  }
.LBB2_1:
0x1f: {  	[tilespmem:s3], [sflag:$0x1] =	stream.linear.gather [hbm4b:s9+s3], $0x3E80, $0x38;
	[tilespmem:$0x1E800] =	vst v63  }
0x20: {  	_ =	swait.ge [sflag:s13], $0x3E80  }
0x21: {  	[sflag:s13] =	ssyncset.done $0x0  }
0x22: {  	[sflag:s13] =	ssyncadd.s32 $0xFFFFC180  }
0x23: {  	[tilespmem:s14], [sflag:$0x1] =	stream.linear.gather [hbm4b:s10+s3], $0x3E80, $0x38;
	[tilespmem:$0x1E800] =	vst v63  }
0x24: {  	_ =	swait.ge [sflag:s13], $0x3E80  }
0x25: {  	[sflag:s13] =	ssyncset.done $0x0  }
0x26: {  	[sflag:s13] =	ssyncadd.s32 $0xFFFFC180  }
0x27: {  	[spmem:s16], [sflag:s15] =	dma.local [hbm:s7], $0x2800  }
.Ltmp2:
0x28: {  	_ =	swait.ge [sflag:s13], $0x2800;
	(pc) =	sbr.rel @!p0 .LBB2_2-.Ltmp2, $4  }
0x29: {  	[sflag:s13] =	ssyncset.done $0x0  }
0x2a: {  	[sflag:s13] =	ssyncadd.s32 $0xFFFFD800  }
0x2b: {  	[bflag:$0x0] =	sbarrier.arrive $0xFFFF  }
0x2c: {  	s20 =	simm.s32 $0x0  }
0x2d: {  	[tilespmem:s18], [sflag:$0x1] =	stream.indirect.gather [hbm4b:s6+s17], $0x80, s20, s17, $0xb8;
	[tilespmem:$0x1E800] =	vst v63  }
0x2e: {  	_ =	swait.ge [sflag:s13], $0x2800  }
0x2f: {  	[sflag:s13] =	ssyncset.done $0x0  }
0x30: {  	s31 =	simm.s32 $0x4000;
	[sflag:s13] =	ssyncadd.s32 $0xFFFFD800  }
0x31: {  	[spmem:s2] =	stream.indirect.scatter.add.f32 [tilespmem:s18], [sflag:$0x1], $0x80, s31, s17, $0xb8;
	[tilespmem:$0x1E800] =	vst v63  }
0x32: {  	_ =	swait.ge [sflag:s13], $0x2800  }
0x33: {  	s20 =	simm.s32 $0x200;
	s21 =	simm.s32 $0x400;
	[sflag:s13] =	ssyncset.done $0x0  }
.LBB2_6:
0x34: {  	s22 =	sshra.s32 s20, $0x2  }
0x35: {  	[sflag:s13] =	ssyncadd.s32 $0xFFFFD800;
	s20 =	smov.u32 s21;
	s23 =	sadd.s32 $0x200, s21  }
0x36: {  	[tilespmem:s18], [sflag:$0x1] =	stream.indirect.gather [hbm4b:s6+s17], $0x80, s22, s17, $0xb8;
	[tilespmem:$0x1E800] =	vst v63  }
0x37: {  	p1 =	sne.s32 s21, $0xF800;
	_ =	swait.ge [sflag:s13], $0x2800  }
.Ltmp3:
0x38: {  	[sflag:s13] =	ssyncset.done $0x0;
	(pc) =	sbr.rel @p1 .LBB2_6-.Ltmp3, $4  }
0x39: {  	s21 =	sadd.s32 $0x4000, s22;
	[sflag:s13] =	ssyncadd.s32 $0xFFFFD800  }
0x3a: {  	[spmem:s2] =	stream.indirect.scatter.add.f32 [tilespmem:s18], [sflag:$0x1], $0x80, s21, s17, $0xb8;
	[tilespmem:$0x1E800] =	vst v63  }
0x3b: {  	_ =	swait.ge [sflag:s13], $0x2800  }
0x3c: {  	s21 =	smov.u32 s23;
	[sflag:s13] =	ssyncset.done $0x0  }
.Ltmp4:
0x3d: {  	_ = 	snop;
	(pc) =	sbr.rel .LBB2_7-.Ltmp4, $1  }
0x3e: {  	_ =	sdelay $0x3  }
.LBB2_2:
0x3f: {  	[tilespmem:s18], [sflag:$0x1] =	stream.indirect.gather [hbm4b:s5+s17], $0x80, s20, s17, $0xb8;
	[tilespmem:$0x1E800] =	vst v63  }
0x40: {  	_ =	swait.ge [sflag:s13], $0x2800  }
0x41: {  	[sflag:s13] =	ssyncset.done $0x0  }
0x42: {  	s31 =	simm.s32 $0x4000;
	[sflag:s13] =	ssyncadd.s32 $0xFFFFD800  }
0x43: {  	[spmem:s2] =	stream.indirect.scatter.add.f32 [tilespmem:s18], [sflag:$0x1], $0x80, s31, s17, $0xb8;
	[tilespmem:$0x1E800] =	vst v63  }
0x44: {  	_ =	swait.ge [sflag:s13], $0x2800  }
0x45: {  	s20 =	simm.s32 $0x200;
	s21 =	simm.s32 $0x400;
	[sflag:s13] =	ssyncset.done $0x0  }
.LBB2_3:
0x46: {  	s22 =	sshra.s32 s20, $0x2  }
0x47: {  	[sflag:s13] =	ssyncadd.s32 $0xFFFFD800;
	s20 =	smov.u32 s21;
	s23 =	sadd.s32 $0x200, s21  }
0x48: {  	[tilespmem:s18], [sflag:$0x1] =	stream.indirect.gather [hbm4b:s5+s17], $0x80, s22, s17, $0xb8;
	[tilespmem:$0x1E800] =	vst v63  }
0x49: {  	p1 =	seq.s32 s21, $0xF800;
	_ =	swait.ge [sflag:s13], $0x2800  }
.Ltmp5:
0x4a: {  	[sflag:s13] =	ssyncset.done $0x0;
	(pc) =	sbr.rel @!p1 .LBB2_3-.Ltmp5, $4  }
0x4b: {  	s21 =	sadd.s32 $0x4000, s22;
	[sflag:s13] =	ssyncadd.s32 $0xFFFFD800  }
0x4c: {  	[spmem:s2] =	stream.indirect.scatter.add.f32 [tilespmem:s18], [sflag:$0x1], $0x80, s21, s17, $0xb8;
	[tilespmem:$0x1E800] =	vst v63  }
0x4d: {  	_ =	swait.ge [sflag:s13], $0x2800  }
0x4e: {  	s21 =	smov.u32 s23;
	[sflag:s13] =	ssyncset.done $0x0  }
0x4f: {  	s20 =	sshra.s32 s20, $0x2;
	[sflag:s13] =	ssyncadd.s32 $0xFFFFD800  }
0x50: {  	[tilespmem:s18], [sflag:$0x1] =	stream.indirect.gather [hbm4b:s5+s17], $0x80, s20, s17, $0xb8;
	[tilespmem:$0x1E800] =	vst v63  }
0x51: {  	_ =	swait.ge [sflag:s13], $0x2800  }
0x52: {  	[sflag:s13] =	ssyncset.done $0x0  }
.Ltmp6:
0x53: {  	s20 =	sadd.s32 $0x4000, s20;
	[sflag:s13] =	ssyncadd.s32 $0xFFFFD800;
	(pc) =	sbr.rel .LBB2_8-.Ltmp6, $4  }
0x54: {  	[spmem:s2] =	stream.indirect.scatter.add.f32 [tilespmem:s18], [sflag:$0x1], $0x80, s20, s17, $0xb8;
	[tilespmem:$0x1E800] =	vst v63  }
0x55: {  	_ =	swait.ge [sflag:s13], $0x2800  }
0x56: {  	[sflag:s13] =	ssyncset.done $0x0  }
0x57: {  	s20 =	smov.u32 s1;
	[sflag:s13] =	ssyncadd.s32 $0xFFFFD800  }
.LBB2_9:
0x58: {  	_ =	sfence.sel $0x180000  }
0x59: {  	[bflag:$0x0] =	sbarrier.arrive $0xFFFF  }
0x5a: {  	p0 =	sne.s32 s4, $0x0;
	_ =	strace $0x90000053  }
0x5b: {  	s0 =	sadd.s32 @!p0 $0x100000, s0;
	[bflag:$0x2] =	sbarrier.arrive $0xFFFF  }
0x5c: {  	[sflag:s0] =	ssyncadd.tile.s32 @!p0 $0x1;
	_ =	shalt  }
.Lfunc_end2:
_tile_overlayer_lowered:
.L_overlay_start_2:
0x5d: {  	(tag) =	ssettag $0x2  }
0x5e: {  	s0 =	rddreg [dreg:$0x0];
	s2 =	stileid.u32  }
0x5f: {  	s1 =	rddreg [dreg:$0x1];
	p0 =	sne.s32 s2, $0x0  }
0x60: {  	s3 =	rddreg [dreg:$0x2];
	[bflag:$0x3] =	sbarrier.arrive $0xFFFF;
	s2 =	simm.s32 @!p0 $0x1C01  }
0x61: {  	[timem:s3], [sflag:s2] =	dma.local @!p0 [hbm:s0], s1  }
0x62: {  	s0 =	simm.s32 @!p0 $0x1  }
0x63: {  	_ =	swait.ge @!p0 [sflag:s0], s1  }
0x64: {  	s1 =	ssub.s32 @!p0 $0x0, s1;
	[sflag:s0] =	ssyncset.done @!p0 $0x0  }
0x65: {  	[sflag:s0] =	ssyncadd.s32 @!p0 s1  }
0x66: {  	[bflag:$0x3] =	sbarrier.arrive $0xFFFF  }
0x67: {  	_ =	shalt  }

</sc_bundles>
